<compile_context>
chip_gen: v7x
topology: tpu7x:2x2x1
jax: 0.10.2.dev20260603
libtpu: 0.0.44.dev20260713+nightly
codegen_flags: <defaults>
</compile_context>

<pallas_src>
import functools

import jax
import jax.numpy as jnp
from jax import lax
from jax.experimental import pallas as pl
from jax.experimental.pallas import tpu as pltpu
from jax.experimental.pallas import tpu_sc as plsc

N_NODES = 10000
D_HID = 128
D_OUT = 40
D_OUTP = 48
NC, NS = 2, 16
NW = NC * NS
K = 128
N_PAD = 10240
RPT = N_PAD // NS
E = 320000
C = 80
E_PAD = NW * C * K
BR = 5120
NBUF = 2
BC = 16
NBLK = C // BC


def _sc_mesh():
    return plsc.VectorSubcoreMesh(core_axis_name="c", subcore_axis_name="s")


def _degrees(src2, dst2, zeros1):

    @functools.partial(
        pl.kernel,
        out_type=jax.ShapeDtypeStruct((4 * N_PAD,), jnp.float32),
        mesh=_sc_mesh(),
        scratch_types=[
            pltpu.VMEM((C, K), jnp.int32),
            pltpu.VMEM((C, K), jnp.int32),
            pltpu.VMEM((K,), jnp.float32),
            pltpu.SemaphoreType.DMA((4,)),
            pltpu.VMEM_SHARED((N_PAD,), jnp.float32),
            pltpu.VMEM_SHARED((N_PAD,), jnp.float32),
        ],
    )
    def k(src_hbm, dst_hbm, z_hbm, out_hbm, idx_s, idx_d, ones_v, dsem,
          acc_o, acc_i):
        c = lax.axis_index("c")
        s = lax.axis_index("s")
        t = c * NS + s
        pltpu.sync_copy(src_hbm.at[pl.ds(t * C, C)], idx_s)
        pltpu.sync_copy(dst_hbm.at[pl.ds(t * C, C)], idx_d)
        for i in range(K // 16):
            ones_v[pl.ds(i * 16, 16)] = jnp.ones((16,), jnp.float32)
        pltpu.sync_copy(z_hbm, acc_o.at[pl.ds(s * RPT, RPT)])
        pltpu.sync_copy(z_hbm, acc_i.at[pl.ds(s * RPT, RPT)])
        plsc.subcore_barrier()

        def issue(j):
            b = lax.rem(j, 4)
            pltpu.async_copy(ones_v, acc_o.at[idx_s.at[j]], dsem.at[b],
                             add=True)
            pltpu.async_copy(ones_v, acc_i.at[idx_d.at[j]], dsem.at[b],
                             add=True)

        for j in range(3):
            issue(j)

        def body(j, carry):
            @pl.when(j + 3 < C)
            def _():
                issue(j + 3)

            b = lax.rem(j, 4)
            pltpu.make_async_copy(ones_v, acc_o.at[idx_s.at[0]],
                                  dsem.at[b]).wait()
            pltpu.make_async_copy(ones_v, acc_i.at[idx_d.at[0]],
                                  dsem.at[b]).wait()
            return carry

        lax.fori_loop(0, C, body, 0)
        plsc.subcore_barrier()
        pltpu.sync_copy(acc_o.at[pl.ds(s * RPT, RPT)],
                        out_hbm.at[pl.ds(c * N_PAD + s * RPT, RPT)])
        pltpu.sync_copy(acc_i.at[pl.ds(s * RPT, RPT)],
                        out_hbm.at[pl.ds((2 + c) * N_PAD + s * RPT, RPT)])

    return k(src2, dst2, zeros1)


def _propagate(xs, src2, dst2, zrows, d, sc_tiling=False):

    extra = {}
    if sc_tiling:
        extra["compiler_params"] = pltpu.CompilerParams(
            use_tc_tiling_on_sc=False)

    @functools.partial(
        pl.kernel,
        out_type=jax.ShapeDtypeStruct((2 * N_PAD, d), jnp.float32),
        mesh=_sc_mesh(),
        **extra,
        scratch_types=[
            pltpu.VMEM((2, BC, K), jnp.int32),
            pltpu.VMEM((2, BC, K), jnp.int32),
            pltpu.VMEM((NBUF, K, d), jnp.float32),
            pltpu.SemaphoreType.DMA((NBUF,)),
            pltpu.SemaphoreType.DMA((2,)),
            pltpu.VMEM_SHARED((N_PAD, d), jnp.float32),
        ],
    )
    def k(xs_hbm, src_hbm, dst_hbm, z_hbm, out_hbm, sidx, didx, buf, gsem,
          isem, acc):
        c = lax.axis_index("c")
        s = lax.axis_index("s")
        base = (c * NS + s) * C

        def load_idx_block(blk, slot):
            off = base + blk * BC
            pltpu.async_copy(src_hbm.at[pl.ds(off, BC)], sidx.at[slot],
                             isem.at[slot])
            pltpu.async_copy(dst_hbm.at[pl.ds(off, BC)], didx.at[slot],
                             isem.at[slot])

        def wait_idx_block(slot):
            pltpu.make_async_copy(src_hbm.at[pl.ds(base, BC)], sidx.at[slot],
                                  isem.at[slot]).wait()
            pltpu.make_async_copy(src_hbm.at[pl.ds(base, BC)], didx.at[slot],
                                  isem.at[slot]).wait()

        load_idx_block(0, 0)
        load_idx_block(1, 1)
        pltpu.sync_copy(z_hbm, acc.at[pl.ds(s * RPT, RPT)])
        wait_idx_block(0)
        pltpu.async_copy(xs_hbm.at[sidx.at[0, 0]], buf.at[0], gsem.at[0])
        plsc.subcore_barrier()

        def body(j, carry):
            blk = lax.div(j, BC)

            @pl.when(jnp.logical_and(lax.rem(j, BC) == 0,
                                     jnp.logical_and(blk >= 1,
                                                     blk + 1 < NBLK)))
            def _():
                load_idx_block(blk + 1, lax.rem(blk + 1, 2))

            jn = j + 1
            slot_n = lax.rem(lax.div(jn, BC), 2)

            @pl.when(jn < C)
            def _():
                @pl.when(lax.rem(jn, BC) == 0)
                def _():
                    wait_idx_block(slot_n)

                bn = lax.rem(jn, NBUF)
                pltpu.async_copy(xs_hbm.at[sidx.at[slot_n, lax.rem(jn, BC)]],
                                 buf.at[bn], gsem.at[bn])

            b = lax.rem(j, NBUF)
            slot = lax.rem(blk, 2)
            pltpu.make_async_copy(xs_hbm.at[pl.ds(0, K)], buf.at[b],
                                  gsem.at[b]).wait()
            pltpu.sync_copy(buf.at[b], acc.at[didx.at[slot, lax.rem(j, BC)]],
                            add=True)
            return carry

        lax.fori_loop(0, C, body, 0)
        plsc.subcore_barrier()
        pltpu.sync_copy(acc.at[pl.ds(s * RPT, RPT)],
                        out_hbm.at[pl.ds(c * N_PAD + s * RPT, RPT)])

    return k(xs, src2, dst2, zrows)


def _norms(dblk):
    ns = lax.rsqrt(jnp.maximum(dblk[:, 0] + dblk[:, 1], 1.0))
    nd = lax.rsqrt(jnp.maximum(dblk[:, 2] + dblk[:, 3], 1.0))
    return ns, nd


def _tc_prelude(feats_p, degs_t):

    def body(f_ref, d_ref, o_ref):
        ns, _ = _norms(d_ref[...])
        o_ref[...] = f_ref[...] * ns[:, None]

    return pl.pallas_call(
        body,
        grid=(N_PAD // BR,),
        in_specs=[pl.BlockSpec((BR, D_HID), lambda i: (i, 0)),
                  pl.BlockSpec((BR, 4), lambda i: (i, 0))],
        out_specs=pl.BlockSpec((BR, D_HID), lambda i: (i, 0)),
        out_shape=jax.ShapeDtypeStruct((N_PAD, D_HID), jnp.float32),
    )(feats_p, degs_t)


def _tc_layer(parts, degs_t, W, b2d):

    def body(a0, a1, d_ref, w_ref, b_ref, o_ref):
        ns, nd = _norms(d_ref[...])
        agg = (a0[...] + a1[...]) * nd[:, None]
        h = jnp.dot(agg, w_ref[...], preferred_element_type=jnp.float32)
        h = jnp.maximum(h + b_ref[...], 0.0)
        o_ref[...] = h * ns[:, None]

    nblk = N_PAD // BR
    return pl.pallas_call(
        body,
        grid=(nblk,),
        in_specs=[pl.BlockSpec((BR, D_HID), lambda i: (i, 0)),
                  pl.BlockSpec((BR, D_HID), lambda i: (i + nblk, 0)),
                  pl.BlockSpec((BR, 4), lambda i: (i, 0)),
                  pl.BlockSpec((D_HID, D_HID), lambda i: (0, 0)),
                  pl.BlockSpec((1, D_HID), lambda i: (0, 0))],
        out_specs=pl.BlockSpec((BR, D_HID), lambda i: (i, 0)),
        out_shape=jax.ShapeDtypeStruct((N_PAD, D_HID), jnp.float32),
    )(parts, parts, degs_t, W, b2d)


def _tc_layer_prior(parts, degs_t, W, b2d, W2p):

    def body(a0, a1, d_ref, w_ref, b_ref, w2_ref, prior_ref, g_ref):
        ns, nd = _norms(d_ref[...])
        agg = (a0[...] + a1[...]) * nd[:, None]
        h = jnp.dot(agg, w_ref[...], preferred_element_type=jnp.float32)
        h = jnp.maximum(h + b_ref[...], 0.0)
        prior_ref[...] = h
        g_ref[...] = jnp.dot(h * ns[:, None], w2_ref[...],
                             preferred_element_type=jnp.float32)

    nblk = N_PAD // BR
    return pl.pallas_call(
        body,
        grid=(nblk,),
        in_specs=[pl.BlockSpec((BR, D_HID), lambda i: (i, 0)),
                  pl.BlockSpec((BR, D_HID), lambda i: (i + nblk, 0)),
                  pl.BlockSpec((BR, 4), lambda i: (i, 0)),
                  pl.BlockSpec((D_HID, D_HID), lambda i: (0, 0)),
                  pl.BlockSpec((1, D_HID), lambda i: (0, 0)),
                  pl.BlockSpec((D_HID, D_OUTP), lambda i: (0, 0))],
        out_specs=[pl.BlockSpec((BR, D_HID), lambda i: (i, 0)),
                   pl.BlockSpec((BR, D_OUTP), lambda i: (i, 0))],
        out_shape=[jax.ShapeDtypeStruct((N_PAD, D_HID), jnp.float32),
                   jax.ShapeDtypeStruct((N_PAD, D_OUTP), jnp.float32)],
    )(parts, parts, degs_t, W, b2d, W2p)


def _tc_final(parts, degs_t, b2d):

    def body(a0, a1, d_ref, b_ref, o_ref):
        _, nd = _norms(d_ref[...])
        o_ref[...] = (a0[...] + a1[...]) * nd[:, None] + b_ref[...]

    nblk = N_PAD // BR
    return pl.pallas_call(
        body,
        grid=(nblk,),
        in_specs=[pl.BlockSpec((BR, D_OUTP), lambda i: (i, 0)),
                  pl.BlockSpec((BR, D_OUTP), lambda i: (i + nblk, 0)),
                  pl.BlockSpec((BR, 4), lambda i: (i, 0)),
                  pl.BlockSpec((1, D_OUTP), lambda i: (0, 0))],
        out_specs=pl.BlockSpec((BR, D_OUTP), lambda i: (i, 0)),
        out_shape=jax.ShapeDtypeStruct((N_PAD, D_OUTP), jnp.float32),
    )(parts, parts, degs_t, b2d)


def kernel(features, edge_index, W0, b0, W1, b1, W2, b2):
    src = edge_index[0]
    dst = edge_index[1]
    pad = N_NODES + jnp.arange(E_PAD - E, dtype=jnp.int32) % (N_PAD - N_NODES)
    src2 = jnp.concatenate([src, pad]).reshape(NW * C, K)
    dst2 = jnp.concatenate([dst, pad]).reshape(NW * C, K)

    feats_p = jnp.zeros((N_PAD, D_HID), jnp.float32).at[:N_NODES].set(features)
    zeros1 = jnp.zeros((RPT,), jnp.float32)
    zrows_h = jnp.zeros((RPT, D_HID), jnp.float32)
    zrows_o = jnp.zeros((RPT, D_OUTP), jnp.float32)
    W2p = jnp.zeros((D_HID, D_OUTP), jnp.float32).at[:, :D_OUT].set(W2)
    b0d = jnp.reshape(b0, (1, D_HID))
    b1d = jnp.reshape(b1, (1, D_HID))
    b2d = jnp.zeros((1, D_OUTP), jnp.float32).at[0, :D_OUT].set(b2)

    degs = _degrees(src2, dst2, zeros1)
    degs_t = degs.reshape(4, N_PAD).T

    xs0 = _tc_prelude(feats_p, degs_t)
    parts = _propagate(xs0, src2, dst2, zrows_h, D_HID)
    xs1 = _tc_layer(parts, degs_t, W0, b0d)
    parts = _propagate(xs1, src2, dst2, zrows_h, D_HID)
    xs2 = _tc_layer(parts, degs_t, W1, b1d)
    parts = _propagate(xs2, src2, dst2, zrows_h, D_HID)
    prior_p, g = _tc_layer_prior(parts, degs_t, W1, b1d, W2p)
    parts = _propagate(g, src2, dst2, zrows_o, D_OUTP, sc_tiling=True)
    out_p = _tc_final(parts, degs_t, b2d)

    return out_p[:N_NODES, :D_OUT], prior_p[:N_NODES]

# --- scband reference (transcript-rebuilt; emitter-appended) ---
"""Pipeline reference for scband-gcn-student-11003706212774 (READ-ONLY COPY).

The authoritative reference and input builder live on the scoring server;
editing this copy changes nothing except your own understanding.
"""

import jax, jax.numpy as jnp
import numpy as np

N = 10000
E = 320000
IN_FEATS = 128
N_HIDDEN = 128
N_CLASSES = 40
T_LAYERS = 2


def setup_inputs(seed: int = 0) -> dict:
    key = jax.random.key(seed)
    ks = jax.random.split(key, 8)
    features = jax.random.normal(ks[0], (N, IN_FEATS), dtype=jnp.float32)
    edge_index = jax.random.randint(ks[1], (2, E), 0, N, dtype=jnp.int32)
    # GraphConv weights (DGL uses xavier init; scaled normal is a faithful stand-in)
    W0 = jax.random.normal(ks[2], (IN_FEATS, N_HIDDEN), dtype=jnp.float32) * (1.0 / np.sqrt(IN_FEATS))
    b0 = jnp.zeros((N_HIDDEN,), dtype=jnp.float32)
    W1 = jax.random.normal(ks[3], (N_HIDDEN, N_HIDDEN), dtype=jnp.float32) * (1.0 / np.sqrt(N_HIDDEN))
    b1 = jnp.zeros((N_HIDDEN,), dtype=jnp.float32)
    W2 = jax.random.normal(ks[4], (N_HIDDEN, N_CLASSES), dtype=jnp.float32) * (1.0 / np.sqrt(N_HIDDEN))
    b2 = jnp.zeros((N_CLASSES,), dtype=jnp.float32)
    return {"features": features, "edge_index": edge_index,
            "W0": W0, "b0": b0, "W1": W1, "b1": b1, "W2": W2, "b2": b2}


def _graph_conv(x, W, b, src, dst, n, apply_relu):
    # DGL GraphConv with norm='both': D_out^{-1/2} applied to src feats,
    # copy_u/sum aggregation, D_in^{-1/2} applied to result, then bias (+act).
    ones = jnp.ones((src.shape[0],), dtype=x.dtype)
    deg_out = jax.ops.segment_sum(ones, src, num_segments=n)
    deg_in = jax.ops.segment_sum(ones, dst, num_segments=n)
    norm_src = jnp.clip(deg_out, 1.0, None) ** -0.5
    norm_dst = jnp.clip(deg_in, 1.0, None) ** -0.5
    h = x * norm_src[:, None]
    h = h @ W  # weight applied pre-aggregation (in_feats >= out_feats path)
    agg = jax.ops.segment_sum(h[src], dst, num_segments=n)
    h = agg * norm_dst[:, None] + b
    if apply_relu:
        h = jax.nn.relu(h)
    return h


def reference(features, edge_index, W0, b0, W1, b1, W2, b2):
    src = edge_index[0]
    dst = edge_index[1]
    h = _graph_conv(features, W0, b0, src, dst, N, True)
    # dropout is identity in eval mode
    for _ in range(T_LAYERS):
        h = _graph_conv(h, W1, b1, src, dst, N, True)
    prior = h
    h = _graph_conv(h, W2, b2, src, dst, N, False)
    return (h, prior)

if __name__ == "__main__":
    import jax
    _d = setup_inputs()
    print(jax.jit(kernel)(*tuple(_d.values())))

</pallas_src>

<mosaic_0001>
#map = affine_map<(d0, d1) -> (0, 0)>
module attributes {stable_mosaic.version = 14 : i64} {
  func.func @k(%arg0: i32, %arg1: i32, %arg2: memref<10240x128xf32, #tpu.memory_space<hbm>>, %arg3: memref<2560x128xi32, #tpu.memory_space<hbm>>, %arg4: memref<2560x128xi32, #tpu.memory_space<hbm>>, %arg5: memref<640x128xf32, #tpu.memory_space<hbm>>, %arg6: memref<20480x128xf32, #tpu.memory_space<hbm>>, %arg7: memref<2x16x128xi32, #tpu.memory_space<vmem>>, %arg8: memref<2x16x128xi32, #tpu.memory_space<vmem>>, %arg9: memref<2x128x128xf32, #tpu.memory_space<vmem>>, %arg10: memref<2x!tpu.dma_semaphore, #tpu.memory_space<semaphore_mem>>, %arg11: memref<2x!tpu.dma_semaphore, #tpu.memory_space<semaphore_mem>>, %arg12: memref<10240x128xf32, #tpu.memory_space<vmem_shared>>) attributes {dimension_semantics = [#tpu.dimension_semantics<core_parallel>, #tpu.dimension_semantics<subcore_parallel>], iteration_bounds = array<i64: 2, 16>, scalar_prefetch = 0 : i64, scratch_operands = 6 : i64, tpu.core_type = #tpu.core_type<sc_vector_subcore>, window_params = [{transform_indices = #map}, {transform_indices = #map}, {transform_indices = #map}, {transform_indices = #map}, {transform_indices = #map}]} {
    %mul3A = arith.constant 16 : i32
    %mul3A_0 = arith.muli %arg0, %mul3A : i32
    %add3A = arith.addi %mul3A_0, %arg1 : i32
    %mul3A_1 = arith.constant 80 : i32
    %mul3A_2 = arith.muli %add3A, %mul3A_1 : i32
    %add3A_3 = arith.constant 0 : i32
    %add3A_4 = arith.addi %mul3A_2, %add3A_3 : i32
    %dma_start3A = arith.constant 0 : i32
    %dma_start3A_5 = arith.constant 0 : i32
    %dma_start3A_6 = arith.constant 0 : i32
    %dma_start3A_7 = arith.constant 0 : i32
    %dma_start3A_8 = tpu.memref_slice %arg7[%dma_start3A, %dma_start3A_6, %dma_start3A_7] : memref<2x16x128xi32, #tpu.memory_space<vmem>> -> memref<1x16x128xi32, #tpu.memory_space<vmem>>
    %dma_start3A_9 = tpu.memref_squeeze %dma_start3A_8 : memref<1x16x128xi32, #tpu.memory_space<vmem>> -> memref<16x128xi32, #tpu.memory_space<vmem>>
    %dma_start3A_10 = arith.constant 0 : i32
    %dma_start3A_11 = tpu.memref_slice %arg3[%add3A_4, %dma_start3A_10] : memref<2560x128xi32, #tpu.memory_space<hbm>> -> memref<16x128xi32, #tpu.memory_space<hbm>>
    %dma_start3A_12 = tpu.memref_slice %arg11[%dma_start3A_5] : memref<2x!tpu.dma_semaphore, #tpu.memory_space<semaphore_mem>> -> memref<1x!tpu.dma_semaphore, #tpu.memory_space<semaphore_mem>>
    %dma_start3A_13 = tpu.memref_squeeze %dma_start3A_12 : memref<1x!tpu.dma_semaphore, #tpu.memory_space<semaphore_mem>> -> memref<!tpu.dma_semaphore, #tpu.memory_space<semaphore_mem>>
    %dma_start3A_14 = arith.constant 0 : i32
    %dma_start3A_15 = arith.constant 0 : i32
    %dma_start3A_16 = tpu.memref_slice %arg7[%dma_start3A, %dma_start3A_14, %dma_start3A_15] : memref<2x16x128xi32, #tpu.memory_space<vmem>> -> memref<1x16x128xi32, #tpu.memory_space<vmem>>
    %dma_start3A_17 = tpu.memref_squeeze %dma_start3A_16 : memref<1x16x128xi32, #tpu.memory_space<vmem>> -> memref<16x128xi32, #tpu.memory_space<vmem>>
    %dma_start3A_18 = arith.constant 0 : i32
    %dma_start3A_19 = tpu.memref_slice %arg3[%add3A_4, %dma_start3A_18] : memref<2560x128xi32, #tpu.memory_space<hbm>> -> memref<16x128xi32, #tpu.memory_space<hbm>>
    tpu.enqueue_dma source(%dma_start3A_19 : memref<16x128xi32, #tpu.memory_space<hbm>>) target(%dma_start3A_17 : memref<16x128xi32, #tpu.memory_space<vmem>>) target_semaphore(%dma_start3A_13 : memref<!tpu.dma_semaphore, #tpu.memory_space<semaphore_mem>>)
    %dma_start3A_20 = arith.constant 0 : i32
    %dma_start3A_21 = arith.constant 0 : i32
    %dma_start3A_22 = arith.constant 0 : i32
    %dma_start3A_23 = arith.constant 0 : i32
    %dma_start3A_24 = tpu.memref_slice %arg8[%dma_start3A_20, %dma_start3A_22, %dma_start3A_23] : memref<2x16x128xi32, #tpu.memory_space<vmem>> -> memref<1x16x128xi32, #tpu.memory_space<vmem>>
    %dma_start3A_25 = tpu.memref_squeeze %dma_start3A_24 : memref<1x16x128xi32, #tpu.memory_space<vmem>> -> memref<16x128xi32, #tpu.memory_space<vmem>>
    %dma_start3A_26 = arith.constant 0 : i32
    %dma_start3A_27 = tpu.memref_slice %arg4[%add3A_4, %dma_start3A_26] : memref<2560x128xi32, #tpu.memory_space<hbm>> -> memref<16x128xi32, #tpu.memory_space<hbm>>
    %dma_start3A_28 = tpu.memref_slice %arg11[%dma_start3A_21] : memref<2x!tpu.dma_semaphore, #tpu.memory_space<semaphore_mem>> -> memref<1x!tpu.dma_semaphore, #tpu.memory_space<semaphore_mem>>
    %dma_start3A_29 = tpu.memref_squeeze %dma_start3A_28 : memref<1x!tpu.dma_semaphore, #tpu.memory_space<semaphore_mem>> -> memref<!tpu.dma_semaphore, #tpu.memory_space<semaphore_mem>>
    %dma_start3A_30 = arith.constant 0 : i32
    %dma_start3A_31 = arith.constant 0 : i32
    %dma_start3A_32 = tpu.memref_slice %arg8[%dma_start3A_20, %dma_start3A_30, %dma_start3A_31] : memref<2x16x128xi32, #tpu.memory_space<vmem>> -> memref<1x16x128xi32, #tpu.memory_space<vmem>>
    %dma_start3A_33 = tpu.memref_squeeze %dma_start3A_32 : memref<1x16x128xi32, #tpu.memory_space<vmem>> -> memref<16x128xi32, #tpu.memory_space<vmem>>
    %dma_start3A_34 = arith.constant 0 : i32
    %dma_start3A_35 = tpu.memref_slice %arg4[%add3A_4, %dma_start3A_34] : memref<2560x128xi32, #tpu.memory_space<hbm>> -> memref<16x128xi32, #tpu.memory_space<hbm>>
    tpu.enqueue_dma source(%dma_start3A_35 : memref<16x128xi32, #tpu.memory_space<hbm>>) target(%dma_start3A_33 : memref<16x128xi32, #tpu.memory_space<vmem>>) target_semaphore(%dma_start3A_29 : memref<!tpu.dma_semaphore, #tpu.memory_space<semaphore_mem>>)
    %add3A_36 = arith.constant 16 : i32
    %add3A_37 = arith.addi %mul3A_2, %add3A_36 : i32
    %dma_start3A_38 = arith.constant 1 : i32
    %dma_start3A_39 = arith.constant 1 : i32
    %dma_start3A_40 = arith.constant 0 : i32
    %dma_start3A_41 = arith.constant 0 : i32
    %dma_start3A_42 = tpu.memref_slice %arg7[%dma_start3A_38, %dma_start3A_40, %dma_start3A_41] : memref<2x16x128xi32, #tpu.memory_space<vmem>> -> memref<1x16x128xi32, #tpu.memory_space<vmem>>
    %dma_start3A_43 = tpu.memref_squeeze %dma_start3A_42 : memref<1x16x128xi32, #tpu.memory_space<vmem>> -> memref<16x128xi32, #tpu.memory_space<vmem>>
    %dma_start3A_44 = arith.constant 0 : i32
    %dma_start3A_45 = tpu.memref_slice %arg3[%add3A_37, %dma_start3A_44] : memref<2560x128xi32, #tpu.memory_space<hbm>> -> memref<16x128xi32, #tpu.memory_space<hbm>>
    %dma_start3A_46 = tpu.memref_slice %arg11[%dma_start3A_39] : memref<2x!tpu.dma_semaphore, #tpu.memory_space<semaphore_mem>> -> memref<1x!tpu.dma_semaphore, #tpu.memory_space<semaphore_mem>>
    %dma_start3A_47 = tpu.memref_squeeze %dma_start3A_46 : memref<1x!tpu.dma_semaphore, #tpu.memory_space<semaphore_mem>> -> memref<!tpu.dma_semaphore, #tpu.memory_space<semaphore_mem>>
    %dma_start3A_48 = arith.constant 0 : i32
    %dma_start3A_49 = arith.constant 0 : i32
    %dma_start3A_50 = tpu.memref_slice %arg7[%dma_start3A_38, %dma_start3A_48, %dma_start3A_49] : memref<2x16x128xi32, #tpu.memory_space<vmem>> -> memref<1x16x128xi32, #tpu.memory_space<vmem>>
    %dma_start3A_51 = tpu.memref_squeeze %dma_start3A_50 : memref<1x16x128xi32, #tpu.memory_space<vmem>> -> memref<16x128xi32, #tpu.memory_space<vmem>>
    %dma_start3A_52 = arith.constant 0 : i32
    %dma_start3A_53 = tpu.memref_slice %arg3[%add3A_37, %dma_start3A_52] : memref<2560x128xi32, #tpu.memory_space<hbm>> -> memref<16x128xi32, #tpu.memory_space<hbm>>
    tpu.enqueue_dma source(%dma_start3A_53 : memref<16x128xi32, #tpu.memory_space<hbm>>) target(%dma_start3A_51 : memref<16x128xi32, #tpu.memory_space<vmem>>) target_semaphore(%dma_start3A_47 : memref<!tpu.dma_semaphore, #tpu.memory_space<semaphore_mem>>)
    %dma_start3A_54 = arith.constant 1 : i32
    %dma_start3A_55 = arith.constant 1 : i32
    %dma_start3A_56 = arith.constant 0 : i32
    %dma_start3A_57 = arith.constant 0 : i32
    %dma_start3A_58 = tpu.memref_slice %arg8[%dma_start3A_54, %dma_start3A_56, %dma_start3A_57] : memref<2x16x128xi32, #tpu.memory_space<vmem>> -> memref<1x16x128xi32, #tpu.memory_space<vmem>>
    %dma_start3A_59 = tpu.memref_squeeze %dma_start3A_58 : memref<1x16x128xi32, #tpu.memory_space<vmem>> -> memref<16x128xi32, #tpu.memory_space<vmem>>
    %dma_start3A_60 = arith.constant 0 : i32
    %dma_start3A_61 = tpu.memref_slice %arg4[%add3A_37, %dma_start3A_60] : memref<2560x128xi32, #tpu.memory_space<hbm>> -> memref<16x128xi32, #tpu.memory_space<hbm>>
    %dma_start3A_62 = tpu.memref_slice %arg11[%dma_start3A_55] : memref<2x!tpu.dma_semaphore, #tpu.memory_space<semaphore_mem>> -> memref<1x!tpu.dma_semaphore, #tpu.memory_space<semaphore_mem>>
    %dma_start3A_63 = tpu.memref_squeeze %dma_start3A_62 : memref<1x!tpu.dma_semaphore, #tpu.memory_space<semaphore_mem>> -> memref<!tpu.dma_semaphore, #tpu.memory_space<semaphore_mem>>
    %dma_start3A_64 = arith.constant 0 : i32
    %dma_start3A_65 = arith.constant 0 : i32
    %dma_start3A_66 = tpu.memref_slice %arg8[%dma_start3A_54, %dma_start3A_64, %dma_start3A_65] : memref<2x16x128xi32, #tpu.memory_space<vmem>> -> memref<1x16x128xi32, #tpu.memory_space<vmem>>
    %dma_start3A_67 = tpu.memref_squeeze %dma_start3A_66 : memref<1x16x128xi32, #tpu.memory_space<vmem>> -> memref<16x128xi32, #tpu.memory_space<vmem>>
    %dma_start3A_68 = arith.constant 0 : i32
    %dma_start3A_69 = tpu.memref_slice %arg4[%add3A_37, %dma_start3A_68] : memref<2560x128xi32, #tpu.memory_space<hbm>> -> memref<16x128xi32, #tpu.memory_space<hbm>>
    tpu.enqueue_dma source(%dma_start3A_69 : memref<16x128xi32, #tpu.memory_space<hbm>>) target(%dma_start3A_67 : memref<16x128xi32, #tpu.memory_space<vmem>>) target_semaphore(%dma_start3A_63 : memref<!tpu.dma_semaphore, #tpu.memory_space<semaphore_mem>>)
    %mul3A_70 = arith.constant 640 : i32
    %mul3A_71 = arith.muli %arg1, %mul3A_70 : i32
    "tpu.region"() ({
      %run_scoped3A = tpu.sem_alloc : memref<!tpu.dma_semaphore, #tpu.memory_space<semaphore_mem>>
      %dma_start3A_132 = arith.constant 0 : i32
      %dma_start3A_133 = tpu.memref_slice %arg12[%mul3A_71, %dma_start3A_132] : memref<10240x128xf32, #tpu.memory_space<vmem_shared>> -> memref<640x128xf32, #tpu.memory_space<vmem_shared>>
      tpu.enqueue_dma source(%arg5 : memref<640x128xf32, #tpu.memory_space<hbm>>) target(%dma_start3A_133 : memref<640x128xf32, #tpu.memory_space<vmem_shared>>) target_semaphore(%run_scoped3A : memref<!tpu.dma_semaphore, #tpu.memory_space<semaphore_mem>>)
      %dma_wait3A_134 = arith.constant 0 : i32
      %dma_wait3A_135 = tpu.memref_slice %arg12[%mul3A_71, %dma_wait3A_134] : memref<10240x128xf32, #tpu.memory_space<vmem_shared>> -> memref<640x128xf32, #tpu.memory_space<vmem_shared>>
      tpu.wait_dma2 semaphore(%run_scoped3A : memref<!tpu.dma_semaphore, #tpu.memory_space<semaphore_mem>>) src(%arg5 : memref<640x128xf32, #tpu.memory_space<hbm>>) dst(%dma_wait3A_135 : memref<640x128xf32, #tpu.memory_space<vmem_shared>>)
      tpu.yield
    }) : () -> ()
    %dma_wait3A = arith.constant 0 : i32
    %dma_wait3A_72 = arith.constant 0 : i32
    %dma_wait3A_73 = arith.constant 0 : i32
    %dma_wait3A_74 = arith.constant 0 : i32
    %dma_wait3A_75 = tpu.memref_slice %arg7[%dma_wait3A, %dma_wait3A_73, %dma_wait3A_74] : memref<2x16x128xi32, #tpu.memory_space<vmem>> -> memref<1x16x128xi32, #tpu.memory_space<vmem>>
    %dma_wait3A_76 = tpu.memref_squeeze %dma_wait3A_75 : memref<1x16x128xi32, #tpu.memory_space<vmem>> -> memref<16x128xi32, #tpu.memory_space<vmem>>
    %dma_wait3A_77 = arith.constant 0 : i32
    %dma_wait3A_78 = tpu.memref_slice %arg3[%mul3A_2, %dma_wait3A_77] : memref<2560x128xi32, #tpu.memory_space<hbm>> -> memref<16x128xi32, #tpu.memory_space<hbm>>
    %dma_wait3A_79 = tpu.memref_slice %arg11[%dma_wait3A_72] : memref<2x!tpu.dma_semaphore, #tpu.memory_space<semaphore_mem>> -> memref<1x!tpu.dma_semaphore, #tpu.memory_space<semaphore_mem>>
    %dma_wait3A_80 = tpu.memref_squeeze %dma_wait3A_79 : memref<1x!tpu.dma_semaphore, #tpu.memory_space<semaphore_mem>> -> memref<!tpu.dma_semaphore, #tpu.memory_space<semaphore_mem>>
    %dma_wait3A_81 = arith.constant 0 : i32
    %dma_wait3A_82 = arith.constant 0 : i32
    %dma_wait3A_83 = tpu.memref_slice %arg7[%dma_wait3A, %dma_wait3A_81, %dma_wait3A_82] : memref<2x16x128xi32, #tpu.memory_space<vmem>> -> memref<1x16x128xi32, #tpu.memory_space<vmem>>
    %dma_wait3A_84 = tpu.memref_squeeze %dma_wait3A_83 : memref<1x16x128xi32, #tpu.memory_space<vmem>> -> memref<16x128xi32, #tpu.memory_space<vmem>>
    %dma_wait3A_85 = arith.constant 0 : i32
    %dma_wait3A_86 = tpu.memref_slice %arg3[%mul3A_2, %dma_wait3A_85] : memref<2560x128xi32, #tpu.memory_space<hbm>> -> memref<16x128xi32, #tpu.memory_space<hbm>>
    tpu.wait_dma2 semaphore(%dma_wait3A_80 : memref<!tpu.dma_semaphore, #tpu.memory_space<semaphore_mem>>) src(%dma_wait3A_86 : memref<16x128xi32, #tpu.memory_space<hbm>>) dst(%dma_wait3A_84 : memref<16x128xi32, #tpu.memory_space<vmem>>)
    %dma_wait3A_87 = arith.constant 0 : i32
    %dma_wait3A_88 = arith.constant 0 : i32
    %dma_wait3A_89 = arith.constant 0 : i32
    %dma_wait3A_90 = arith.constant 0 : i32
    %dma_wait3A_91 = tpu.memref_slice %arg8[%dma_wait3A_87, %dma_wait3A_89, %dma_wait3A_90] : memref<2x16x128xi32, #tpu.memory_space<vmem>> -> memref<1x16x128xi32, #tpu.memory_space<vmem>>
    %dma_wait3A_92 = tpu.memref_squeeze %dma_wait3A_91 : memref<1x16x128xi32, #tpu.memory_space<vmem>> -> memref<16x128xi32, #tpu.memory_space<vmem>>
    %dma_wait3A_93 = arith.constant 0 : i32
    %dma_wait3A_94 = tpu.memref_slice %arg3[%mul3A_2, %dma_wait3A_93] : memref<2560x128xi32, #tpu.memory_space<hbm>> -> memref<16x128xi32, #tpu.memory_space<hbm>>
    %dma_wait3A_95 = tpu.memref_slice %arg11[%dma_wait3A_88] : memref<2x!tpu.dma_semaphore, #tpu.memory_space<semaphore_mem>> -> memref<1x!tpu.dma_semaphore, #tpu.memory_space<semaphore_mem>>
    %dma_wait3A_96 = tpu.memref_squeeze %dma_wait3A_95 : memref<1x!tpu.dma_semaphore, #tpu.memory_space<semaphore_mem>> -> memref<!tpu.dma_semaphore, #tpu.memory_space<semaphore_mem>>
    %dma_wait3A_97 = arith.constant 0 : i32
    %dma_wait3A_98 = arith.constant 0 : i32
    %dma_wait3A_99 = tpu.memref_slice %arg8[%dma_wait3A_87, %dma_wait3A_97, %dma_wait3A_98] : memref<2x16x128xi32, #tpu.memory_space<vmem>> -> memref<1x16x128xi32, #tpu.memory_space<vmem>>
    %dma_wait3A_100 = tpu.memref_squeeze %dma_wait3A_99 : memref<1x16x128xi32, #tpu.memory_space<vmem>> -> memref<16x128xi32, #tpu.memory_space<vmem>>
    %dma_wait3A_101 = arith.constant 0 : i32
    %dma_wait3A_102 = tpu.memref_slice %arg3[%mul3A_2, %dma_wait3A_101] : memref<2560x128xi32, #tpu.memory_space<hbm>> -> memref<16x128xi32, #tpu.memory_space<hbm>>
    tpu.wait_dma2 semaphore(%dma_wait3A_96 : memref<!tpu.dma_semaphore, #tpu.memory_space<semaphore_mem>>) src(%dma_wait3A_102 : memref<16x128xi32, #tpu.memory_space<hbm>>) dst(%dma_wait3A_100 : memref<16x128xi32, #tpu.memory_space<vmem>>)
    %dma_start3A_103 = arith.constant 0 : i32
    %dma_start3A_104 = arith.constant 0 : i32
    %dma_start3A_105 = arith.constant 0 : i32
    %dma_start3A_106 = arith.constant 0 : i32
    %dma_start3A_107 = arith.constant 0 : i32
    %dma_start3A_108 = arith.constant 0 : i32
    %dma_start3A_109 = tpu.memref_slice %arg9[%dma_start3A_105, %dma_start3A_107, %dma_start3A_108] : memref<2x128x128xf32, #tpu.memory_space<vmem>> -> memref<1x128x128xf32, #tpu.memory_space<vmem>>
    %dma_start3A_110 = tpu.memref_squeeze %dma_start3A_109 : memref<1x128x128xf32, #tpu.memory_space<vmem>> -> memref<128x128xf32, #tpu.memory_space<vmem>>
    %dma_start3A_111 = arith.constant 0 : i32
    %dma_start3A_112 = tpu.memref_slice %arg7[%dma_start3A_103, %dma_start3A_104, %dma_start3A_111] : memref<2x16x128xi32, #tpu.memory_space<vmem>> -> memref<1x1x128xi32, #tpu.memory_space<vmem>>
    %dma_start3A_113 = tpu.memref_squeeze %dma_start3A_112 : memref<1x1x128xi32, #tpu.memory_space<vmem>> -> memref<128xi32, #tpu.memory_space<vmem>>
    %dma_start3A_114 = arith.constant 0 : i32
    %dma_start3A_115 = arith.constant 0 : i32
    %dma_start3A_116 = tpu.memref_slice %arg2[%dma_start3A_114, %dma_start3A_115] : memref<10240x128xf32, #tpu.memory_space<hbm>> -> memref<10240x128xf32, #tpu.memory_space<hbm>>
    %dma_start3A_117 = tpu.memref_slice %arg10[%dma_start3A_106] : memref<2x!tpu.dma_semaphore, #tpu.memory_space<semaphore_mem>> -> memref<1x!tpu.dma_semaphore, #tpu.memory_space<semaphore_mem>>
    %dma_start3A_118 = tpu.memref_squeeze %dma_start3A_117 : memref<1x!tpu.dma_semaphore, #tpu.memory_space<semaphore_mem>> -> memref<!tpu.dma_semaphore, #tpu.memory_space<semaphore_mem>>
    tpu.enqueue_indirect_dma source(%dma_start3A_116 : memref<10240x128xf32, #tpu.memory_space<hbm>>) target(%dma_start3A_110 : memref<128x128xf32, #tpu.memory_space<vmem>>) offsets(%dma_start3A_113 : memref<128xi32, #tpu.memory_space<vmem>>) semaphore(%dma_start3A_118 : memref<!tpu.dma_semaphore, #tpu.memory_space<semaphore_mem>>)
    %barrier3A = arith.constant 0 : index
    tpu.barrier barrier_id(%barrier3A)
    %scan3A = arith.constant 0 : i32
    %scan3A_119 = arith.constant 0 : i32
    %scan3A_120 = arith.constant 80 : i32
    %scan3A_121 = arith.addi %scan3A_119, %scan3A_120 : i32
    %scan3A_122 = arith.constant 1 : i32
    scf.for %scan3A_132 = %scan3A_119 to %scan3A_121 step %scan3A_122  : i32 {
      %div3A = arith.constant 16 : i32
      %div3A_133 = arith.divsi %scan3A_132, %div3A : i32
      %rem3A = arith.constant 16 : i32
      %rem3A_134 = arith.remsi %scan3A_132, %rem3A : i32
      %eq3A = arith.constant 0 : i32
      %eq3A_135 = arith.cmpi eq, %rem3A_134, %eq3A : i32
      %ge3A = arith.constant 1 : i32
      %ge3A_136 = arith.cmpi sge, %div3A_133, %ge3A : i32
      %add3A_137 = arith.constant 1 : i32
      %add3A_138 = arith.addi %div3A_133, %add3A_137 : i32
      %lt3A = arith.constant 5 : i32
      %lt3A_139 = arith.cmpi slt, %add3A_138, %lt3A : i32
      %and3A = arith.andi %ge3A_136, %lt3A_139 : i1
      %and3A_140 = arith.andi %eq3A_135, %and3A : i1
      %convert_element_type3A = arith.extui %and3A_140 : i1 to i32
      %cond3A = arith.constant 0 : i32
      %cond3A_141 = arith.cmpi ne, %convert_element_type3A, %cond3A : i32
      scf.if %cond3A_141 {
        %add3A_175 = arith.constant 1 : i32
        %add3A_176 = arith.addi %div3A_133, %add3A_175 : i32
        %add3A_177 = arith.constant 1 : i32
        %add3A_178 = arith.addi %div3A_133, %add3A_177 : i32
        %rem3A_179 = arith.constant 2 : i32
        %rem3A_180 = arith.remsi %add3A_178, %rem3A_179 : i32
        %mul3A_181 = arith.constant 16 : i32
        %mul3A_182 = arith.muli %add3A_176, %mul3A_181 : i32
        %add3A_183 = arith.addi %mul3A_2, %mul3A_182 : i32
        %dma_start3A_184 = arith.constant 0 : i32
        %dma_start3A_185 = arith.constant 0 : i32
        %dma_start3A_186 = tpu.memref_slice %arg7[%rem3A_180, %dma_start3A_184, %dma_start3A_185] : memref<2x16x128xi32, #tpu.memory_space<vmem>> -> memref<1x16x128xi32, #tpu.memory_space<vmem>>
        %dma_start3A_187 = tpu.memref_squeeze %dma_start3A_186 : memref<1x16x128xi32, #tpu.memory_space<vmem>> -> memref<16x128xi32, #tpu.memory_space<vmem>>
        %dma_start3A_188 = arith.constant 0 : i32
        %dma_start3A_189 = tpu.memref_slice %arg3[%add3A_183, %dma_start3A_188] : memref<2560x128xi32, #tpu.memory_space<hbm>> -> memref<16x128xi32, #tpu.memory_space<hbm>>
        %dma_start3A_190 = tpu.memref_slice %arg11[%rem3A_180] : memref<2x!tpu.dma_semaphore, #tpu.memory_space<semaphore_mem>> -> memref<1x!tpu.dma_semaphore, #tpu.memory_space<semaphore_mem>>
        %dma_start3A_191 = tpu.memref_squeeze %dma_start3A_190 : memref<1x!tpu.dma_semaphore, #tpu.memory_space<semaphore_mem>> -> memref<!tpu.dma_semaphore, #tpu.memory_space<semaphore_mem>>
        %dma_start3A_192 = arith.constant 0 : i32
        %dma_start3A_193 = arith.constant 0 : i32
        %dma_start3A_194 = tpu.memref_slice %arg7[%rem3A_180, %dma_start3A_192, %dma_start3A_193] : memref<2x16x128xi32, #tpu.memory_space<vmem>> -> memref<1x16x128xi32, #tpu.memory_space<vmem>>
        %dma_start3A_195 = tpu.memref_squeeze %dma_start3A_194 : memref<1x16x128xi32, #tpu.memory_space<vmem>> -> memref<16x128xi32, #tpu.memory_space<vmem>>
        %dma_start3A_196 = arith.constant 0 : i32
        %dma_start3A_197 = tpu.memref_slice %arg3[%add3A_183, %dma_start3A_196] : memref<2560x128xi32, #tpu.memory_space<hbm>> -> memref<16x128xi32, #tpu.memory_space<hbm>>
        tpu.enqueue_dma source(%dma_start3A_197 : memref<16x128xi32, #tpu.memory_space<hbm>>) target(%dma_start3A_195 : memref<16x128xi32, #tpu.memory_space<vmem>>) target_semaphore(%dma_start3A_191 : memref<!tpu.dma_semaphore, #tpu.memory_space<semaphore_mem>>)
        %dma_start3A_198 = arith.constant 0 : i32
        %dma_start3A_199 = arith.constant 0 : i32
        %dma_start3A_200 = tpu.memref_slice %arg8[%rem3A_180, %dma_start3A_198, %dma_start3A_199] : memref<2x16x128xi32, #tpu.memory_space<vmem>> -> memref<1x16x128xi32, #tpu.memory_space<vmem>>
        %dma_start3A_201 = tpu.memref_squeeze %dma_start3A_200 : memref<1x16x128xi32, #tpu.memory_space<vmem>> -> memref<16x128xi32, #tpu.memory_space<vmem>>
        %dma_start3A_202 = arith.constant 0 : i32
        %dma_start3A_203 = tpu.memref_slice %arg4[%add3A_183, %dma_start3A_202] : memref<2560x128xi32, #tpu.memory_space<hbm>> -> memref<16x128xi32, #tpu.memory_space<hbm>>
        %dma_start3A_204 = tpu.memref_slice %arg11[%rem3A_180] : memref<2x!tpu.dma_semaphore, #tpu.memory_space<semaphore_mem>> -> memref<1x!tpu.dma_semaphore, #tpu.memory_space<semaphore_mem>>
        %dma_start3A_205 = tpu.memref_squeeze %dma_start3A_204 : memref<1x!tpu.dma_semaphore, #tpu.memory_space<semaphore_mem>> -> memref<!tpu.dma_semaphore, #tpu.memory_space<semaphore_mem>>
        %dma_start3A_206 = arith.constant 0 : i32
        %dma_start3A_207 = arith.constant 0 : i32
        %dma_start3A_208 = tpu.memref_slice %arg8[%rem3A_180, %dma_start3A_206, %dma_start3A_207] : memref<2x16x128xi32, #tpu.memory_space<vmem>> -> memref<1x16x128xi32, #tpu.memory_space<vmem>>
        %dma_start3A_209 = tpu.memref_squeeze %dma_start3A_208 : memref<1x16x128xi32, #tpu.memory_space<vmem>> -> memref<16x128xi32, #tpu.memory_space<vmem>>
        %dma_start3A_210 = arith.constant 0 : i32
        %dma_start3A_211 = tpu.memref_slice %arg4[%add3A_183, %dma_start3A_210] : memref<2560x128xi32, #tpu.memory_space<hbm>> -> memref<16x128xi32, #tpu.memory_space<hbm>>
        tpu.enqueue_dma source(%dma_start3A_211 : memref<16x128xi32, #tpu.memory_space<hbm>>) target(%dma_start3A_209 : memref<16x128xi32, #tpu.memory_space<vmem>>) target_semaphore(%dma_start3A_205 : memref<!tpu.dma_semaphore, #tpu.memory_space<semaphore_mem>>)
      } else {
      }
      %add3A_142 = arith.constant 1 : i32
      %add3A_143 = arith.addi %scan3A_132, %add3A_142 : i32
      %div3A_144 = arith.constant 16 : i32
      %div3A_145 = arith.divsi %add3A_143, %div3A_144 : i32
      %rem3A_146 = arith.constant 2 : i32
      %rem3A_147 = arith.remsi %div3A_145, %rem3A_146 : i32
      %lt3A_148 = arith.constant 80 : i32
      %lt3A_149 = arith.cmpi slt, %add3A_143, %lt3A_148 : i32
      %convert_element_type3A_150 = arith.extui %lt3A_149 : i1 to i32
      %cond3A_151 = arith.constant 0 : i32
      %cond3A_152 = arith.cmpi ne, %convert_element_type3A_150, %cond3A_151 : i32
      scf.if %cond3A_152 {
        %rem3A_175 = arith.constant 16 : i32
        %rem3A_176 = arith.remsi %add3A_143, %rem3A_175 : i32
        %eq3A_177 = arith.constant 0 : i32
        %eq3A_178 = arith.cmpi eq, %rem3A_176, %eq3A_177 : i32
        %convert_element_type3A_179 = arith.extui %eq3A_178 : i1 to i32
        %cond3A_180 = arith.constant 0 : i32
        %cond3A_181 = arith.cmpi ne, %convert_element_type3A_179, %cond3A_180 : i32
        scf.if %cond3A_181 {
          %dma_wait3A_198 = arith.constant 0 : i32
          %dma_wait3A_199 = arith.constant 0 : i32
          %dma_wait3A_200 = tpu.memref_slice %arg7[%rem3A_147, %dma_wait3A_198, %dma_wait3A_199] : memref<2x16x128xi32, #tpu.memory_space<vmem>> -> memref<1x16x128xi32, #tpu.memory_space<vmem>>
          %dma_wait3A_201 = tpu.memref_squeeze %dma_wait3A_200 : memref<1x16x128xi32, #tpu.memory_space<vmem>> -> memref<16x128xi32, #tpu.memory_space<vmem>>
          %dma_wait3A_202 = arith.constant 0 : i32
          %dma_wait3A_203 = tpu.memref_slice %arg3[%mul3A_2, %dma_wait3A_202] : memref<2560x128xi32, #tpu.memory_space<hbm>> -> memref<16x128xi32, #tpu.memory_space<hbm>>
          %dma_wait3A_204 = tpu.memref_slice %arg11[%rem3A_147] : memref<2x!tpu.dma_semaphore, #tpu.memory_space<semaphore_mem>> -> memref<1x!tpu.dma_semaphore, #tpu.memory_space<semaphore_mem>>
          %dma_wait3A_205 = tpu.memref_squeeze %dma_wait3A_204 : memref<1x!tpu.dma_semaphore, #tpu.memory_space<semaphore_mem>> -> memref<!tpu.dma_semaphore, #tpu.memory_space<semaphore_mem>>
          %dma_wait3A_206 = arith.constant 0 : i32
          %dma_wait3A_207 = arith.constant 0 : i32
          %dma_wait3A_208 = tpu.memref_slice %arg7[%rem3A_147, %dma_wait3A_206, %dma_wait3A_207] : memref<2x16x128xi32, #tpu.memory_space<vmem>> -> memref<1x16x128xi32, #tpu.memory_space<vmem>>
          %dma_wait3A_209 = tpu.memref_squeeze %dma_wait3A_208 : memref<1x16x128xi32, #tpu.memory_space<vmem>> -> memref<16x128xi32, #tpu.memory_space<vmem>>
          %dma_wait3A_210 = arith.constant 0 : i32
          %dma_wait3A_211 = tpu.memref_slice %arg3[%mul3A_2, %dma_wait3A_210] : memref<2560x128xi32, #tpu.memory_space<hbm>> -> memref<16x128xi32, #tpu.memory_space<hbm>>
          tpu.wait_dma2 semaphore(%dma_wait3A_205 : memref<!tpu.dma_semaphore, #tpu.memory_space<semaphore_mem>>) src(%dma_wait3A_211 : memref<16x128xi32, #tpu.memory_space<hbm>>) dst(%dma_wait3A_209 : memref<16x128xi32, #tpu.memory_space<vmem>>)
          %dma_wait3A_212 = arith.constant 0 : i32
          %dma_wait3A_213 = arith.constant 0 : i32
          %dma_wait3A_214 = tpu.memref_slice %arg8[%rem3A_147, %dma_wait3A_212, %dma_wait3A_213] : memref<2x16x128xi32, #tpu.memory_space<vmem>> -> memref<1x16x128xi32, #tpu.memory_space<vmem>>
          %dma_wait3A_215 = tpu.memref_squeeze %dma_wait3A_214 : memref<1x16x128xi32, #tpu.memory_space<vmem>> -> memref<16x128xi32, #tpu.memory_space<vmem>>
          %dma_wait3A_216 = arith.constant 0 : i32
          %dma_wait3A_217 = tpu.memref_slice %arg3[%mul3A_2, %dma_wait3A_216] : memref<2560x128xi32, #tpu.memory_space<hbm>> -> memref<16x128xi32, #tpu.memory_space<hbm>>
          %dma_wait3A_218 = tpu.memref_slice %arg11[%rem3A_147] : memref<2x!tpu.dma_semaphore, #tpu.memory_space<semaphore_mem>> -> memref<1x!tpu.dma_semaphore, #tpu.memory_space<semaphore_mem>>
          %dma_wait3A_219 = tpu.memref_squeeze %dma_wait3A_218 : memref<1x!tpu.dma_semaphore, #tpu.memory_space<semaphore_mem>> -> memref<!tpu.dma_semaphore, #tpu.memory_space<semaphore_mem>>
          %dma_wait3A_220 = arith.constant 0 : i32
          %dma_wait3A_221 = arith.constant 0 : i32
          %dma_wait3A_222 = tpu.memref_slice %arg8[%rem3A_147, %dma_wait3A_220, %dma_wait3A_221] : memref<2x16x128xi32, #tpu.memory_space<vmem>> -> memref<1x16x128xi32, #tpu.memory_space<vmem>>
          %dma_wait3A_223 = tpu.memref_squeeze %dma_wait3A_222 : memref<1x16x128xi32, #tpu.memory_space<vmem>> -> memref<16x128xi32, #tpu.memory_space<vmem>>
          %dma_wait3A_224 = arith.constant 0 : i32
          %dma_wait3A_225 = tpu.memref_slice %arg3[%mul3A_2, %dma_wait3A_224] : memref<2560x128xi32, #tpu.memory_space<hbm>> -> memref<16x128xi32, #tpu.memory_space<hbm>>
          tpu.wait_dma2 semaphore(%dma_wait3A_219 : memref<!tpu.dma_semaphore, #tpu.memory_space<semaphore_mem>>) src(%dma_wait3A_225 : memref<16x128xi32, #tpu.memory_space<hbm>>) dst(%dma_wait3A_223 : memref<16x128xi32, #tpu.memory_space<vmem>>)
        } else {
        }
        %rem3A_182 = arith.constant 2 : i32
        %rem3A_183 = arith.remsi %add3A_143, %rem3A_182 : i32
        %rem3A_184 = arith.constant 16 : i32
        %rem3A_185 = arith.remsi %add3A_143, %rem3A_184 : i32
        %dma_start3A_186 = arith.constant 0 : i32
        %dma_start3A_187 = arith.constant 0 : i32
        %dma_start3A_188 = tpu.memref_slice %arg9[%rem3A_183, %dma_start3A_186, %dma_start3A_187] : memref<2x128x128xf32, #tpu.memory_space<vmem>> -> memref<1x128x128xf32, #tpu.memory_space<vmem>>
        %dma_start3A_189 = tpu.memref_squeeze %dma_start3A_188 : memref<1x128x128xf32, #tpu.memory_space<vmem>> -> memref<128x128xf32, #tpu.memory_space<vmem>>
        %dma_start3A_190 = arith.constant 0 : i32
        %dma_start3A_191 = tpu.memref_slice %arg7[%rem3A_147, %rem3A_185, %dma_start3A_190] : memref<2x16x128xi32, #tpu.memory_space<vmem>> -> memref<1x1x128xi32, #tpu.memory_space<vmem>>
        %dma_start3A_192 = tpu.memref_squeeze %dma_start3A_191 : memref<1x1x128xi32, #tpu.memory_space<vmem>> -> memref<128xi32, #tpu.memory_space<vmem>>
        %dma_start3A_193 = arith.constant 0 : i32
        %dma_start3A_194 = arith.constant 0 : i32
        %dma_start3A_195 = tpu.memref_slice %arg2[%dma_start3A_193, %dma_start3A_194] : memref<10240x128xf32, #tpu.memory_space<hbm>> -> memref<10240x128xf32, #tpu.memory_space<hbm>>
        %dma_start3A_196 = tpu.memref_slice %arg10[%rem3A_183] : memref<2x!tpu.dma_semaphore, #tpu.memory_space<semaphore_mem>> -> memref<1x!tpu.dma_semaphore, #tpu.memory_space<semaphore_mem>>
        %dma_start3A_197 = tpu.memref_squeeze %dma_start3A_196 : memref<1x!tpu.dma_semaphore, #tpu.memory_space<semaphore_mem>> -> memref<!tpu.dma_semaphore, #tpu.memory_space<semaphore_mem>>
        tpu.enqueue_indirect_dma source(%dma_start3A_195 : memref<10240x128xf32, #tpu.memory_space<hbm>>) target(%dma_start3A_189 : memref<128x128xf32, #tpu.memory_space<vmem>>) offsets(%dma_start3A_192 : memref<128xi32, #tpu.memory_space<vmem>>) semaphore(%dma_start3A_197 : memref<!tpu.dma_semaphore, #tpu.memory_space<semaphore_mem>>)
      } else {
      }
      %rem3A_153 = arith.constant 2 : i32
      %rem3A_154 = arith.remsi %scan3A_132, %rem3A_153 : i32
      %rem3A_155 = arith.constant 2 : i32
      %rem3A_156 = arith.remsi %div3A_133, %rem3A_155 : i32
      %dma_wait3A_157 = arith.constant 0 : i32
      %dma_wait3A_158 = arith.constant 0 : i32
      %dma_wait3A_159 = tpu.memref_slice %arg9[%rem3A_154, %dma_wait3A_157, %dma_wait3A_158] : memref<2x128x128xf32, #tpu.memory_space<vmem>> -> memref<1x128x128xf32, #tpu.memory_space<vmem>>
      %dma_wait3A_160 = tpu.memref_squeeze %dma_wait3A_159 : memref<1x128x128xf32, #tpu.memory_space<vmem>> -> memref<128x128xf32, #tpu.memory_space<vmem>>
      %dma_wait3A_161 = arith.constant 0 : i32
      %dma_wait3A_162 = arith.constant 0 : i32
      %dma_wait3A_163 = tpu.memref_slice %arg2[%dma_wait3A_161, %dma_wait3A_162] : memref<10240x128xf32, #tpu.memory_space<hbm>> -> memref<128x128xf32, #tpu.memory_space<hbm>>
      %dma_wait3A_164 = tpu.memref_slice %arg10[%rem3A_154] : memref<2x!tpu.dma_semaphore, #tpu.memory_space<semaphore_mem>> -> memref<1x!tpu.dma_semaphore, #tpu.memory_space<semaphore_mem>>
      %dma_wait3A_165 = tpu.memref_squeeze %dma_wait3A_164 : memref<1x!tpu.dma_semaphore, #tpu.memory_space<semaphore_mem>> -> memref<!tpu.dma_semaphore, #tpu.memory_space<semaphore_mem>>
      %dma_wait3A_166 = arith.constant 0 : i32
      %dma_wait3A_167 = arith.constant 0 : i32
      %dma_wait3A_168 = tpu.memref_slice %arg9[%rem3A_154, %dma_wait3A_166, %dma_wait3A_167] : memref<2x128x128xf32, #tpu.memory_space<vmem>> -> memref<1x128x128xf32, #tpu.memory_space<vmem>>
      %dma_wait3A_169 = tpu.memref_squeeze %dma_wait3A_168 : memref<1x128x128xf32, #tpu.memory_space<vmem>> -> memref<128x128xf32, #tpu.memory_space<vmem>>
      %dma_wait3A_170 = arith.constant 0 : i32
      %dma_wait3A_171 = arith.constant 0 : i32
      %dma_wait3A_172 = tpu.memref_slice %arg2[%dma_wait3A_170, %dma_wait3A_171] : memref<10240x128xf32, #tpu.memory_space<hbm>> -> memref<128x128xf32, #tpu.memory_space<hbm>>
      tpu.wait_dma2 semaphore(%dma_wait3A_165 : memref<!tpu.dma_semaphore, #tpu.memory_space<semaphore_mem>>) src(%dma_wait3A_172 : memref<128x128xf32, #tpu.memory_space<hbm>>) dst(%dma_wait3A_169 : memref<128x128xf32, #tpu.memory_space<vmem>>)
      %rem3A_173 = arith.constant 16 : i32
      %rem3A_174 = arith.remsi %scan3A_132, %rem3A_173 : i32
      "tpu.region"() ({
        %run_scoped3A = tpu.sem_alloc : memref<!tpu.dma_semaphore, #tpu.memory_space<semaphore_mem>>
        %dma_start3A_175 = arith.constant 0 : i32
        %dma_start3A_176 = arith.constant 0 : i32
        %dma_start3A_177 = tpu.memref_slice %arg9[%rem3A_154, %dma_start3A_175, %dma_start3A_176] : memref<2x128x128xf32, #tpu.memory_space<vmem>> -> memref<1x128x128xf32, #tpu.memory_space<vmem>>
        %dma_start3A_178 = tpu.memref_squeeze %dma_start3A_177 : memref<1x128x128xf32, #tpu.memory_space<vmem>> -> memref<128x128xf32, #tpu.memory_space<vmem>>
        %dma_start3A_179 = arith.constant 0 : i32
        %dma_start3A_180 = tpu.memref_slice %arg8[%rem3A_156, %rem3A_174, %dma_start3A_179] : memref<2x16x128xi32, #tpu.memory_space<vmem>> -> memref<1x1x128xi32, #tpu.memory_space<vmem>>
        %dma_start3A_181 = tpu.memref_squeeze %dma_start3A_180 : memref<1x1x128xi32, #tpu.memory_space<vmem>> -> memref<128xi32, #tpu.memory_space<vmem>>
        %dma_start3A_182 = arith.constant 0 : i32
        %dma_start3A_183 = arith.constant 0 : i32
        %dma_start3A_184 = tpu.memref_slice %arg12[%dma_start3A_182, %dma_start3A_183] : memref<10240x128xf32, #tpu.memory_space<vmem_shared>> -> memref<10240x128xf32, #tpu.memory_space<vmem_shared>>
        tpu.enqueue_indirect_dma source(%dma_start3A_178 : memref<128x128xf32, #tpu.memory_space<vmem>>) target(%dma_start3A_184 : memref<10240x128xf32, #tpu.memory_space<vmem_shared>>) offsets(%dma_start3A_181 : memref<128xi32, #tpu.memory_space<vmem>>) semaphore(%run_scoped3A : memref<!tpu.dma_semaphore, #tpu.memory_space<semaphore_mem>>) {add = true}
        %dma_wait3A_185 = arith.constant 0 : i32
        %dma_wait3A_186 = arith.constant 0 : i32
        %dma_wait3A_187 = tpu.memref_slice %arg9[%rem3A_154, %dma_wait3A_185, %dma_wait3A_186] : memref<2x128x128xf32, #tpu.memory_space<vmem>> -> memref<1x128x128xf32, #tpu.memory_space<vmem>>
        %dma_wait3A_188 = tpu.memref_squeeze %dma_wait3A_187 : memref<1x128x128xf32, #tpu.memory_space<vmem>> -> memref<128x128xf32, #tpu.memory_space<vmem>>
        %dma_wait3A_189 = arith.constant 0 : i32
        %dma_wait3A_190 = tpu.memref_slice %arg8[%rem3A_156, %rem3A_174, %dma_wait3A_189] : memref<2x16x128xi32, #tpu.memory_space<vmem>> -> memref<1x1x128xi32, #tpu.memory_space<vmem>>
        %dma_wait3A_191 = tpu.memref_squeeze %dma_wait3A_190 : memref<1x1x128xi32, #tpu.memory_space<vmem>> -> memref<128xi32, #tpu.memory_space<vmem>>
        %dma_wait3A_192 = arith.constant 0 : i32
        %dma_wait3A_193 = arith.constant 0 : i32
        %dma_wait3A_194 = tpu.memref_slice %arg12[%dma_wait3A_192, %dma_wait3A_193] : memref<10240x128xf32, #tpu.memory_space<vmem_shared>> -> memref<10240x128xf32, #tpu.memory_space<vmem_shared>>
        tpu.wait_indirect_dma semaphore(%run_scoped3A : memref<!tpu.dma_semaphore, #tpu.memory_space<semaphore_mem>>) src(%dma_wait3A_188 : memref<128x128xf32, #tpu.memory_space<vmem>>) dst(%dma_wait3A_194 : memref<10240x128xf32, #tpu.memory_space<vmem_shared>>)
        tpu.yield
      }) : () -> ()
    }
    %scan3A_123 = arith.constant 80 : i32
    %barrier3A_124 = arith.constant 0 : index
    tpu.barrier barrier_id(%barrier3A_124)
    %mul3A_125 = arith.constant 640 : i32
    %mul3A_126 = arith.muli %arg1, %mul3A_125 : i32
    %mul3A_127 = arith.constant 10240 : i32
    %mul3A_128 = arith.muli %arg0, %mul3A_127 : i32
    %mul3A_129 = arith.constant 640 : i32
    %mul3A_130 = arith.muli %arg1, %mul3A_129 : i32
    %add3A_131 = arith.addi %mul3A_128, %mul3A_130 : i32
    "tpu.region"() ({
      %run_scoped3A = tpu.sem_alloc : memref<!tpu.dma_semaphore, #tpu.memory_space<semaphore_mem>>
      %dma_start3A_132 = arith.constant 0 : i32
      %dma_start3A_133 = tpu.memref_slice %arg6[%add3A_131, %dma_start3A_132] : memref<20480x128xf32, #tpu.memory_space<hbm>> -> memref<640x128xf32, #tpu.memory_space<hbm>>
      %dma_start3A_134 = arith.constant 0 : i32
      %dma_start3A_135 = tpu.memref_slice %arg12[%mul3A_126, %dma_start3A_134] : memref<10240x128xf32, #tpu.memory_space<vmem_shared>> -> memref<640x128xf32, #tpu.memory_space<vmem_shared>>
      tpu.enqueue_dma source(%dma_start3A_135 : memref<640x128xf32, #tpu.memory_space<vmem_shared>>) target(%dma_start3A_133 : memref<640x128xf32, #tpu.memory_space<hbm>>) target_semaphore(%run_scoped3A : memref<!tpu.dma_semaphore, #tpu.memory_space<semaphore_mem>>)
      %dma_wait3A_136 = arith.constant 0 : i32
      %dma_wait3A_137 = tpu.memref_slice %arg6[%add3A_131, %dma_wait3A_136] : memref<20480x128xf32, #tpu.memory_space<hbm>> -> memref<640x128xf32, #tpu.memory_space<hbm>>
      %dma_wait3A_138 = arith.constant 0 : i32
      %dma_wait3A_139 = tpu.memref_slice %arg12[%mul3A_126, %dma_wait3A_138] : memref<10240x128xf32, #tpu.memory_space<vmem_shared>> -> memref<640x128xf32, #tpu.memory_space<vmem_shared>>
      tpu.wait_dma2 semaphore(%run_scoped3A : memref<!tpu.dma_semaphore, #tpu.memory_space<semaphore_mem>>) src(%dma_wait3A_139 : memref<640x128xf32, #tpu.memory_space<vmem_shared>>) dst(%dma_wait3A_137 : memref<640x128xf32, #tpu.memory_space<hbm>>)
      tpu.yield
    }) : () -> ()
    return
  }
}

#map = affine_map<(d0, d1) -> (0, 0)>
module attributes {stable_mosaic.version = 14 : i64} {
  func.func @k(%arg0: i32, %arg1: i32, %arg2: memref<10240x128xf32, #tpu.memory_space<hbm>>, %arg3: memref<2560x128xi32, #tpu.memory_space<hbm>>, %arg4: memref<2560x128xi32, #tpu.memory_space<hbm>>, %arg5: memref<640x128xf32, #tpu.memory_space<hbm>>, %arg6: memref<20480x128xf32, #tpu.memory_space<hbm>>, %arg7: memref<2x16x128xi32, #tpu.memory_space<vmem>>, %arg8: memref<2x16x128xi32, #tpu.memory_space<vmem>>, %arg9: memref<2x128x128xf32, #tpu.memory_space<vmem>>, %arg10: memref<2x!tpu.dma_semaphore, #tpu.memory_space<semaphore_mem>>, %arg11: memref<2x!tpu.dma_semaphore, #tpu.memory_space<semaphore_mem>>, %arg12: memref<10240x128xf32, #tpu.memory_space<vmem_shared>>) attributes {dimension_semantics = [#tpu.dimension_semantics<core_parallel>, #tpu.dimension_semantics<subcore_parallel>], iteration_bounds = array<i64: 2, 16>, scalar_prefetch = 0 : i64, scratch_operands = 6 : i64, tpu.core_type = #tpu.core_type<sc_vector_subcore>, window_params = [{transform_indices = #map}, {transform_indices = #map}, {transform_indices = #map}, {transform_indices = #map}, {transform_indices = #map}]} {
    %mul3A = arith.constant 16 : i32
    %mul3A_0 = arith.muli %arg0, %mul3A : i32
    %add3A = arith.addi %mul3A_0, %arg1 : i32
    %mul3A_1 = arith.constant 80 : i32
    %mul3A_2 = arith.muli %add3A, %mul3A_1 : i32
    %add3A_3 = arith.constant 0 : i32
    %add3A_4 = arith.addi %mul3A_2, %add3A_3 : i32
    %dma_start3A = arith.constant 0 : i32
    %dma_start3A_5 = arith.constant 0 : i32
    %dma_start3A_6 = arith.constant 0 : i32
    %dma_start3A_7 = arith.constant 0 : i32
    %dma_start3A_8 = tpu.memref_slice %arg7[%dma_start3A, %dma_start3A_6, %dma_start3A_7] : memref<2x16x128xi32, #tpu.memory_space<vmem>> -> memref<1x16x128xi32, #tpu.memory_space<vmem>>
    %dma_start3A_9 = tpu.memref_squeeze %dma_start3A_8 : memref<1x16x128xi32, #tpu.memory_space<vmem>> -> memref<16x128xi32, #tpu.memory_space<vmem>>
    %dma_start3A_10 = arith.constant 0 : i32
    %dma_start3A_11 = tpu.memref_slice %arg3[%add3A_4, %dma_start3A_10] : memref<2560x128xi32, #tpu.memory_space<hbm>> -> memref<16x128xi32, #tpu.memory_space<hbm>>
    %dma_start3A_12 = tpu.memref_slice %arg11[%dma_start3A_5] : memref<2x!tpu.dma_semaphore, #tpu.memory_space<semaphore_mem>> -> memref<1x!tpu.dma_semaphore, #tpu.memory_space<semaphore_mem>>
    %dma_start3A_13 = tpu.memref_squeeze %dma_start3A_12 : memref<1x!tpu.dma_semaphore, #tpu.memory_space<semaphore_mem>> -> memref<!tpu.dma_semaphore, #tpu.memory_space<semaphore_mem>>
    %dma_start3A_14 = arith.constant 0 : i32
    %dma_start3A_15 = arith.constant 0 : i32
    %dma_start3A_16 = tpu.memref_slice %arg7[%dma_start3A, %dma_start3A_14, %dma_start3A_15] : memref<2x16x128xi32, #tpu.memory_space<vmem>> -> memref<1x16x128xi32, #tpu.memory_space<vmem>>
    %dma_start3A_17 = tpu.memref_squeeze %dma_start3A_16 : memref<1x16x128xi32, #tpu.memory_space<vmem>> -> memref<16x128xi32, #tpu.memory_space<vmem>>
    %dma_start3A_18 = arith.constant 0 : i32
    %dma_start3A_19 = tpu.memref_slice %arg3[%add3A_4, %dma_start3A_18] : memref<2560x128xi32, #tpu.memory_space<hbm>> -> memref<16x128xi32, #tpu.memory_space<hbm>>
    tpu.enqueue_dma source(%dma_start3A_19 : memref<16x128xi32, #tpu.memory_space<hbm>>) target(%dma_start3A_17 : memref<16x128xi32, #tpu.memory_space<vmem>>) target_semaphore(%dma_start3A_13 : memref<!tpu.dma_semaphore, #tpu.memory_space<semaphore_mem>>)
    %dma_start3A_20 = arith.constant 0 : i32
    %dma_start3A_21 = arith.constant 0 : i32
    %dma_start3A_22 = arith.constant 0 : i32
    %dma_start3A_23 = arith.constant 0 : i32
    %dma_start3A_24 = tpu.memref_slice %arg8[%dma_start3A_20, %dma_start3A_22, %dma_start3A_23] : memref<2x16x128xi32, #tpu.memory_space<vmem>> -> memref<1x16x128xi32, #tpu.memory_space<vmem>>
    %dma_start3A_25 = tpu.memref_squeeze %dma_start3A_24 : memref<1x16x128xi32, #tpu.memory_space<vmem>> -> memref<16x128xi32, #tpu.memory_space<vmem>>
    %dma_start3A_26 = arith.constant 0 : i32
    %dma_start3A_27 = tpu.memref_slice %arg4[%add3A_4, %dma_start3A_26] : memref<2560x128xi32, #tpu.memory_space<hbm>> -> memref<16x128xi32, #tpu.memory_space<hbm>>
    %dma_start3A_28 = tpu.memref_slice %arg11[%dma_start3A_21] : memref<2x!tpu.dma_semaphore, #tpu.memory_space<semaphore_mem>> -> memref<1x!tpu.dma_semaphore, #tpu.memory_space<semaphore_mem>>
    %dma_start3A_29 = tpu.memref_squeeze %dma_start3A_28 : memref<1x!tpu.dma_semaphore, #tpu.memory_space<semaphore_mem>> -> memref<!tpu.dma_semaphore, #tpu.memory_space<semaphore_mem>>
    %dma_start3A_30 = arith.constant 0 : i32
    %dma_start3A_31 = arith.constant 0 : i32
    %dma_start3A_32 = tpu.memref_slice %arg8[%dma_start3A_20, %dma_start3A_30, %dma_start3A_31] : memref<2x16x128xi32, #tpu.memory_space<vmem>> -> memref<1x16x128xi32, #tpu.memory_space<vmem>>
    %dma_start3A_33 = tpu.memref_squeeze %dma_start3A_32 : memref<1x16x128xi32, #tpu.memory_space<vmem>> -> memref<16x128xi32, #tpu.memory_space<vmem>>
    %dma_start3A_34 = arith.constant 0 : i32
    %dma_start3A_35 = tpu.memref_slice %arg4[%add3A_4, %dma_start3A_34] : memref<2560x128xi32, #tpu.memory_space<hbm>> -> memref<16x128xi32, #tpu.memory_space<hbm>>
    tpu.enqueue_dma source(%dma_start3A_35 : memref<16x128xi32, #tpu.memory_space<hbm>>) target(%dma_start3A_33 : memref<16x128xi32, #tpu.memory_space<vmem>>) target_semaphore(%dma_start3A_29 : memref<!tpu.dma_semaphore, #tpu.memory_space<semaphore_mem>>)
    %add3A_36 = arith.constant 16 : i32
    %add3A_37 = arith.addi %mul3A_2, %add3A_36 : i32
    %dma_start3A_38 = arith.constant 1 : i32
    %dma_start3A_39 = arith.constant 1 : i32
    %dma_start3A_40 = arith.constant 0 : i32
    %dma_start3A_41 = arith.constant 0 : i32
    %dma_start3A_42 = tpu.memref_slice %arg7[%dma_start3A_38, %dma_start3A_40, %dma_start3A_41] : memref<2x16x128xi32, #tpu.memory_space<vmem>> -> memref<1x16x128xi32, #tpu.memory_space<vmem>>
    %dma_start3A_43 = tpu.memref_squeeze %dma_start3A_42 : memref<1x16x128xi32, #tpu.memory_space<vmem>> -> memref<16x128xi32, #tpu.memory_space<vmem>>
    %dma_start3A_44 = arith.constant 0 : i32
    %dma_start3A_45 = tpu.memref_slice %arg3[%add3A_37, %dma_start3A_44] : memref<2560x128xi32, #tpu.memory_space<hbm>> -> memref<16x128xi32, #tpu.memory_space<hbm>>
    %dma_start3A_46 = tpu.memref_slice %arg11[%dma_start3A_39] : memref<2x!tpu.dma_semaphore, #tpu.memory_space<semaphore_mem>> -> memref<1x!tpu.dma_semaphore, #tpu.memory_space<semaphore_mem>>
    %dma_start3A_47 = tpu.memref_squeeze %dma_start3A_46 : memref<1x!tpu.dma_semaphore, #tpu.memory_space<semaphore_mem>> -> memref<!tpu.dma_semaphore, #tpu.memory_space<semaphore_mem>>
    %dma_start3A_48 = arith.constant 0 : i32
    %dma_start3A_49 = arith.constant 0 : i32
    %dma_start3A_50 = tpu.memref_slice %arg7[%dma_start3A_38, %dma_start3A_48, %dma_start3A_49] : memref<2x16x128xi32, #tpu.memory_space<vmem>> -> memref<1x16x128xi32, #tpu.memory_space<vmem>>
    %dma_start3A_51 = tpu.memref_squeeze %dma_start3A_50 : memref<1x16x128xi32, #tpu.memory_space<vmem>> -> memref<16x128xi32, #tpu.memory_space<vmem>>
    %dma_start3A_52 = arith.constant 0 : i32
    %dma_start3A_53 = tpu.memref_slice %arg3[%add3A_37, %dma_start3A_52] : memref<2560x128xi32, #tpu.memory_space<hbm>> -> memref<16x128xi32, #tpu.memory_space<hbm>>
    tpu.enqueue_dma source(%dma_start3A_53 : memref<16x128xi32, #tpu.memory_space<hbm>>) target(%dma_start3A_51 : memref<16x128xi32, #tpu.memory_space<vmem>>) target_semaphore(%dma_start3A_47 : memref<!tpu.dma_semaphore, #tpu.memory_space<semaphore_mem>>)
    %dma_start3A_54 = arith.constant 1 : i32
    %dma_start3A_55 = arith.constant 1 : i32
    %dma_start3A_56 = arith.constant 0 : i32
    %dma_start3A_57 = arith.constant 0 : i32
    %dma_start3A_58 = tpu.memref_slice %arg8[%dma_start3A_54, %dma_start3A_56, %dma_start3A_57] : memref<2x16x128xi32, #tpu.memory_space<vmem>> -> memref<1x16x128xi32, #tpu.memory_space<vmem>>
    %dma_start3A_59 = tpu.memref_squeeze %dma_start3A_58 : memref<1x16x128xi32, #tpu.memory_space<vmem>> -> memref<16x128xi32, #tpu.memory_space<vmem>>
    %dma_start3A_60 = arith.constant 0 : i32
    %dma_start3A_61 = tpu.memref_slice %arg4[%add3A_37, %dma_start3A_60] : memref<2560x128xi32, #tpu.memory_space<hbm>> -> memref<16x128xi32, #tpu.memory_space<hbm>>
    %dma_start3A_62 = tpu.memref_slice %arg11[%dma_start3A_55] : memref<2x!tpu.dma_semaphore, #tpu.memory_space<semaphore_mem>> -> memref<1x!tpu.dma_semaphore, #tpu.memory_space<semaphore_mem>>
    %dma_start3A_63 = tpu.memref_squeeze %dma_start3A_62 : memref<1x!tpu.dma_semaphore, #tpu.memory_space<semaphore_mem>> -> memref<!tpu.dma_semaphore, #tpu.memory_space<semaphore_mem>>
    %dma_start3A_64 = arith.constant 0 : i32
    %dma_start3A_65 = arith.constant 0 : i32
    %dma_start3A_66 = tpu.memref_slice %arg8[%dma_start3A_54, %dma_start3A_64, %dma_start3A_65] : memref<2x16x128xi32, #tpu.memory_space<vmem>> -> memref<1x16x128xi32, #tpu.memory_space<vmem>>
    %dma_start3A_67 = tpu.memref_squeeze %dma_start3A_66 : memref<1x16x128xi32, #tpu.memory_space<vmem>> -> memref<16x128xi32, #tpu.memory_space<vmem>>
    %dma_start3A_68 = arith.constant 0 : i32
    %dma_start3A_69 = tpu.memref_slice %arg4[%add3A_37, %dma_start3A_68] : memref<2560x128xi32, #tpu.memory_space<hbm>> -> memref<16x128xi32, #tpu.memory_space<hbm>>
    tpu.enqueue_dma source(%dma_start3A_69 : memref<16x128xi32, #tpu.memory_space<hbm>>) target(%dma_start3A_67 : memref<16x128xi32, #tpu.memory_space<vmem>>) target_semaphore(%dma_start3A_63 : memref<!tpu.dma_semaphore, #tpu.memory_space<semaphore_mem>>)
    %mul3A_70 = arith.constant 640 : i32
    %mul3A_71 = arith.muli %arg1, %mul3A_70 : i32
    "tpu.region"() ({
      %run_scoped3A = tpu.sem_alloc : memref<!tpu.dma_semaphore, #tpu.memory_space<semaphore_mem>>
      %dma_start3A_132 = arith.constant 0 : i32
      %dma_start3A_133 = tpu.memref_slice %arg12[%mul3A_71, %dma_start3A_132] : memref<10240x128xf32, #tpu.memory_space<vmem_shared>> -> memref<640x128xf32, #tpu.memory_space<vmem_shared>>
      tpu.enqueue_dma source(%arg5 : memref<640x128xf32, #tpu.memory_space<hbm>>) target(%dma_start3A_133 : memref<640x128xf32, #tpu.memory_space<vmem_shared>>) target_semaphore(%run_scoped3A : memref<!tpu.dma_semaphore, #tpu.memory_space<semaphore_mem>>)
      %dma_wait3A_134 = arith.constant 0 : i32
      %dma_wait3A_135 = tpu.memref_slice %arg12[%mul3A_71, %dma_wait3A_134] : memref<10240x128xf32, #tpu.memory_space<vmem_shared>> -> memref<640x128xf32, #tpu.memory_space<vmem_shared>>
      tpu.wait_dma2 semaphore(%run_scoped3A : memref<!tpu.dma_semaphore, #tpu.memory_space<semaphore_mem>>) src(%arg5 : memref<640x128xf32, #tpu.memory_space<hbm>>) dst(%dma_wait3A_135 : memref<640x128xf32, #tpu.memory_space<vmem_shared>>)
      tpu.yield
    }) : () -> ()
    %dma_wait3A = arith.constant 0 : i32
    %dma_wait3A_72 = arith.constant 0 : i32
    %dma_wait3A_73 = arith.constant 0 : i32
    %dma_wait3A_74 = arith.constant 0 : i32
    %dma_wait3A_75 = tpu.memref_slice %arg7[%dma_wait3A, %dma_wait3A_73, %dma_wait3A_74] : memref<2x16x128xi32, #tpu.memory_space<vmem>> -> memref<1x16x128xi32, #tpu.memory_space<vmem>>
    %dma_wait3A_76 = tpu.memref_squeeze %dma_wait3A_75 : memref<1x16x128xi32, #tpu.memory_space<vmem>> -> memref<16x128xi32, #tpu.memory_space<vmem>>
    %dma_wait3A_77 = arith.constant 0 : i32
    %dma_wait3A_78 = tpu.memref_slice %arg3[%mul3A_2, %dma_wait3A_77] : memref<2560x128xi32, #tpu.memory_space<hbm>> -> memref<16x128xi32, #tpu.memory_space<hbm>>
    %dma_wait3A_79 = tpu.memref_slice %arg11[%dma_wait3A_72] : memref<2x!tpu.dma_semaphore, #tpu.memory_space<semaphore_mem>> -> memref<1x!tpu.dma_semaphore, #tpu.memory_space<semaphore_mem>>
    %dma_wait3A_80 = tpu.memref_squeeze %dma_wait3A_79 : memref<1x!tpu.dma_semaphore, #tpu.memory_space<semaphore_mem>> -> memref<!tpu.dma_semaphore, #tpu.memory_space<semaphore_mem>>
    %dma_wait3A_81 = arith.constant 0 : i32
    %dma_wait3A_82 = arith.constant 0 : i32
    %dma_wait3A_83 = tpu.memref_slice %arg7[%dma_wait3A, %dma_wait3A_81, %dma_wait3A_82] : memref<2x16x128xi32, #tpu.memory_space<vmem>> -> memref<1x16x128xi32, #tpu.memory_space<vmem>>
    %dma_wait3A_84 = tpu.memref_squeeze %dma_wait3A_83 : memref<1x16x128xi32, #tpu.memory_space<vmem>> -> memref<16x128xi32, #tpu.memory_space<vmem>>
    %dma_wait3A_85 = arith.constant 0 : i32
    %dma_wait3A_86 = tpu.memref_slice %arg3[%mul3A_2, %dma_wait3A_85] : memref<2560x128xi32, #tpu.memory_space<hbm>> -> memref<16x128xi32, #tpu.memory_space<hbm>>
    tpu.wait_dma2 semaphore(%dma_wait3A_80 : memref<!tpu.dma_semaphore, #tpu.memory_space<semaphore_mem>>) src(%dma_wait3A_86 : memref<16x128xi32, #tpu.memory_space<hbm>>) dst(%dma_wait3A_84 : memref<16x128xi32, #tpu.memory_space<vmem>>)
    %dma_wait3A_87 = arith.constant 0 : i32
    %dma_wait3A_88 = arith.constant 0 : i32
    %dma_wait3A_89 = arith.constant 0 : i32
    %dma_wait3A_90 = arith.constant 0 : i32
    %dma_wait3A_91 = tpu.memref_slice %arg8[%dma_wait3A_87, %dma_wait3A_89, %dma_wait3A_90] : memref<2x16x128xi32, #tpu.memory_space<vmem>> -> memref<1x16x128xi32, #tpu.memory_space<vmem>>
    %dma_wait3A_92 = tpu.memref_squeeze %dma_wait3A_91 : memref<1x16x128xi32, #tpu.memory_space<vmem>> -> memref<16x128xi32, #tpu.memory_space<vmem>>
    %dma_wait3A_93 = arith.constant 0 : i32
    %dma_wait3A_94 = tpu.memref_slice %arg3[%mul3A_2, %dma_wait3A_93] : memref<2560x128xi32, #tpu.memory_space<hbm>> -> memref<16x128xi32, #tpu.memory_space<hbm>>
    %dma_wait3A_95 = tpu.memref_slice %arg11[%dma_wait3A_88] : memref<2x!tpu.dma_semaphore, #tpu.memory_space<semaphore_mem>> -> memref<1x!tpu.dma_semaphore, #tpu.memory_space<semaphore_mem>>
    %dma_wait3A_96 = tpu.memref_squeeze %dma_wait3A_95 : memref<1x!tpu.dma_semaphore, #tpu.memory_space<semaphore_mem>> -> memref<!tpu.dma_semaphore, #tpu.memory_space<semaphore_mem>>
    %dma_wait3A_97 = arith.constant 0 : i32
    %dma_wait3A_98 = arith.constant 0 : i32
    %dma_wait3A_99 = tpu.memref_slice %arg8[%dma_wait3A_87, %dma_wait3A_97, %dma_wait3A_98] : memref<2x16x128xi32, #tpu.memory_space<vmem>> -> memref<1x16x128xi32, #tpu.memory_space<vmem>>
    %dma_wait3A_100 = tpu.memref_squeeze %dma_wait3A_99 : memref<1x16x128xi32, #tpu.memory_space<vmem>> -> memref<16x128xi32, #tpu.memory_space<vmem>>
    %dma_wait3A_101 = arith.constant 0 : i32
    %dma_wait3A_102 = tpu.memref_slice %arg3[%mul3A_2, %dma_wait3A_101] : memref<2560x128xi32, #tpu.memory_space<hbm>> -> memref<16x128xi32, #tpu.memory_space<hbm>>
    tpu.wait_dma2 semaphore(%dma_wait3A_96 : memref<!tpu.dma_semaphore, #tpu.memory_space<semaphore_mem>>) src(%dma_wait3A_102 : memref<16x128xi32, #tpu.memory_space<hbm>>) dst(%dma_wait3A_100 : memref<16x128xi32, #tpu.memory_space<vmem>>)
    %dma_start3A_103 = arith.constant 0 : i32
    %dma_start3A_104 = arith.constant 0 : i32
    %dma_start3A_105 = arith.constant 0 : i32
    %dma_start3A_106 = arith.constant 0 : i32
    %dma_start3A_107 = arith.constant 0 : i32
    %dma_start3A_108 = arith.constant 0 : i32
    %dma_start3A_109 = tpu.memref_slice %arg9[%dma_start3A_105, %dma_start3A_107, %dma_start3A_108] : memref<2x128x128xf32, #tpu.memory_space<vmem>> -> memref<1x128x128xf32, #tpu.memory_space<vmem>>
    %dma_start3A_110 = tpu.memref_squeeze %dma_start3A_109 : memref<1x128x128xf32, #tpu.memory_space<vmem>> -> memref<128x128xf32, #tpu.memory_space<vmem>>
    %dma_start3A_111 = arith.constant 0 : i32
    %dma_start3A_112 = tpu.memref_slice %arg7[%dma_start3A_103, %dma_start3A_104, %dma_start3A_111] : memref<2x16x128xi32, #tpu.memory_space<vmem>> -> memref<1x1x128xi32, #tpu.memory_space<vmem>>
    %dma_start3A_113 = tpu.memref_squeeze %dma_start3A_112 : memref<1x1x128xi32, #tpu.memory_space<vmem>> -> memref<128xi32, #tpu.memory_space<vmem>>
    %dma_start3A_114 = arith.constant 0 : i32
    %dma_start3A_115 = arith.constant 0 : i32
    %dma_start3A_116 = tpu.memref_slice %arg2[%dma_start3A_114, %dma_start3A_115] : memref<10240x128xf32, #tpu.memory_space<hbm>> -> memref<10240x128xf32, #tpu.memory_space<hbm>>
    %dma_start3A_117 = tpu.memref_slice %arg10[%dma_start3A_106] : memref<2x!tpu.dma_semaphore, #tpu.memory_space<semaphore_mem>> -> memref<1x!tpu.dma_semaphore, #tpu.memory_space<semaphore_mem>>
    %dma_start3A_118 = tpu.memref_squeeze %dma_start3A_117 : memref<1x!tpu.dma_semaphore, #tpu.memory_space<semaphore_mem>> -> memref<!tpu.dma_semaphore, #tpu.memory_space<semaphore_mem>>
    tpu.enqueue_indirect_dma source(%dma_start3A_116 : memref<10240x128xf32, #tpu.memory_space<hbm>>) target(%dma_start3A_110 : memref<128x128xf32, #tpu.memory_space<vmem>>) offsets(%dma_start3A_113 : memref<128xi32, #tpu.memory_space<vmem>>) semaphore(%dma_start3A_118 : memref<!tpu.dma_semaphore, #tpu.memory_space<semaphore_mem>>)
    %barrier3A = arith.constant 0 : index
    tpu.barrier barrier_id(%barrier3A)
    %scan3A = arith.constant 0 : i32
    %scan3A_119 = arith.constant 0 : i32
    %scan3A_120 = arith.constant 80 : i32
    %scan3A_121 = arith.addi %scan3A_119, %scan3A_120 : i32
    %scan3A_122 = arith.constant 1 : i32
    scf.for %scan3A_132 = %scan3A_119 to %scan3A_121 step %scan3A_122  : i32 {
      %div3A = arith.constant 16 : i32
      %div3A_133 = arith.divsi %scan3A_132, %div3A : i32
      %rem3A = arith.constant 16 : i32
      %rem3A_134 = arith.remsi %scan3A_132, %rem3A : i32
      %eq3A = arith.constant 0 : i32
      %eq3A_135 = arith.cmpi eq, %rem3A_134, %eq3A : i32
      %ge3A = arith.constant 1 : i32
      %ge3A_136 = arith.cmpi sge, %div3A_133, %ge3A : i32
      %add3A_137 = arith.constant 1 : i32
      %add3A_138 = arith.addi %div3A_133, %add3A_137 : i32
      %lt3A = arith.constant 5 : i32
      %lt3A_139 = arith.cmpi slt, %add3A_138, %lt3A : i32
      %and3A = arith.andi %ge3A_136, %lt3A_139 : i1
      %and3A_140 = arith.andi %eq3A_135, %and3A : i1
      %convert_element_type3A = arith.extui %and3A_140 : i1 to i32
      %cond3A = arith.constant 0 : i32
      %cond3A_141 = arith.cmpi ne, %convert_element_type3A, %cond3A : i32
      scf.if %cond3A_141 {
        %add3A_175 = arith.constant 1 : i32
        %add3A_176 = arith.addi %div3A_133, %add3A_175 : i32
        %add3A_177 = arith.constant 1 : i32
        %add3A_178 = arith.addi %div3A_133, %add3A_177 : i32
        %rem3A_179 = arith.constant 2 : i32
        %rem3A_180 = arith.remsi %add3A_178, %rem3A_179 : i32
        %mul3A_181 = arith.constant 16 : i32
        %mul3A_182 = arith.muli %add3A_176, %mul3A_181 : i32
        %add3A_183 = arith.addi %mul3A_2, %mul3A_182 : i32
        %dma_start3A_184 = arith.constant 0 : i32
        %dma_start3A_185 = arith.constant 0 : i32
        %dma_start3A_186 = tpu.memref_slice %arg7[%rem3A_180, %dma_start3A_184, %dma_start3A_185] : memref<2x16x128xi32, #tpu.memory_space<vmem>> -> memref<1x16x128xi32, #tpu.memory_space<vmem>>
        %dma_start3A_187 = tpu.memref_squeeze %dma_start3A_186 : memref<1x16x128xi32, #tpu.memory_space<vmem>> -> memref<16x128xi32, #tpu.memory_space<vmem>>
        %dma_start3A_188 = arith.constant 0 : i32
        %dma_start3A_189 = tpu.memref_slice %arg3[%add3A_183, %dma_start3A_188] : memref<2560x128xi32, #tpu.memory_space<hbm>> -> memref<16x128xi32, #tpu.memory_space<hbm>>
        %dma_start3A_190 = tpu.memref_slice %arg11[%rem3A_180] : memref<2x!tpu.dma_semaphore, #tpu.memory_space<semaphore_mem>> -> memref<1x!tpu.dma_semaphore, #tpu.memory_space<semaphore_mem>>
        %dma_start3A_191 = tpu.memref_squeeze %dma_start3A_190 : memref<1x!tpu.dma_semaphore, #tpu.memory_space<semaphore_mem>> -> memref<!tpu.dma_semaphore, #tpu.memory_space<semaphore_mem>>
        %dma_start3A_192 = arith.constant 0 : i32
        %dma_start3A_193 = arith.constant 0 : i32
        %dma_start3A_194 = tpu.memref_slice %arg7[%rem3A_180, %dma_start3A_192, %dma_start3A_193] : memref<2x16x128xi32, #tpu.memory_space<vmem>> -> memref<1x16x128xi32, #tpu.memory_space<vmem>>
        %dma_start3A_195 = tpu.memref_squeeze %dma_start3A_194 : memref<1x16x128xi32, #tpu.memory_space<vmem>> -> memref<16x128xi32, #tpu.memory_space<vmem>>
        %dma_start3A_196 = arith.constant 0 : i32
        %dma_start3A_197 = tpu.memref_slice %arg3[%add3A_183, %dma_start3A_196] : memref<2560x128xi32, #tpu.memory_space<hbm>> -> memref<16x128xi32, #tpu.memory_space<hbm>>
        tpu.enqueue_dma source(%dma_start3A_197 : memref<16x128xi32, #tpu.memory_space<hbm>>) target(%dma_start3A_195 : memref<16x128xi32, #tpu.memory_space<vmem>>) target_semaphore(%dma_start3A_191 : memref<!tpu.dma_semaphore, #tpu.memory_space<semaphore_mem>>)
        %dma_start3A_198 = arith.constant 0 : i32
        %dma_start3A_199 = arith.constant 0 : i32
        %dma_start3A_200 = tpu.memref_slice %arg8[%rem3A_180, %dma_start3A_198, %dma_start3A_199] : memref<2x16x128xi32, #tpu.memory_space<vmem>> -> memref<1x16x128xi32, #tpu.memory_space<vmem>>
        %dma_start3A_201 = tpu.memref_squeeze %dma_start3A_200 : memref<1x16x128xi32, #tpu.memory_space<vmem>> -> memref<16x128xi32, #tpu.memory_space<vmem>>
        %dma_start3A_202 = arith.constant 0 : i32
        %dma_start3A_203 = tpu.memref_slice %arg4[%add3A_183, %dma_start3A_202] : memref<2560x128xi32, #tpu.memory_space<hbm>> -> memref<16x128xi32, #tpu.memory_space<hbm>>
        %dma_start3A_204 = tpu.memref_slice %arg11[%rem3A_180] : memref<2x!tpu.dma_semaphore, #tpu.memory_space<semaphore_mem>> -> memref<1x!tpu.dma_semaphore, #tpu.memory_space<semaphore_mem>>
        %dma_start3A_205 = tpu.memref_squeeze %dma_start3A_204 : memref<1x!tpu.dma_semaphore, #tpu.memory_space<semaphore_mem>> -> memref<!tpu.dma_semaphore, #tpu.memory_space<semaphore_mem>>
        %dma_start3A_206 = arith.constant 0 : i32
        %dma_start3A_207 = arith.constant 0 : i32
        %dma_start3A_208 = tpu.memref_slice %arg8[%rem3A_180, %dma_start3A_206, %dma_start3A_207] : memref<2x16x128xi32, #tpu.memory_space<vmem>> -> memref<1x16x128xi32, #tpu.memory_space<vmem>>
        %dma_start3A_209 = tpu.memref_squeeze %dma_start3A_208 : memref<1x16x128xi32, #tpu.memory_space<vmem>> -> memref<16x128xi32, #tpu.memory_space<vmem>>
        %dma_start3A_210 = arith.constant 0 : i32
        %dma_start3A_211 = tpu.memref_slice %arg4[%add3A_183, %dma_start3A_210] : memref<2560x128xi32, #tpu.memory_space<hbm>> -> memref<16x128xi32, #tpu.memory_space<hbm>>
        tpu.enqueue_dma source(%dma_start3A_211 : memref<16x128xi32, #tpu.memory_space<hbm>>) target(%dma_start3A_209 : memref<16x128xi32, #tpu.memory_space<vmem>>) target_semaphore(%dma_start3A_205 : memref<!tpu.dma_semaphore, #tpu.memory_space<semaphore_mem>>)
      } else {
      }
      %add3A_142 = arith.constant 1 : i32
      %add3A_143 = arith.addi %scan3A_132, %add3A_142 : i32
      %div3A_144 = arith.constant 16 : i32
      %div3A_145 = arith.divsi %add3A_143, %div3A_144 : i32
      %rem3A_146 = arith.constant 2 : i32
      %rem3A_147 = arith.remsi %div3A_145, %rem3A_146 : i32
      %lt3A_148 = arith.constant 80 : i32
      %lt3A_149 = arith.cmpi slt, %add3A_143, %lt3A_148 : i32
      %convert_element_type3A_150 = arith.extui %lt3A_149 : i1 to i32
      %cond3A_151 = arith.constant 0 : i32
      %cond3A_152 = arith.cmpi ne, %convert_element_type3A_150, %cond3A_151 : i32
      scf.if %cond3A_152 {
        %rem3A_175 = arith.constant 16 : i32
        %rem3A_176 = arith.remsi %add3A_143, %rem3A_175 : i32
        %eq3A_177 = arith.constant 0 : i32
        %eq3A_178 = arith.cmpi eq, %rem3A_176, %eq3A_177 : i32
        %convert_element_type3A_179 = arith.extui %eq3A_178 : i1 to i32
        %cond3A_180 = arith.constant 0 : i32
        %cond3A_181 = arith.cmpi ne, %convert_element_type3A_179, %cond3A_180 : i32
        scf.if %cond3A_181 {
          %dma_wait3A_198 = arith.constant 0 : i32
          %dma_wait3A_199 = arith.constant 0 : i32
          %dma_wait3A_200 = tpu.memref_slice %arg7[%rem3A_147, %dma_wait3A_198, %dma_wait3A_199] : memref<2x16x128xi32, #tpu.memory_space<vmem>> -> memref<1x16x128xi32, #tpu.memory_space<vmem>>
          %dma_wait3A_201 = tpu.memref_squeeze %dma_wait3A_200 : memref<1x16x128xi32, #tpu.memory_space<vmem>> -> memref<16x128xi32, #tpu.memory_space<vmem>>
          %dma_wait3A_202 = arith.constant 0 : i32
          %dma_wait3A_203 = tpu.memref_slice %arg3[%mul3A_2, %dma_wait3A_202] : memref<2560x128xi32, #tpu.memory_space<hbm>> -> memref<16x128xi32, #tpu.memory_space<hbm>>
          %dma_wait3A_204 = tpu.memref_slice %arg11[%rem3A_147] : memref<2x!tpu.dma_semaphore, #tpu.memory_space<semaphore_mem>> -> memref<1x!tpu.dma_semaphore, #tpu.memory_space<semaphore_mem>>
          %dma_wait3A_205 = tpu.memref_squeeze %dma_wait3A_204 : memref<1x!tpu.dma_semaphore, #tpu.memory_space<semaphore_mem>> -> memref<!tpu.dma_semaphore, #tpu.memory_space<semaphore_mem>>
          %dma_wait3A_206 = arith.constant 0 : i32
          %dma_wait3A_207 = arith.constant 0 : i32
          %dma_wait3A_208 = tpu.memref_slice %arg7[%rem3A_147, %dma_wait3A_206, %dma_wait3A_207] : memref<2x16x128xi32, #tpu.memory_space<vmem>> -> memref<1x16x128xi32, #tpu.memory_space<vmem>>
          %dma_wait3A_209 = tpu.memref_squeeze %dma_wait3A_208 : memref<1x16x128xi32, #tpu.memory_space<vmem>> -> memref<16x128xi32, #tpu.memory_space<vmem>>
          %dma_wait3A_210 = arith.constant 0 : i32
          %dma_wait3A_211 = tpu.memref_slice %arg3[%mul3A_2, %dma_wait3A_210] : memref<2560x128xi32, #tpu.memory_space<hbm>> -> memref<16x128xi32, #tpu.memory_space<hbm>>
          tpu.wait_dma2 semaphore(%dma_wait3A_205 : memref<!tpu.dma_semaphore, #tpu.memory_space<semaphore_mem>>) src(%dma_wait3A_211 : memref<16x128xi32, #tpu.memory_space<hbm>>) dst(%dma_wait3A_209 : memref<16x128xi32, #tpu.memory_space<vmem>>)
          %dma_wait3A_212 = arith.constant 0 : i32
          %dma_wait3A_213 = arith.constant 0 : i32
          %dma_wait3A_214 = tpu.memref_slice %arg8[%rem3A_147, %dma_wait3A_212, %dma_wait3A_213] : memref<2x16x128xi32, #tpu.memory_space<vmem>> -> memref<1x16x128xi32, #tpu.memory_space<vmem>>
          %dma_wait3A_215 = tpu.memref_squeeze %dma_wait3A_214 : memref<1x16x128xi32, #tpu.memory_space<vmem>> -> memref<16x128xi32, #tpu.memory_space<vmem>>
          %dma_wait3A_216 = arith.constant 0 : i32
          %dma_wait3A_217 = tpu.memref_slice %arg3[%mul3A_2, %dma_wait3A_216] : memref<2560x128xi32, #tpu.memory_space<hbm>> -> memref<16x128xi32, #tpu.memory_space<hbm>>
          %dma_wait3A_218 = tpu.memref_slice %arg11[%rem3A_147] : memref<2x!tpu.dma_semaphore, #tpu.memory_space<semaphore_mem>> -> memref<1x!tpu.dma_semaphore, #tpu.memory_space<semaphore_mem>>
          %dma_wait3A_219 = tpu.memref_squeeze %dma_wait3A_218 : memref<1x!tpu.dma_semaphore, #tpu.memory_space<semaphore_mem>> -> memref<!tpu.dma_semaphore, #tpu.memory_space<semaphore_mem>>
          %dma_wait3A_220 = arith.constant 0 : i32
          %dma_wait3A_221 = arith.constant 0 : i32
          %dma_wait3A_222 = tpu.memref_slice %arg8[%rem3A_147, %dma_wait3A_220, %dma_wait3A_221] : memref<2x16x128xi32, #tpu.memory_space<vmem>> -> memref<1x16x128xi32, #tpu.memory_space<vmem>>
          %dma_wait3A_223 = tpu.memref_squeeze %dma_wait3A_222 : memref<1x16x128xi32, #tpu.memory_space<vmem>> -> memref<16x128xi32, #tpu.memory_space<vmem>>
          %dma_wait3A_224 = arith.constant 0 : i32
          %dma_wait3A_225 = tpu.memref_slice %arg3[%mul3A_2, %dma_wait3A_224] : memref<2560x128xi32, #tpu.memory_space<hbm>> -> memref<16x128xi32, #tpu.memory_space<hbm>>
          tpu.wait_dma2 semaphore(%dma_wait3A_219 : memref<!tpu.dma_semaphore, #tpu.memory_space<semaphore_mem>>) src(%dma_wait3A_225 : memref<16x128xi32, #tpu.memory_space<hbm>>) dst(%dma_wait3A_223 : memref<16x128xi32, #tpu.memory_space<vmem>>)
        } else {
        }
        %rem3A_182 = arith.constant 2 : i32
        %rem3A_183 = arith.remsi %add3A_143, %rem3A_182 : i32
        %rem3A_184 = arith.constant 16 : i32
        %rem3A_185 = arith.remsi %add3A_143, %rem3A_184 : i32
        %dma_start3A_186 = arith.constant 0 : i32
        %dma_start3A_187 = arith.constant 0 : i32
        %dma_start3A_188 = tpu.memref_slice %arg9[%rem3A_183, %dma_start3A_186, %dma_start3A_187] : memref<2x128x128xf32, #tpu.memory_space<vmem>> -> memref<1x128x128xf32, #tpu.memory_space<vmem>>
        %dma_start3A_189 = tpu.memref_squeeze %dma_start3A_188 : memref<1x128x128xf32, #tpu.memory_space<vmem>> -> memref<128x128xf32, #tpu.memory_space<vmem>>
        %dma_start3A_190 = arith.constant 0 : i32
        %dma_start3A_191 = tpu.memref_slice %arg7[%rem3A_147, %rem3A_185, %dma_start3A_190] : memref<2x16x128xi32, #tpu.memory_space<vmem>> -> memref<1x1x128xi32, #tpu.memory_space<vmem>>
        %dma_start3A_192 = tpu.memref_squeeze %dma_start3A_191 : memref<1x1x128xi32, #tpu.memory_space<vmem>> -> memref<128xi32, #tpu.memory_space<vmem>>
        %dma_start3A_193 = arith.constant 0 : i32
        %dma_start3A_194 = arith.constant 0 : i32
        %dma_start3A_195 = tpu.memref_slice %arg2[%dma_start3A_193, %dma_start3A_194] : memref<10240x128xf32, #tpu.memory_space<hbm>> -> memref<10240x128xf32, #tpu.memory_space<hbm>>
        %dma_start3A_196 = tpu.memref_slice %arg10[%rem3A_183] : memref<2x!tpu.dma_semaphore, #tpu.memory_space<semaphore_mem>> -> memref<1x!tpu.dma_semaphore, #tpu.memory_space<semaphore_mem>>
        %dma_start3A_197 = tpu.memref_squeeze %dma_start3A_196 : memref<1x!tpu.dma_semaphore, #tpu.memory_space<semaphore_mem>> -> memref<!tpu.dma_semaphore, #tpu.memory_space<semaphore_mem>>
        tpu.enqueue_indirect_dma source(%dma_start3A_195 : memref<10240x128xf32, #tpu.memory_space<hbm>>) target(%dma_start3A_189 : memref<128x128xf32, #tpu.memory_space<vmem>>) offsets(%dma_start3A_192 : memref<128xi32, #tpu.memory_space<vmem>>) semaphore(%dma_start3A_197 : memref<!tpu.dma_semaphore, #tpu.memory_space<semaphore_mem>>)
      } else {
      }
      %rem3A_153 = arith.constant 2 : i32
      %rem3A_154 = arith.remsi %scan3A_132, %rem3A_153 : i32
      %rem3A_155 = arith.constant 2 : i32
      %rem3A_156 = arith.remsi %div3A_133, %rem3A_155 : i32
      %dma_wait3A_157 = arith.constant 0 : i32
      %dma_wait3A_158 = arith.constant 0 : i32
      %dma_wait3A_159 = tpu.memref_slice %arg9[%rem3A_154, %dma_wait3A_157, %dma_wait3A_158] : memref<2x128x128xf32, #tpu.memory_space<vmem>> -> memref<1x128x128xf32, #tpu.memory_space<vmem>>
      %dma_wait3A_160 = tpu.memref_squeeze %dma_wait3A_159 : memref<1x128x128xf32, #tpu.memory_space<vmem>> -> memref<128x128xf32, #tpu.memory_space<vmem>>
      %dma_wait3A_161 = arith.constant 0 : i32
      %dma_wait3A_162 = arith.constant 0 : i32
      %dma_wait3A_163 = tpu.memref_slice %arg2[%dma_wait3A_161, %dma_wait3A_162] : memref<10240x128xf32, #tpu.memory_space<hbm>> -> memref<128x128xf32, #tpu.memory_space<hbm>>
      %dma_wait3A_164 = tpu.memref_slice %arg10[%rem3A_154] : memref<2x!tpu.dma_semaphore, #tpu.memory_space<semaphore_mem>> -> memref<1x!tpu.dma_semaphore, #tpu.memory_space<semaphore_mem>>
      %dma_wait3A_165 = tpu.memref_squeeze %dma_wait3A_164 : memref<1x!tpu.dma_semaphore, #tpu.memory_space<semaphore_mem>> -> memref<!tpu.dma_semaphore, #tpu.memory_space<semaphore_mem>>
      %dma_wait3A_166 = arith.constant 0 : i32
      %dma_wait3A_167 = arith.constant 0 : i32
      %dma_wait3A_168 = tpu.memref_slice %arg9[%rem3A_154, %dma_wait3A_166, %dma_wait3A_167] : memref<2x128x128xf32, #tpu.memory_space<vmem>> -> memref<1x128x128xf32, #tpu.memory_space<vmem>>
      %dma_wait3A_169 = tpu.memref_squeeze %dma_wait3A_168 : memref<1x128x128xf32, #tpu.memory_space<vmem>> -> memref<128x128xf32, #tpu.memory_space<vmem>>
      %dma_wait3A_170 = arith.constant 0 : i32
      %dma_wait3A_171 = arith.constant 0 : i32
      %dma_wait3A_172 = tpu.memref_slice %arg2[%dma_wait3A_170, %dma_wait3A_171] : memref<10240x128xf32, #tpu.memory_space<hbm>> -> memref<128x128xf32, #tpu.memory_space<hbm>>
      tpu.wait_dma2 semaphore(%dma_wait3A_165 : memref<!tpu.dma_semaphore, #tpu.memory_space<semaphore_mem>>) src(%dma_wait3A_172 : memref<128x128xf32, #tpu.memory_space<hbm>>) dst(%dma_wait3A_169 : memref<128x128xf32, #tpu.memory_space<vmem>>)
      %rem3A_173 = arith.constant 16 : i32
      %rem3A_174 = arith.remsi %scan3A_132, %rem3A_173 : i32
      "tpu.region"() ({
        %run_scoped3A = tpu.sem_alloc : memref<!tpu.dma_semaphore, #tpu.memory_space<semaphore_mem>>
        %dma_start3A_175 = arith.constant 0 : i32
        %dma_start3A_176 = arith.constant 0 : i32
        %dma_start3A_177 = tpu.memref_slice %arg9[%rem3A_154, %dma_start3A_175, %dma_start3A_176] : memref<2x128x128xf32, #tpu.memory_space<vmem>> -> memref<1x128x128xf32, #tpu.memory_space<vmem>>
        %dma_start3A_178 = tpu.memref_squeeze %dma_start3A_177 : memref<1x128x128xf32, #tpu.memory_space<vmem>> -> memref<128x128xf32, #tpu.memory_space<vmem>>
        %dma_start3A_179 = arith.constant 0 : i32
        %dma_start3A_180 = tpu.memref_slice %arg8[%rem3A_156, %rem3A_174, %dma_start3A_179] : memref<2x16x128xi32, #tpu.memory_space<vmem>> -> memref<1x1x128xi32, #tpu.memory_space<vmem>>
        %dma_start3A_181 = tpu.memref_squeeze %dma_start3A_180 : memref<1x1x128xi32, #tpu.memory_space<vmem>> -> memref<128xi32, #tpu.memory_space<vmem>>
        %dma_start3A_182 = arith.constant 0 : i32
        %dma_start3A_183 = arith.constant 0 : i32
        %dma_start3A_184 = tpu.memref_slice %arg12[%dma_start3A_182, %dma_start3A_183] : memref<10240x128xf32, #tpu.memory_space<vmem_shared>> -> memref<10240x128xf32, #tpu.memory_space<vmem_shared>>
        tpu.enqueue_indirect_dma source(%dma_start3A_178 : memref<128x128xf32, #tpu.memory_space<vmem>>) target(%dma_start3A_184 : memref<10240x128xf32, #tpu.memory_space<vmem_shared>>) offsets(%dma_start3A_181 : memref<128xi32, #tpu.memory_space<vmem>>) semaphore(%run_scoped3A : memref<!tpu.dma_semaphore, #tpu.memory_space<semaphore_mem>>) {add = true}
        %dma_wait3A_185 = arith.constant 0 : i32
        %dma_wait3A_186 = arith.constant 0 : i32
        %dma_wait3A_187 = tpu.memref_slice %arg9[%rem3A_154, %dma_wait3A_185, %dma_wait3A_186] : memref<2x128x128xf32, #tpu.memory_space<vmem>> -> memref<1x128x128xf32, #tpu.memory_space<vmem>>
        %dma_wait3A_188 = tpu.memref_squeeze %dma_wait3A_187 : memref<1x128x128xf32, #tpu.memory_space<vmem>> -> memref<128x128xf32, #tpu.memory_space<vmem>>
        %dma_wait3A_189 = arith.constant 0 : i32
        %dma_wait3A_190 = tpu.memref_slice %arg8[%rem3A_156, %rem3A_174, %dma_wait3A_189] : memref<2x16x128xi32, #tpu.memory_space<vmem>> -> memref<1x1x128xi32, #tpu.memory_space<vmem>>
        %dma_wait3A_191 = tpu.memref_squeeze %dma_wait3A_190 : memref<1x1x128xi32, #tpu.memory_space<vmem>> -> memref<128xi32, #tpu.memory_space<vmem>>
        %dma_wait3A_192 = arith.constant 0 : i32
        %dma_wait3A_193 = arith.constant 0 : i32
        %dma_wait3A_194 = tpu.memref_slice %arg12[%dma_wait3A_192, %dma_wait3A_193] : memref<10240x128xf32, #tpu.memory_space<vmem_shared>> -> memref<10240x128xf32, #tpu.memory_space<vmem_shared>>
        tpu.wait_indirect_dma semaphore(%run_scoped3A : memref<!tpu.dma_semaphore, #tpu.memory_space<semaphore_mem>>) src(%dma_wait3A_188 : memref<128x128xf32, #tpu.memory_space<vmem>>) dst(%dma_wait3A_194 : memref<10240x128xf32, #tpu.memory_space<vmem_shared>>)
        tpu.yield
      }) : () -> ()
    }
    %scan3A_123 = arith.constant 80 : i32
    %barrier3A_124 = arith.constant 0 : index
    tpu.barrier barrier_id(%barrier3A_124)
    %mul3A_125 = arith.constant 640 : i32
    %mul3A_126 = arith.muli %arg1, %mul3A_125 : i32
    %mul3A_127 = arith.constant 10240 : i32
    %mul3A_128 = arith.muli %arg0, %mul3A_127 : i32
    %mul3A_129 = arith.constant 640 : i32
    %mul3A_130 = arith.muli %arg1, %mul3A_129 : i32
    %add3A_131 = arith.addi %mul3A_128, %mul3A_130 : i32
    "tpu.region"() ({
      %run_scoped3A = tpu.sem_alloc : memref<!tpu.dma_semaphore, #tpu.memory_space<semaphore_mem>>
      %dma_start3A_132 = arith.constant 0 : i32
      %dma_start3A_133 = tpu.memref_slice %arg6[%add3A_131, %dma_start3A_132] : memref<20480x128xf32, #tpu.memory_space<hbm>> -> memref<640x128xf32, #tpu.memory_space<hbm>>
      %dma_start3A_134 = arith.constant 0 : i32
      %dma_start3A_135 = tpu.memref_slice %arg12[%mul3A_126, %dma_start3A_134] : memref<10240x128xf32, #tpu.memory_space<vmem_shared>> -> memref<640x128xf32, #tpu.memory_space<vmem_shared>>
      tpu.enqueue_dma source(%dma_start3A_135 : memref<640x128xf32, #tpu.memory_space<vmem_shared>>) target(%dma_start3A_133 : memref<640x128xf32, #tpu.memory_space<hbm>>) target_semaphore(%run_scoped3A : memref<!tpu.dma_semaphore, #tpu.memory_space<semaphore_mem>>)
      %dma_wait3A_136 = arith.constant 0 : i32
      %dma_wait3A_137 = tpu.memref_slice %arg6[%add3A_131, %dma_wait3A_136] : memref<20480x128xf32, #tpu.memory_space<hbm>> -> memref<640x128xf32, #tpu.memory_space<hbm>>
      %dma_wait3A_138 = arith.constant 0 : i32
      %dma_wait3A_139 = tpu.memref_slice %arg12[%mul3A_126, %dma_wait3A_138] : memref<10240x128xf32, #tpu.memory_space<vmem_shared>> -> memref<640x128xf32, #tpu.memory_space<vmem_shared>>
      tpu.wait_dma2 semaphore(%run_scoped3A : memref<!tpu.dma_semaphore, #tpu.memory_space<semaphore_mem>>) src(%dma_wait3A_139 : memref<640x128xf32, #tpu.memory_space<vmem_shared>>) dst(%dma_wait3A_137 : memref<640x128xf32, #tpu.memory_space<hbm>>)
      tpu.yield
    }) : () -> ()
    return
  }
}

#map = affine_map<(d0, d1) -> (0, 0)>
#map1 = affine_map<(d0, d1) -> (0)>
module attributes {stable_mosaic.version = 14 : i64} {
  func.func @k(%arg0: i32, %arg1: i32, %arg2: memref<2560x128xi32, #tpu.memory_space<hbm>>, %arg3: memref<2560x128xi32, #tpu.memory_space<hbm>>, %arg4: memref<640xf32, #tpu.memory_space<hbm>>, %arg5: memref<40960xf32, #tpu.memory_space<hbm>>, %arg6: memref<80x128xi32, #tpu.memory_space<vmem>>, %arg7: memref<80x128xi32, #tpu.memory_space<vmem>>, %arg8: memref<128xf32, #tpu.memory_space<vmem>>, %arg9: memref<4x!tpu.dma_semaphore, #tpu.memory_space<semaphore_mem>>, %arg10: memref<10240xf32, #tpu.memory_space<vmem_shared>>, %arg11: memref<10240xf32, #tpu.memory_space<vmem_shared>>) attributes {dimension_semantics = [#tpu.dimension_semantics<core_parallel>, #tpu.dimension_semantics<subcore_parallel>], iteration_bounds = array<i64: 2, 16>, scalar_prefetch = 0 : i64, scratch_operands = 6 : i64, tpu.core_type = #tpu.core_type<sc_vector_subcore>, window_params = [{transform_indices = #map}, {transform_indices = #map}, {transform_indices = #map1}, {transform_indices = #map1}]} {
    %mul3A = arith.constant 16 : i32
    %mul3A_0 = arith.muli %arg0, %mul3A : i32
    %add3A = arith.addi %mul3A_0, %arg1 : i32
    %mul3A_1 = arith.constant 80 : i32
    %mul3A_2 = arith.muli %add3A, %mul3A_1 : i32
    "tpu.region"() ({
      %run_scoped3A = tpu.sem_alloc : memref<!tpu.dma_semaphore, #tpu.memory_space<semaphore_mem>>
      %dma_start3A_132 = arith.constant 0 : i32
      %dma_start3A_133 = tpu.memref_slice %arg2[%mul3A_2, %dma_start3A_132] : memref<2560x128xi32, #tpu.memory_space<hbm>> -> memref<80x128xi32, #tpu.memory_space<hbm>>
      %dma_start3A_134 = arith.constant 0 : i32
      %dma_start3A_135 = tpu.memref_slice %arg2[%mul3A_2, %dma_start3A_134] : memref<2560x128xi32, #tpu.memory_space<hbm>> -> memref<80x128xi32, #tpu.memory_space<hbm>>
      tpu.enqueue_dma source(%dma_start3A_135 : memref<80x128xi32, #tpu.memory_space<hbm>>) target(%arg6 : memref<80x128xi32, #tpu.memory_space<vmem>>) target_semaphore(%run_scoped3A : memref<!tpu.dma_semaphore, #tpu.memory_space<semaphore_mem>>)
      %dma_wait3A = arith.constant 0 : i32
      %dma_wait3A_136 = tpu.memref_slice %arg2[%mul3A_2, %dma_wait3A] : memref<2560x128xi32, #tpu.memory_space<hbm>> -> memref<80x128xi32, #tpu.memory_space<hbm>>
      %dma_wait3A_137 = arith.constant 0 : i32
      %dma_wait3A_138 = tpu.memref_slice %arg2[%mul3A_2, %dma_wait3A_137] : memref<2560x128xi32, #tpu.memory_space<hbm>> -> memref<80x128xi32, #tpu.memory_space<hbm>>
      tpu.wait_dma2 semaphore(%run_scoped3A : memref<!tpu.dma_semaphore, #tpu.memory_space<semaphore_mem>>) src(%dma_wait3A_138 : memref<80x128xi32, #tpu.memory_space<hbm>>) dst(%arg6 : memref<80x128xi32, #tpu.memory_space<vmem>>)
      tpu.yield
    }) : () -> ()
    %mul3A_3 = arith.constant 80 : i32
    %mul3A_4 = arith.muli %add3A, %mul3A_3 : i32
    "tpu.region"() ({
      %run_scoped3A = tpu.sem_alloc : memref<!tpu.dma_semaphore, #tpu.memory_space<semaphore_mem>>
      %dma_start3A_132 = arith.constant 0 : i32
      %dma_start3A_133 = tpu.memref_slice %arg3[%mul3A_4, %dma_start3A_132] : memref<2560x128xi32, #tpu.memory_space<hbm>> -> memref<80x128xi32, #tpu.memory_space<hbm>>
      %dma_start3A_134 = arith.constant 0 : i32
      %dma_start3A_135 = tpu.memref_slice %arg3[%mul3A_4, %dma_start3A_134] : memref<2560x128xi32, #tpu.memory_space<hbm>> -> memref<80x128xi32, #tpu.memory_space<hbm>>
      tpu.enqueue_dma source(%dma_start3A_135 : memref<80x128xi32, #tpu.memory_space<hbm>>) target(%arg7 : memref<80x128xi32, #tpu.memory_space<vmem>>) target_semaphore(%run_scoped3A : memref<!tpu.dma_semaphore, #tpu.memory_space<semaphore_mem>>)
      %dma_wait3A = arith.constant 0 : i32
      %dma_wait3A_136 = tpu.memref_slice %arg3[%mul3A_4, %dma_wait3A] : memref<2560x128xi32, #tpu.memory_space<hbm>> -> memref<80x128xi32, #tpu.memory_space<hbm>>
      %dma_wait3A_137 = arith.constant 0 : i32
      %dma_wait3A_138 = tpu.memref_slice %arg3[%mul3A_4, %dma_wait3A_137] : memref<2560x128xi32, #tpu.memory_space<hbm>> -> memref<80x128xi32, #tpu.memory_space<hbm>>
      tpu.wait_dma2 semaphore(%run_scoped3A : memref<!tpu.dma_semaphore, #tpu.memory_space<semaphore_mem>>) src(%dma_wait3A_138 : memref<80x128xi32, #tpu.memory_space<hbm>>) dst(%arg7 : memref<80x128xi32, #tpu.memory_space<vmem>>)
      tpu.yield
    }) : () -> ()
    %broadcast_in_dim3A = arith.constant 1.000000e+00 : f32
    %broadcast_in_dim3A_5 = vector.broadcast %broadcast_in_dim3A : f32 to vector<16xf32>
    %swap3A = arith.constant 0 : index
    %swap3A_6 = tpu.vector_load %arg8[%swap3A] {strides = array<i32>} : memref<128xf32, #tpu.memory_space<vmem>>, vector<16xf32>,
    %swap3A_7 = vector.shape_cast %swap3A_6 : vector<16xf32> to vector<16xf32>
    %swap3A_8 = vector.shape_cast %broadcast_in_dim3A_5 : vector<16xf32> to vector<16xf32>
    tpu.vector_store %arg8[%swap3A], %swap3A_8 {strides = array<i32>} : memref<128xf32, #tpu.memory_space<vmem>>, vector<16xf32>,
    %broadcast_in_dim3A_9 = arith.constant 1.000000e+00 : f32
    %broadcast_in_dim3A_10 = vector.broadcast %broadcast_in_dim3A_9 : f32 to vector<16xf32>
    %swap3A_11 = arith.constant 16 : index
    %swap3A_12 = tpu.vector_load %arg8[%swap3A_11] {strides = array<i32>} : memref<128xf32, #tpu.memory_space<vmem>>, vector<16xf32>,
    %swap3A_13 = vector.shape_cast %swap3A_12 : vector<16xf32> to vector<16xf32>
    %swap3A_14 = vector.shape_cast %broadcast_in_dim3A_10 : vector<16xf32> to vector<16xf32>
    tpu.vector_store %arg8[%swap3A_11], %swap3A_14 {strides = array<i32>} : memref<128xf32, #tpu.memory_space<vmem>>, vector<16xf32>,
    %broadcast_in_dim3A_15 = arith.constant 1.000000e+00 : f32
    %broadcast_in_dim3A_16 = vector.broadcast %broadcast_in_dim3A_15 : f32 to vector<16xf32>
    %swap3A_17 = arith.constant 32 : index
    %swap3A_18 = tpu.vector_load %arg8[%swap3A_17] {strides = array<i32>} : memref<128xf32, #tpu.memory_space<vmem>>, vector<16xf32>,
    %swap3A_19 = vector.shape_cast %swap3A_18 : vector<16xf32> to vector<16xf32>
    %swap3A_20 = vector.shape_cast %broadcast_in_dim3A_16 : vector<16xf32> to vector<16xf32>
    tpu.vector_store %arg8[%swap3A_17], %swap3A_20 {strides = array<i32>} : memref<128xf32, #tpu.memory_space<vmem>>, vector<16xf32>,
    %broadcast_in_dim3A_21 = arith.constant 1.000000e+00 : f32
    %broadcast_in_dim3A_22 = vector.broadcast %broadcast_in_dim3A_21 : f32 to vector<16xf32>
    %swap3A_23 = arith.constant 48 : index
    %swap3A_24 = tpu.vector_load %arg8[%swap3A_23] {strides = array<i32>} : memref<128xf32, #tpu.memory_space<vmem>>, vector<16xf32>,
    %swap3A_25 = vector.shape_cast %swap3A_24 : vector<16xf32> to vector<16xf32>
    %swap3A_26 = vector.shape_cast %broadcast_in_dim3A_22 : vector<16xf32> to vector<16xf32>
    tpu.vector_store %arg8[%swap3A_23], %swap3A_26 {strides = array<i32>} : memref<128xf32, #tpu.memory_space<vmem>>, vector<16xf32>,
    %broadcast_in_dim3A_27 = arith.constant 1.000000e+00 : f32
    %broadcast_in_dim3A_28 = vector.broadcast %broadcast_in_dim3A_27 : f32 to vector<16xf32>
    %swap3A_29 = arith.constant 64 : index
    %swap3A_30 = tpu.vector_load %arg8[%swap3A_29] {strides = array<i32>} : memref<128xf32, #tpu.memory_space<vmem>>, vector<16xf32>,
    %swap3A_31 = vector.shape_cast %swap3A_30 : vector<16xf32> to vector<16xf32>
    %swap3A_32 = vector.shape_cast %broadcast_in_dim3A_28 : vector<16xf32> to vector<16xf32>
    tpu.vector_store %arg8[%swap3A_29], %swap3A_32 {strides = array<i32>} : memref<128xf32, #tpu.memory_space<vmem>>, vector<16xf32>,
    %broadcast_in_dim3A_33 = arith.constant 1.000000e+00 : f32
    %broadcast_in_dim3A_34 = vector.broadcast %broadcast_in_dim3A_33 : f32 to vector<16xf32>
    %swap3A_35 = arith.constant 80 : index
    %swap3A_36 = tpu.vector_load %arg8[%swap3A_35] {strides = array<i32>} : memref<128xf32, #tpu.memory_space<vmem>>, vector<16xf32>,
    %swap3A_37 = vector.shape_cast %swap3A_36 : vector<16xf32> to vector<16xf32>
    %swap3A_38 = vector.shape_cast %broadcast_in_dim3A_34 : vector<16xf32> to vector<16xf32>
    tpu.vector_store %arg8[%swap3A_35], %swap3A_38 {strides = array<i32>} : memref<128xf32, #tpu.memory_space<vmem>>, vector<16xf32>,
    %broadcast_in_dim3A_39 = arith.constant 1.000000e+00 : f32
    %broadcast_in_dim3A_40 = vector.broadcast %broadcast_in_dim3A_39 : f32 to vector<16xf32>
    %swap3A_41 = arith.constant 96 : index
    %swap3A_42 = tpu.vector_load %arg8[%swap3A_41] {strides = array<i32>} : memref<128xf32, #tpu.memory_space<vmem>>, vector<16xf32>,
    %swap3A_43 = vector.shape_cast %swap3A_42 : vector<16xf32> to vector<16xf32>
    %swap3A_44 = vector.shape_cast %broadcast_in_dim3A_40 : vector<16xf32> to vector<16xf32>
    tpu.vector_store %arg8[%swap3A_41], %swap3A_44 {strides = array<i32>} : memref<128xf32, #tpu.memory_space<vmem>>, vector<16xf32>,
    %broadcast_in_dim3A_45 = arith.constant 1.000000e+00 : f32
    %broadcast_in_dim3A_46 = vector.broadcast %broadcast_in_dim3A_45 : f32 to vector<16xf32>
    %swap3A_47 = arith.constant 112 : index
    %swap3A_48 = tpu.vector_load %arg8[%swap3A_47] {strides = array<i32>} : memref<128xf32, #tpu.memory_space<vmem>>, vector<16xf32>,
    %swap3A_49 = vector.shape_cast %swap3A_48 : vector<16xf32> to vector<16xf32>
    %swap3A_50 = vector.shape_cast %broadcast_in_dim3A_46 : vector<16xf32> to vector<16xf32>
    tpu.vector_store %arg8[%swap3A_47], %swap3A_50 {strides = array<i32>} : memref<128xf32, #tpu.memory_space<vmem>>, vector<16xf32>,
    %mul3A_51 = arith.constant 640 : i32
    %mul3A_52 = arith.muli %arg1, %mul3A_51 : i32
    "tpu.region"() ({
      %run_scoped3A = tpu.sem_alloc : memref<!tpu.dma_semaphore, #tpu.memory_space<semaphore_mem>>
      %dma_start3A_132 = tpu.memref_slice %arg10[%mul3A_52] : memref<10240xf32, #tpu.memory_space<vmem_shared>> -> memref<640xf32, #tpu.memory_space<vmem_shared>>
      tpu.enqueue_dma source(%arg4 : memref<640xf32, #tpu.memory_space<hbm>>) target(%dma_start3A_132 : memref<640xf32, #tpu.memory_space<vmem_shared>>) target_semaphore(%run_scoped3A : memref<!tpu.dma_semaphore, #tpu.memory_space<semaphore_mem>>)
      %dma_wait3A = tpu.memref_slice %arg10[%mul3A_52] : memref<10240xf32, #tpu.memory_space<vmem_shared>> -> memref<640xf32, #tpu.memory_space<vmem_shared>>
      tpu.wait_dma2 semaphore(%run_scoped3A : memref<!tpu.dma_semaphore, #tpu.memory_space<semaphore_mem>>) src(%arg4 : memref<640xf32, #tpu.memory_space<hbm>>) dst(%dma_wait3A : memref<640xf32, #tpu.memory_space<vmem_shared>>)
      tpu.yield
    }) : () -> ()
    %mul3A_53 = arith.constant 640 : i32
    %mul3A_54 = arith.muli %arg1, %mul3A_53 : i32
    "tpu.region"() ({
      %run_scoped3A = tpu.sem_alloc : memref<!tpu.dma_semaphore, #tpu.memory_space<semaphore_mem>>
      %dma_start3A_132 = tpu.memref_slice %arg11[%mul3A_54] : memref<10240xf32, #tpu.memory_space<vmem_shared>> -> memref<640xf32, #tpu.memory_space<vmem_shared>>
      tpu.enqueue_dma source(%arg4 : memref<640xf32, #tpu.memory_space<hbm>>) target(%dma_start3A_132 : memref<640xf32, #tpu.memory_space<vmem_shared>>) target_semaphore(%run_scoped3A : memref<!tpu.dma_semaphore, #tpu.memory_space<semaphore_mem>>)
      %dma_wait3A = tpu.memref_slice %arg11[%mul3A_54] : memref<10240xf32, #tpu.memory_space<vmem_shared>> -> memref<640xf32, #tpu.memory_space<vmem_shared>>
      tpu.wait_dma2 semaphore(%run_scoped3A : memref<!tpu.dma_semaphore, #tpu.memory_space<semaphore_mem>>) src(%arg4 : memref<640xf32, #tpu.memory_space<hbm>>) dst(%dma_wait3A : memref<640xf32, #tpu.memory_space<vmem_shared>>)
      tpu.yield
    }) : () -> ()
    %barrier3A = arith.constant 0 : index
    tpu.barrier barrier_id(%barrier3A)
    %rem3A = arith.constant 0 : i32
    %rem3A_55 = arith.constant 4 : i32
    %rem3A_56 = arith.remsi %rem3A, %rem3A_55 : i32
    %dma_start3A = arith.constant 0 : i32
    %dma_start3A_57 = arith.constant 0 : i32
    %dma_start3A_58 = tpu.memref_slice %arg6[%dma_start3A, %dma_start3A_57] : memref<80x128xi32, #tpu.memory_space<vmem>> -> memref<1x128xi32, #tpu.memory_space<vmem>>
    %dma_start3A_59 = tpu.memref_squeeze %dma_start3A_58 : memref<1x128xi32, #tpu.memory_space<vmem>> -> memref<128xi32, #tpu.memory_space<vmem>>
    %dma_start3A_60 = arith.constant 0 : i32
    %dma_start3A_61 = tpu.memref_slice %arg10[%dma_start3A_60] : memref<10240xf32, #tpu.memory_space<vmem_shared>> -> memref<10240xf32, #tpu.memory_space<vmem_shared>>
    %dma_start3A_62 = tpu.memref_slice %arg9[%rem3A_56] : memref<4x!tpu.dma_semaphore, #tpu.memory_space<semaphore_mem>> -> memref<1x!tpu.dma_semaphore, #tpu.memory_space<semaphore_mem>>
    %dma_start3A_63 = tpu.memref_squeeze %dma_start3A_62 : memref<1x!tpu.dma_semaphore, #tpu.memory_space<semaphore_mem>> -> memref<!tpu.dma_semaphore, #tpu.memory_space<semaphore_mem>>
    tpu.enqueue_indirect_dma source(%arg8 : memref<128xf32, #tpu.memory_space<vmem>>) target(%dma_start3A_61 : memref<10240xf32, #tpu.memory_space<vmem_shared>>) offsets(%dma_start3A_59 : memref<128xi32, #tpu.memory_space<vmem>>) semaphore(%dma_start3A_63 : memref<!tpu.dma_semaphore, #tpu.memory_space<semaphore_mem>>) {add = true}
    %dma_start3A_64 = arith.constant 0 : i32
    %dma_start3A_65 = arith.constant 0 : i32
    %dma_start3A_66 = tpu.memref_slice %arg7[%dma_start3A_64, %dma_start3A_65] : memref<80x128xi32, #tpu.memory_space<vmem>> -> memref<1x128xi32, #tpu.memory_space<vmem>>
    %dma_start3A_67 = tpu.memref_squeeze %dma_start3A_66 : memref<1x128xi32, #tpu.memory_space<vmem>> -> memref<128xi32, #tpu.memory_space<vmem>>
    %dma_start3A_68 = arith.constant 0 : i32
    %dma_start3A_69 = tpu.memref_slice %arg11[%dma_start3A_68] : memref<10240xf32, #tpu.memory_space<vmem_shared>> -> memref<10240xf32, #tpu.memory_space<vmem_shared>>
    %dma_start3A_70 = tpu.memref_slice %arg9[%rem3A_56] : memref<4x!tpu.dma_semaphore, #tpu.memory_space<semaphore_mem>> -> memref<1x!tpu.dma_semaphore, #tpu.memory_space<semaphore_mem>>
    %dma_start3A_71 = tpu.memref_squeeze %dma_start3A_70 : memref<1x!tpu.dma_semaphore, #tpu.memory_space<semaphore_mem>> -> memref<!tpu.dma_semaphore, #tpu.memory_space<semaphore_mem>>
    tpu.enqueue_indirect_dma source(%arg8 : memref<128xf32, #tpu.memory_space<vmem>>) target(%dma_start3A_69 : memref<10240xf32, #tpu.memory_space<vmem_shared>>) offsets(%dma_start3A_67 : memref<128xi32, #tpu.memory_space<vmem>>) semaphore(%dma_start3A_71 : memref<!tpu.dma_semaphore, #tpu.memory_space<semaphore_mem>>) {add = true}
    %rem3A_72 = arith.constant 1 : i32
    %rem3A_73 = arith.constant 4 : i32
    %rem3A_74 = arith.remsi %rem3A_72, %rem3A_73 : i32
    %dma_start3A_75 = arith.constant 1 : i32
    %dma_start3A_76 = arith.constant 0 : i32
    %dma_start3A_77 = tpu.memref_slice %arg6[%dma_start3A_75, %dma_start3A_76] : memref<80x128xi32, #tpu.memory_space<vmem>> -> memref<1x128xi32, #tpu.memory_space<vmem>>
    %dma_start3A_78 = tpu.memref_squeeze %dma_start3A_77 : memref<1x128xi32, #tpu.memory_space<vmem>> -> memref<128xi32, #tpu.memory_space<vmem>>
    %dma_start3A_79 = arith.constant 0 : i32
    %dma_start3A_80 = tpu.memref_slice %arg10[%dma_start3A_79] : memref<10240xf32, #tpu.memory_space<vmem_shared>> -> memref<10240xf32, #tpu.memory_space<vmem_shared>>
    %dma_start3A_81 = tpu.memref_slice %arg9[%rem3A_74] : memref<4x!tpu.dma_semaphore, #tpu.memory_space<semaphore_mem>> -> memref<1x!tpu.dma_semaphore, #tpu.memory_space<semaphore_mem>>
    %dma_start3A_82 = tpu.memref_squeeze %dma_start3A_81 : memref<1x!tpu.dma_semaphore, #tpu.memory_space<semaphore_mem>> -> memref<!tpu.dma_semaphore, #tpu.memory_space<semaphore_mem>>
    tpu.enqueue_indirect_dma source(%arg8 : memref<128xf32, #tpu.memory_space<vmem>>) target(%dma_start3A_80 : memref<10240xf32, #tpu.memory_space<vmem_shared>>) offsets(%dma_start3A_78 : memref<128xi32, #tpu.memory_space<vmem>>) semaphore(%dma_start3A_82 : memref<!tpu.dma_semaphore, #tpu.memory_space<semaphore_mem>>) {add = true}
    %dma_start3A_83 = arith.constant 1 : i32
    %dma_start3A_84 = arith.constant 0 : i32
    %dma_start3A_85 = tpu.memref_slice %arg7[%dma_start3A_83, %dma_start3A_84] : memref<80x128xi32, #tpu.memory_space<vmem>> -> memref<1x128xi32, #tpu.memory_space<vmem>>
    %dma_start3A_86 = tpu.memref_squeeze %dma_start3A_85 : memref<1x128xi32, #tpu.memory_space<vmem>> -> memref<128xi32, #tpu.memory_space<vmem>>
    %dma_start3A_87 = arith.constant 0 : i32
    %dma_start3A_88 = tpu.memref_slice %arg11[%dma_start3A_87] : memref<10240xf32, #tpu.memory_space<vmem_shared>> -> memref<10240xf32, #tpu.memory_space<vmem_shared>>
    %dma_start3A_89 = tpu.memref_slice %arg9[%rem3A_74] : memref<4x!tpu.dma_semaphore, #tpu.memory_space<semaphore_mem>> -> memref<1x!tpu.dma_semaphore, #tpu.memory_space<semaphore_mem>>
    %dma_start3A_90 = tpu.memref_squeeze %dma_start3A_89 : memref<1x!tpu.dma_semaphore, #tpu.memory_space<semaphore_mem>> -> memref<!tpu.dma_semaphore, #tpu.memory_space<semaphore_mem>>
    tpu.enqueue_indirect_dma source(%arg8 : memref<128xf32, #tpu.memory_space<vmem>>) target(%dma_start3A_88 : memref<10240xf32, #tpu.memory_space<vmem_shared>>) offsets(%dma_start3A_86 : memref<128xi32, #tpu.memory_space<vmem>>) semaphore(%dma_start3A_90 : memref<!tpu.dma_semaphore, #tpu.memory_space<semaphore_mem>>) {add = true}
    %rem3A_91 = arith.constant 2 : i32
    %rem3A_92 = arith.constant 4 : i32
    %rem3A_93 = arith.remsi %rem3A_91, %rem3A_92 : i32
    %dma_start3A_94 = arith.constant 2 : i32
    %dma_start3A_95 = arith.constant 0 : i32
    %dma_start3A_96 = tpu.memref_slice %arg6[%dma_start3A_94, %dma_start3A_95] : memref<80x128xi32, #tpu.memory_space<vmem>> -> memref<1x128xi32, #tpu.memory_space<vmem>>
    %dma_start3A_97 = tpu.memref_squeeze %dma_start3A_96 : memref<1x128xi32, #tpu.memory_space<vmem>> -> memref<128xi32, #tpu.memory_space<vmem>>
    %dma_start3A_98 = arith.constant 0 : i32
    %dma_start3A_99 = tpu.memref_slice %arg10[%dma_start3A_98] : memref<10240xf32, #tpu.memory_space<vmem_shared>> -> memref<10240xf32, #tpu.memory_space<vmem_shared>>
    %dma_start3A_100 = tpu.memref_slice %arg9[%rem3A_93] : memref<4x!tpu.dma_semaphore, #tpu.memory_space<semaphore_mem>> -> memref<1x!tpu.dma_semaphore, #tpu.memory_space<semaphore_mem>>
    %dma_start3A_101 = tpu.memref_squeeze %dma_start3A_100 : memref<1x!tpu.dma_semaphore, #tpu.memory_space<semaphore_mem>> -> memref<!tpu.dma_semaphore, #tpu.memory_space<semaphore_mem>>
    tpu.enqueue_indirect_dma source(%arg8 : memref<128xf32, #tpu.memory_space<vmem>>) target(%dma_start3A_99 : memref<10240xf32, #tpu.memory_space<vmem_shared>>) offsets(%dma_start3A_97 : memref<128xi32, #tpu.memory_space<vmem>>) semaphore(%dma_start3A_101 : memref<!tpu.dma_semaphore, #tpu.memory_space<semaphore_mem>>) {add = true}
    %dma_start3A_102 = arith.constant 2 : i32
    %dma_start3A_103 = arith.constant 0 : i32
    %dma_start3A_104 = tpu.memref_slice %arg7[%dma_start3A_102, %dma_start3A_103] : memref<80x128xi32, #tpu.memory_space<vmem>> -> memref<1x128xi32, #tpu.memory_space<vmem>>
    %dma_start3A_105 = tpu.memref_squeeze %dma_start3A_104 : memref<1x128xi32, #tpu.memory_space<vmem>> -> memref<128xi32, #tpu.memory_space<vmem>>
    %dma_start3A_106 = arith.constant 0 : i32
    %dma_start3A_107 = tpu.memref_slice %arg11[%dma_start3A_106] : memref<10240xf32, #tpu.memory_space<vmem_shared>> -> memref<10240xf32, #tpu.memory_space<vmem_shared>>
    %dma_start3A_108 = tpu.memref_slice %arg9[%rem3A_93] : memref<4x!tpu.dma_semaphore, #tpu.memory_space<semaphore_mem>> -> memref<1x!tpu.dma_semaphore, #tpu.memory_space<semaphore_mem>>
    %dma_start3A_109 = tpu.memref_squeeze %dma_start3A_108 : memref<1x!tpu.dma_semaphore, #tpu.memory_space<semaphore_mem>> -> memref<!tpu.dma_semaphore, #tpu.memory_space<semaphore_mem>>
    tpu.enqueue_indirect_dma source(%arg8 : memref<128xf32, #tpu.memory_space<vmem>>) target(%dma_start3A_107 : memref<10240xf32, #tpu.memory_space<vmem_shared>>) offsets(%dma_start3A_105 : memref<128xi32, #tpu.memory_space<vmem>>) semaphore(%dma_start3A_109 : memref<!tpu.dma_semaphore, #tpu.memory_space<semaphore_mem>>) {add = true}
    %scan3A = arith.constant 0 : i32
    %scan3A_110 = arith.constant 0 : i32
    %scan3A_111 = arith.constant 80 : i32
    %scan3A_112 = arith.addi %scan3A_110, %scan3A_111 : i32
    %scan3A_113 = arith.constant 1 : i32
    scf.for %scan3A_132 = %scan3A_110 to %scan3A_112 step %scan3A_113  : i32 {
      %add3A_133 = arith.constant 3 : i32
      %add3A_134 = arith.addi %scan3A_132, %add3A_133 : i32
      %lt3A = arith.constant 80 : i32
      %lt3A_135 = arith.cmpi slt, %add3A_134, %lt3A : i32
      %convert_element_type3A = arith.extui %lt3A_135 : i1 to i32
      %cond3A = arith.constant 0 : i32
      %cond3A_136 = arith.cmpi ne, %convert_element_type3A, %cond3A : i32
      scf.if %cond3A_136 {
        %add3A_154 = arith.constant 3 : i32
        %add3A_155 = arith.addi %scan3A_132, %add3A_154 : i32
        %rem3A_156 = arith.constant 4 : i32
        %rem3A_157 = arith.remsi %add3A_155, %rem3A_156 : i32
        %dma_start3A_158 = arith.constant 0 : i32
        %dma_start3A_159 = tpu.memref_slice %arg6[%add3A_155, %dma_start3A_158] : memref<80x128xi32, #tpu.memory_space<vmem>> -> memref<1x128xi32, #tpu.memory_space<vmem>>
        %dma_start3A_160 = tpu.memref_squeeze %dma_start3A_159 : memref<1x128xi32, #tpu.memory_space<vmem>> -> memref<128xi32, #tpu.memory_space<vmem>>
        %dma_start3A_161 = arith.constant 0 : i32
        %dma_start3A_162 = tpu.memref_slice %arg10[%dma_start3A_161] : memref<10240xf32, #tpu.memory_space<vmem_shared>> -> memref<10240xf32, #tpu.memory_space<vmem_shared>>
        %dma_start3A_163 = tpu.memref_slice %arg9[%rem3A_157] : memref<4x!tpu.dma_semaphore, #tpu.memory_space<semaphore_mem>> -> memref<1x!tpu.dma_semaphore, #tpu.memory_space<semaphore_mem>>
        %dma_start3A_164 = tpu.memref_squeeze %dma_start3A_163 : memref<1x!tpu.dma_semaphore, #tpu.memory_space<semaphore_mem>> -> memref<!tpu.dma_semaphore, #tpu.memory_space<semaphore_mem>>
        tpu.enqueue_indirect_dma source(%arg8 : memref<128xf32, #tpu.memory_space<vmem>>) target(%dma_start3A_162 : memref<10240xf32, #tpu.memory_space<vmem_shared>>) offsets(%dma_start3A_160 : memref<128xi32, #tpu.memory_space<vmem>>) semaphore(%dma_start3A_164 : memref<!tpu.dma_semaphore, #tpu.memory_space<semaphore_mem>>) {add = true}
        %dma_start3A_165 = arith.constant 0 : i32
        %dma_start3A_166 = tpu.memref_slice %arg7[%add3A_155, %dma_start3A_165] : memref<80x128xi32, #tpu.memory_space<vmem>> -> memref<1x128xi32, #tpu.memory_space<vmem>>
        %dma_start3A_167 = tpu.memref_squeeze %dma_start3A_166 : memref<1x128xi32, #tpu.memory_space<vmem>> -> memref<128xi32, #tpu.memory_space<vmem>>
        %dma_start3A_168 = arith.constant 0 : i32
        %dma_start3A_169 = tpu.memref_slice %arg11[%dma_start3A_168] : memref<10240xf32, #tpu.memory_space<vmem_shared>> -> memref<10240xf32, #tpu.memory_space<vmem_shared>>
        %dma_start3A_170 = tpu.memref_slice %arg9[%rem3A_157] : memref<4x!tpu.dma_semaphore, #tpu.memory_space<semaphore_mem>> -> memref<1x!tpu.dma_semaphore, #tpu.memory_space<semaphore_mem>>
        %dma_start3A_171 = tpu.memref_squeeze %dma_start3A_170 : memref<1x!tpu.dma_semaphore, #tpu.memory_space<semaphore_mem>> -> memref<!tpu.dma_semaphore, #tpu.memory_space<semaphore_mem>>
        tpu.enqueue_indirect_dma source(%arg8 : memref<128xf32, #tpu.memory_space<vmem>>) target(%dma_start3A_169 : memref<10240xf32, #tpu.memory_space<vmem_shared>>) offsets(%dma_start3A_167 : memref<128xi32, #tpu.memory_space<vmem>>) semaphore(%dma_start3A_171 : memref<!tpu.dma_semaphore, #tpu.memory_space<semaphore_mem>>) {add = true}
      } else {
      }
      %rem3A_137 = arith.constant 4 : i32
      %rem3A_138 = arith.remsi %scan3A_132, %rem3A_137 : i32
      %dma_wait3A = arith.constant 0 : i32
      %dma_wait3A_139 = arith.constant 0 : i32
      %dma_wait3A_140 = tpu.memref_slice %arg6[%dma_wait3A, %dma_wait3A_139] : memref<80x128xi32, #tpu.memory_space<vmem>> -> memref<1x128xi32, #tpu.memory_space<vmem>>
      %dma_wait3A_141 = tpu.memref_squeeze %dma_wait3A_140 : memref<1x128xi32, #tpu.memory_space<vmem>> -> memref<128xi32, #tpu.memory_space<vmem>>
      %dma_wait3A_142 = arith.constant 0 : i32
      %dma_wait3A_143 = tpu.memref_slice %arg10[%dma_wait3A_142] : memref<10240xf32, #tpu.memory_space<vmem_shared>> -> memref<10240xf32, #tpu.memory_space<vmem_shared>>
      %dma_wait3A_144 = tpu.memref_slice %arg9[%rem3A_138] : memref<4x!tpu.dma_semaphore, #tpu.memory_space<semaphore_mem>> -> memref<1x!tpu.dma_semaphore, #tpu.memory_space<semaphore_mem>>
      %dma_wait3A_145 = tpu.memref_squeeze %dma_wait3A_144 : memref<1x!tpu.dma_semaphore, #tpu.memory_space<semaphore_mem>> -> memref<!tpu.dma_semaphore, #tpu.memory_space<semaphore_mem>>
      tpu.wait_indirect_dma semaphore(%dma_wait3A_145 : memref<!tpu.dma_semaphore, #tpu.memory_space<semaphore_mem>>) src(%arg8 : memref<128xf32, #tpu.memory_space<vmem>>) dst(%dma_wait3A_143 : memref<10240xf32, #tpu.memory_space<vmem_shared>>)
      %dma_wait3A_146 = arith.constant 0 : i32
      %dma_wait3A_147 = arith.constant 0 : i32
      %dma_wait3A_148 = tpu.memref_slice %arg7[%dma_wait3A_146, %dma_wait3A_147] : memref<80x128xi32, #tpu.memory_space<vmem>> -> memref<1x128xi32, #tpu.memory_space<vmem>>
      %dma_wait3A_149 = tpu.memref_squeeze %dma_wait3A_148 : memref<1x128xi32, #tpu.memory_space<vmem>> -> memref<128xi32, #tpu.memory_space<vmem>>
      %dma_wait3A_150 = arith.constant 0 : i32
      %dma_wait3A_151 = tpu.memref_slice %arg11[%dma_wait3A_150] : memref<10240xf32, #tpu.memory_space<vmem_shared>> -> memref<10240xf32, #tpu.memory_space<vmem_shared>>
      %dma_wait3A_152 = tpu.memref_slice %arg9[%rem3A_138] : memref<4x!tpu.dma_semaphore, #tpu.memory_space<semaphore_mem>> -> memref<1x!tpu.dma_semaphore, #tpu.memory_space<semaphore_mem>>
      %dma_wait3A_153 = tpu.memref_squeeze %dma_wait3A_152 : memref<1x!tpu.dma_semaphore, #tpu.memory_space<semaphore_mem>> -> memref<!tpu.dma_semaphore, #tpu.memory_space<semaphore_mem>>
      tpu.wait_indirect_dma semaphore(%dma_wait3A_153 : memref<!tpu.dma_semaphore, #tpu.memory_space<semaphore_mem>>) src(%arg8 : memref<128xf32, #tpu.memory_space<vmem>>) dst(%dma_wait3A_151 : memref<10240xf32, #tpu.memory_space<vmem_shared>>)
    }
    %scan3A_114 = arith.constant 80 : i32
    %barrier3A_115 = arith.constant 0 : index
    tpu.barrier barrier_id(%barrier3A_115)
    %mul3A_116 = arith.constant 640 : i32
    %mul3A_117 = arith.muli %arg1, %mul3A_116 : i32
    %mul3A_118 = arith.constant 10240 : i32
    %mul3A_119 = arith.muli %arg0, %mul3A_118 : i32
    %mul3A_120 = arith.constant 640 : i32
    %mul3A_121 = arith.muli %arg1, %mul3A_120 : i32
    %add3A_122 = arith.addi %mul3A_119, %mul3A_121 : i32
    "tpu.region"() ({
      %run_scoped3A = tpu.sem_alloc : memref<!tpu.dma_semaphore, #tpu.memory_space<semaphore_mem>>
      %dma_start3A_132 = tpu.memref_slice %arg5[%add3A_122] : memref<40960xf32, #tpu.memory_space<hbm>> -> memref<640xf32, #tpu.memory_space<hbm>>
      %dma_start3A_133 = tpu.memref_slice %arg10[%mul3A_117] : memref<10240xf32, #tpu.memory_space<vmem_shared>> -> memref<640xf32, #tpu.memory_space<vmem_shared>>
      tpu.enqueue_dma source(%dma_start3A_133 : memref<640xf32, #tpu.memory_space<vmem_shared>>) target(%dma_start3A_132 : memref<640xf32, #tpu.memory_space<hbm>>) target_semaphore(%run_scoped3A : memref<!tpu.dma_semaphore, #tpu.memory_space<semaphore_mem>>)
      %dma_wait3A = tpu.memref_slice %arg5[%add3A_122] : memref<40960xf32, #tpu.memory_space<hbm>> -> memref<640xf32, #tpu.memory_space<hbm>>
      %dma_wait3A_134 = tpu.memref_slice %arg10[%mul3A_117] : memref<10240xf32, #tpu.memory_space<vmem_shared>> -> memref<640xf32, #tpu.memory_space<vmem_shared>>
      tpu.wait_dma2 semaphore(%run_scoped3A : memref<!tpu.dma_semaphore, #tpu.memory_space<semaphore_mem>>) src(%dma_wait3A_134 : memref<640xf32, #tpu.memory_space<vmem_shared>>) dst(%dma_wait3A : memref<640xf32, #tpu.memory_space<hbm>>)
      tpu.yield
    }) : () -> ()
    %mul3A_123 = arith.constant 640 : i32
    %mul3A_124 = arith.muli %arg1, %mul3A_123 : i32
    %add3A_125 = arith.constant 2 : i32
    %add3A_126 = arith.addi %add3A_125, %arg0 : i32
    %mul3A_127 = arith.constant 10240 : i32
    %mul3A_128 = arith.muli %add3A_126, %mul3A_127 : i32
    %mul3A_129 = arith.constant 640 : i32
    %mul3A_130 = arith.muli %arg1, %mul3A_129 : i32
    %add3A_131 = arith.addi %mul3A_128, %mul3A_130 : i32
    "tpu.region"() ({
      %run_scoped3A = tpu.sem_alloc : memref<!tpu.dma_semaphore, #tpu.memory_space<semaphore_mem>>
      %dma_start3A_132 = tpu.memref_slice %arg5[%add3A_131] : memref<40960xf32, #tpu.memory_space<hbm>> -> memref<640xf32, #tpu.memory_space<hbm>>
      %dma_start3A_133 = tpu.memref_slice %arg11[%mul3A_124] : memref<10240xf32, #tpu.memory_space<vmem_shared>> -> memref<640xf32, #tpu.memory_space<vmem_shared>>
      tpu.enqueue_dma source(%dma_start3A_133 : memref<640xf32, #tpu.memory_space<vmem_shared>>) target(%dma_start3A_132 : memref<640xf32, #tpu.memory_space<hbm>>) target_semaphore(%run_scoped3A : memref<!tpu.dma_semaphore, #tpu.memory_space<semaphore_mem>>)
      %dma_wait3A = tpu.memref_slice %arg5[%add3A_131] : memref<40960xf32, #tpu.memory_space<hbm>> -> memref<640xf32, #tpu.memory_space<hbm>>
      %dma_wait3A_134 = tpu.memref_slice %arg11[%mul3A_124] : memref<10240xf32, #tpu.memory_space<vmem_shared>> -> memref<640xf32, #tpu.memory_space<vmem_shared>>
      tpu.wait_dma2 semaphore(%run_scoped3A : memref<!tpu.dma_semaphore, #tpu.memory_space<semaphore_mem>>) src(%dma_wait3A_134 : memref<640xf32, #tpu.memory_space<vmem_shared>>) dst(%dma_wait3A : memref<640xf32, #tpu.memory_space<hbm>>)
      tpu.yield
    }) : () -> ()
    return
  }
}

#map = affine_map<(d0, d1) -> (0, 0)>
module attributes {stable_mosaic.version = 14 : i64} {
  func.func @k(%arg0: i32, %arg1: i32, %arg2: memref<10240x128xf32, #tpu.memory_space<hbm>>, %arg3: memref<2560x128xi32, #tpu.memory_space<hbm>>, %arg4: memref<2560x128xi32, #tpu.memory_space<hbm>>, %arg5: memref<640x128xf32, #tpu.memory_space<hbm>>, %arg6: memref<20480x128xf32, #tpu.memory_space<hbm>>, %arg7: memref<2x16x128xi32, #tpu.memory_space<vmem>>, %arg8: memref<2x16x128xi32, #tpu.memory_space<vmem>>, %arg9: memref<2x128x128xf32, #tpu.memory_space<vmem>>, %arg10: memref<2x!tpu.dma_semaphore, #tpu.memory_space<semaphore_mem>>, %arg11: memref<2x!tpu.dma_semaphore, #tpu.memory_space<semaphore_mem>>, %arg12: memref<10240x128xf32, #tpu.memory_space<vmem_shared>>) attributes {dimension_semantics = [#tpu.dimension_semantics<core_parallel>, #tpu.dimension_semantics<subcore_parallel>], iteration_bounds = array<i64: 2, 16>, scalar_prefetch = 0 : i64, scratch_operands = 6 : i64, tpu.core_type = #tpu.core_type<sc_vector_subcore>, window_params = [{transform_indices = #map}, {transform_indices = #map}, {transform_indices = #map}, {transform_indices = #map}, {transform_indices = #map}]} {
    %mul3A = arith.constant 16 : i32
    %mul3A_0 = arith.muli %arg0, %mul3A : i32
    %add3A = arith.addi %mul3A_0, %arg1 : i32
    %mul3A_1 = arith.constant 80 : i32
    %mul3A_2 = arith.muli %add3A, %mul3A_1 : i32
    %add3A_3 = arith.constant 0 : i32
    %add3A_4 = arith.addi %mul3A_2, %add3A_3 : i32
    %dma_start3A = arith.constant 0 : i32
    %dma_start3A_5 = arith.constant 0 : i32
    %dma_start3A_6 = arith.constant 0 : i32
    %dma_start3A_7 = arith.constant 0 : i32
    %dma_start3A_8 = tpu.memref_slice %arg7[%dma_start3A, %dma_start3A_6, %dma_start3A_7] : memref<2x16x128xi32, #tpu.memory_space<vmem>> -> memref<1x16x128xi32, #tpu.memory_space<vmem>>
    %dma_start3A_9 = tpu.memref_squeeze %dma_start3A_8 : memref<1x16x128xi32, #tpu.memory_space<vmem>> -> memref<16x128xi32, #tpu.memory_space<vmem>>
    %dma_start3A_10 = arith.constant 0 : i32
    %dma_start3A_11 = tpu.memref_slice %arg3[%add3A_4, %dma_start3A_10] : memref<2560x128xi32, #tpu.memory_space<hbm>> -> memref<16x128xi32, #tpu.memory_space<hbm>>
    %dma_start3A_12 = tpu.memref_slice %arg11[%dma_start3A_5] : memref<2x!tpu.dma_semaphore, #tpu.memory_space<semaphore_mem>> -> memref<1x!tpu.dma_semaphore, #tpu.memory_space<semaphore_mem>>
    %dma_start3A_13 = tpu.memref_squeeze %dma_start3A_12 : memref<1x!tpu.dma_semaphore, #tpu.memory_space<semaphore_mem>> -> memref<!tpu.dma_semaphore, #tpu.memory_space<semaphore_mem>>
    %dma_start3A_14 = arith.constant 0 : i32
    %dma_start3A_15 = arith.constant 0 : i32
    %dma_start3A_16 = tpu.memref_slice %arg7[%dma_start3A, %dma_start3A_14, %dma_start3A_15] : memref<2x16x128xi32, #tpu.memory_space<vmem>> -> memref<1x16x128xi32, #tpu.memory_space<vmem>>
    %dma_start3A_17 = tpu.memref_squeeze %dma_start3A_16 : memref<1x16x128xi32, #tpu.memory_space<vmem>> -> memref<16x128xi32, #tpu.memory_space<vmem>>
    %dma_start3A_18 = arith.constant 0 : i32
    %dma_start3A_19 = tpu.memref_slice %arg3[%add3A_4, %dma_start3A_18] : memref<2560x128xi32, #tpu.memory_space<hbm>> -> memref<16x128xi32, #tpu.memory_space<hbm>>
    tpu.enqueue_dma source(%dma_start3A_19 : memref<16x128xi32, #tpu.memory_space<hbm>>) target(%dma_start3A_17 : memref<16x128xi32, #tpu.memory_space<vmem>>) target_semaphore(%dma_start3A_13 : memref<!tpu.dma_semaphore, #tpu.memory_space<semaphore_mem>>)
    %dma_start3A_20 = arith.constant 0 : i32
    %dma_start3A_21 = arith.constant 0 : i32
    %dma_start3A_22 = arith.constant 0 : i32
    %dma_start3A_23 = arith.constant 0 : i32
    %dma_start3A_24 = tpu.memref_slice %arg8[%dma_start3A_20, %dma_start3A_22, %dma_start3A_23] : memref<2x16x128xi32, #tpu.memory_space<vmem>> -> memref<1x16x128xi32, #tpu.memory_space<vmem>>
    %dma_start3A_25 = tpu.memref_squeeze %dma_start3A_24 : memref<1x16x128xi32, #tpu.memory_space<vmem>> -> memref<16x128xi32, #tpu.memory_space<vmem>>
    %dma_start3A_26 = arith.constant 0 : i32
    %dma_start3A_27 = tpu.memref_slice %arg4[%add3A_4, %dma_start3A_26] : memref<2560x128xi32, #tpu.memory_space<hbm>> -> memref<16x128xi32, #tpu.memory_space<hbm>>
    %dma_start3A_28 = tpu.memref_slice %arg11[%dma_start3A_21] : memref<2x!tpu.dma_semaphore, #tpu.memory_space<semaphore_mem>> -> memref<1x!tpu.dma_semaphore, #tpu.memory_space<semaphore_mem>>
    %dma_start3A_29 = tpu.memref_squeeze %dma_start3A_28 : memref<1x!tpu.dma_semaphore, #tpu.memory_space<semaphore_mem>> -> memref<!tpu.dma_semaphore, #tpu.memory_space<semaphore_mem>>
    %dma_start3A_30 = arith.constant 0 : i32
    %dma_start3A_31 = arith.constant 0 : i32
    %dma_start3A_32 = tpu.memref_slice %arg8[%dma_start3A_20, %dma_start3A_30, %dma_start3A_31] : memref<2x16x128xi32, #tpu.memory_space<vmem>> -> memref<1x16x128xi32, #tpu.memory_space<vmem>>
    %dma_start3A_33 = tpu.memref_squeeze %dma_start3A_32 : memref<1x16x128xi32, #tpu.memory_space<vmem>> -> memref<16x128xi32, #tpu.memory_space<vmem>>
    %dma_start3A_34 = arith.constant 0 : i32
    %dma_start3A_35 = tpu.memref_slice %arg4[%add3A_4, %dma_start3A_34] : memref<2560x128xi32, #tpu.memory_space<hbm>> -> memref<16x128xi32, #tpu.memory_space<hbm>>
    tpu.enqueue_dma source(%dma_start3A_35 : memref<16x128xi32, #tpu.memory_space<hbm>>) target(%dma_start3A_33 : memref<16x128xi32, #tpu.memory_space<vmem>>) target_semaphore(%dma_start3A_29 : memref<!tpu.dma_semaphore, #tpu.memory_space<semaphore_mem>>)
    %add3A_36 = arith.constant 16 : i32
    %add3A_37 = arith.addi %mul3A_2, %add3A_36 : i32
    %dma_start3A_38 = arith.constant 1 : i32
    %dma_start3A_39 = arith.constant 1 : i32
    %dma_start3A_40 = arith.constant 0 : i32
    %dma_start3A_41 = arith.constant 0 : i32
    %dma_start3A_42 = tpu.memref_slice %arg7[%dma_start3A_38, %dma_start3A_40, %dma_start3A_41] : memref<2x16x128xi32, #tpu.memory_space<vmem>> -> memref<1x16x128xi32, #tpu.memory_space<vmem>>
    %dma_start3A_43 = tpu.memref_squeeze %dma_start3A_42 : memref<1x16x128xi32, #tpu.memory_space<vmem>> -> memref<16x128xi32, #tpu.memory_space<vmem>>
    %dma_start3A_44 = arith.constant 0 : i32
    %dma_start3A_45 = tpu.memref_slice %arg3[%add3A_37, %dma_start3A_44] : memref<2560x128xi32, #tpu.memory_space<hbm>> -> memref<16x128xi32, #tpu.memory_space<hbm>>
    %dma_start3A_46 = tpu.memref_slice %arg11[%dma_start3A_39] : memref<2x!tpu.dma_semaphore, #tpu.memory_space<semaphore_mem>> -> memref<1x!tpu.dma_semaphore, #tpu.memory_space<semaphore_mem>>
    %dma_start3A_47 = tpu.memref_squeeze %dma_start3A_46 : memref<1x!tpu.dma_semaphore, #tpu.memory_space<semaphore_mem>> -> memref<!tpu.dma_semaphore, #tpu.memory_space<semaphore_mem>>
    %dma_start3A_48 = arith.constant 0 : i32
    %dma_start3A_49 = arith.constant 0 : i32
    %dma_start3A_50 = tpu.memref_slice %arg7[%dma_start3A_38, %dma_start3A_48, %dma_start3A_49] : memref<2x16x128xi32, #tpu.memory_space<vmem>> -> memref<1x16x128xi32, #tpu.memory_space<vmem>>
    %dma_start3A_51 = tpu.memref_squeeze %dma_start3A_50 : memref<1x16x128xi32, #tpu.memory_space<vmem>> -> memref<16x128xi32, #tpu.memory_space<vmem>>
    %dma_start3A_52 = arith.constant 0 : i32
    %dma_start3A_53 = tpu.memref_slice %arg3[%add3A_37, %dma_start3A_52] : memref<2560x128xi32, #tpu.memory_space<hbm>> -> memref<16x128xi32, #tpu.memory_space<hbm>>
    tpu.enqueue_dma source(%dma_start3A_53 : memref<16x128xi32, #tpu.memory_space<hbm>>) target(%dma_start3A_51 : memref<16x128xi32, #tpu.memory_space<vmem>>) target_semaphore(%dma_start3A_47 : memref<!tpu.dma_semaphore, #tpu.memory_space<semaphore_mem>>)
    %dma_start3A_54 = arith.constant 1 : i32
    %dma_start3A_55 = arith.constant 1 : i32
    %dma_start3A_56 = arith.constant 0 : i32
    %dma_start3A_57 = arith.constant 0 : i32
    %dma_start3A_58 = tpu.memref_slice %arg8[%dma_start3A_54, %dma_start3A_56, %dma_start3A_57] : memref<2x16x128xi32, #tpu.memory_space<vmem>> -> memref<1x16x128xi32, #tpu.memory_space<vmem>>
    %dma_start3A_59 = tpu.memref_squeeze %dma_start3A_58 : memref<1x16x128xi32, #tpu.memory_space<vmem>> -> memref<16x128xi32, #tpu.memory_space<vmem>>
    %dma_start3A_60 = arith.constant 0 : i32
    %dma_start3A_61 = tpu.memref_slice %arg4[%add3A_37, %dma_start3A_60] : memref<2560x128xi32, #tpu.memory_space<hbm>> -> memref<16x128xi32, #tpu.memory_space<hbm>>
    %dma_start3A_62 = tpu.memref_slice %arg11[%dma_start3A_55] : memref<2x!tpu.dma_semaphore, #tpu.memory_space<semaphore_mem>> -> memref<1x!tpu.dma_semaphore, #tpu.memory_space<semaphore_mem>>
    %dma_start3A_63 = tpu.memref_squeeze %dma_start3A_62 : memref<1x!tpu.dma_semaphore, #tpu.memory_space<semaphore_mem>> -> memref<!tpu.dma_semaphore, #tpu.memory_space<semaphore_mem>>
    %dma_start3A_64 = arith.constant 0 : i32
    %dma_start3A_65 = arith.constant 0 : i32
    %dma_start3A_66 = tpu.memref_slice %arg8[%dma_start3A_54, %dma_start3A_64, %dma_start3A_65] : memref<2x16x128xi32, #tpu.memory_space<vmem>> -> memref<1x16x128xi32, #tpu.memory_space<vmem>>
    %dma_start3A_67 = tpu.memref_squeeze %dma_start3A_66 : memref<1x16x128xi32, #tpu.memory_space<vmem>> -> memref<16x128xi32, #tpu.memory_space<vmem>>
    %dma_start3A_68 = arith.constant 0 : i32
    %dma_start3A_69 = tpu.memref_slice %arg4[%add3A_37, %dma_start3A_68] : memref<2560x128xi32, #tpu.memory_space<hbm>> -> memref<16x128xi32, #tpu.memory_space<hbm>>
    tpu.enqueue_dma source(%dma_start3A_69 : memref<16x128xi32, #tpu.memory_space<hbm>>) target(%dma_start3A_67 : memref<16x128xi32, #tpu.memory_space<vmem>>) target_semaphore(%dma_start3A_63 : memref<!tpu.dma_semaphore, #tpu.memory_space<semaphore_mem>>)
    %mul3A_70 = arith.constant 640 : i32
    %mul3A_71 = arith.muli %arg1, %mul3A_70 : i32
    "tpu.region"() ({
      %run_scoped3A = tpu.sem_alloc : memref<!tpu.dma_semaphore, #tpu.memory_space<semaphore_mem>>
      %dma_start3A_132 = arith.constant 0 : i32
      %dma_start3A_133 = tpu.memref_slice %arg12[%mul3A_71, %dma_start3A_132] : memref<10240x128xf32, #tpu.memory_space<vmem_shared>> -> memref<640x128xf32, #tpu.memory_space<vmem_shared>>
      tpu.enqueue_dma source(%arg5 : memref<640x128xf32, #tpu.memory_space<hbm>>) target(%dma_start3A_133 : memref<640x128xf32, #tpu.memory_space<vmem_shared>>) target_semaphore(%run_scoped3A : memref<!tpu.dma_semaphore, #tpu.memory_space<semaphore_mem>>)
      %dma_wait3A_134 = arith.constant 0 : i32
      %dma_wait3A_135 = tpu.memref_slice %arg12[%mul3A_71, %dma_wait3A_134] : memref<10240x128xf32, #tpu.memory_space<vmem_shared>> -> memref<640x128xf32, #tpu.memory_space<vmem_shared>>
      tpu.wait_dma2 semaphore(%run_scoped3A : memref<!tpu.dma_semaphore, #tpu.memory_space<semaphore_mem>>) src(%arg5 : memref<640x128xf32, #tpu.memory_space<hbm>>) dst(%dma_wait3A_135 : memref<640x128xf32, #tpu.memory_space<vmem_shared>>)
      tpu.yield
    }) : () -> ()
    %dma_wait3A = arith.constant 0 : i32
    %dma_wait3A_72 = arith.constant 0 : i32
    %dma_wait3A_73 = arith.constant 0 : i32
    %dma_wait3A_74 = arith.constant 0 : i32
    %dma_wait3A_75 = tpu.memref_slice %arg7[%dma_wait3A, %dma_wait3A_73, %dma_wait3A_74] : memref<2x16x128xi32, #tpu.memory_space<vmem>> -> memref<1x16x128xi32, #tpu.memory_space<vmem>>
    %dma_wait3A_76 = tpu.memref_squeeze %dma_wait3A_75 : memref<1x16x128xi32, #tpu.memory_space<vmem>> -> memref<16x128xi32, #tpu.memory_space<vmem>>
    %dma_wait3A_77 = arith.constant 0 : i32
    %dma_wait3A_78 = tpu.memref_slice %arg3[%mul3A_2, %dma_wait3A_77] : memref<2560x128xi32, #tpu.memory_space<hbm>> -> memref<16x128xi32, #tpu.memory_space<hbm>>
    %dma_wait3A_79 = tpu.memref_slice %arg11[%dma_wait3A_72] : memref<2x!tpu.dma_semaphore, #tpu.memory_space<semaphore_mem>> -> memref<1x!tpu.dma_semaphore, #tpu.memory_space<semaphore_mem>>
    %dma_wait3A_80 = tpu.memref_squeeze %dma_wait3A_79 : memref<1x!tpu.dma_semaphore, #tpu.memory_space<semaphore_mem>> -> memref<!tpu.dma_semaphore, #tpu.memory_space<semaphore_mem>>
    %dma_wait3A_81 = arith.constant 0 : i32
    %dma_wait3A_82 = arith.constant 0 : i32
    %dma_wait3A_83 = tpu.memref_slice %arg7[%dma_wait3A, %dma_wait3A_81, %dma_wait3A_82] : memref<2x16x128xi32, #tpu.memory_space<vmem>> -> memref<1x16x128xi32, #tpu.memory_space<vmem>>
    %dma_wait3A_84 = tpu.memref_squeeze %dma_wait3A_83 : memref<1x16x128xi32, #tpu.memory_space<vmem>> -> memref<16x128xi32, #tpu.memory_space<vmem>>
    %dma_wait3A_85 = arith.constant 0 : i32
    %dma_wait3A_86 = tpu.memref_slice %arg3[%mul3A_2, %dma_wait3A_85] : memref<2560x128xi32, #tpu.memory_space<hbm>> -> memref<16x128xi32, #tpu.memory_space<hbm>>
    tpu.wait_dma2 semaphore(%dma_wait3A_80 : memref<!tpu.dma_semaphore, #tpu.memory_space<semaphore_mem>>) src(%dma_wait3A_86 : memref<16x128xi32, #tpu.memory_space<hbm>>) dst(%dma_wait3A_84 : memref<16x128xi32, #tpu.memory_space<vmem>>)
    %dma_wait3A_87 = arith.constant 0 : i32
    %dma_wait3A_88 = arith.constant 0 : i32
    %dma_wait3A_89 = arith.constant 0 : i32
    %dma_wait3A_90 = arith.constant 0 : i32
    %dma_wait3A_91 = tpu.memref_slice %arg8[%dma_wait3A_87, %dma_wait3A_89, %dma_wait3A_90] : memref<2x16x128xi32, #tpu.memory_space<vmem>> -> memref<1x16x128xi32, #tpu.memory_space<vmem>>
    %dma_wait3A_92 = tpu.memref_squeeze %dma_wait3A_91 : memref<1x16x128xi32, #tpu.memory_space<vmem>> -> memref<16x128xi32, #tpu.memory_space<vmem>>
    %dma_wait3A_93 = arith.constant 0 : i32
    %dma_wait3A_94 = tpu.memref_slice %arg3[%mul3A_2, %dma_wait3A_93] : memref<2560x128xi32, #tpu.memory_space<hbm>> -> memref<16x128xi32, #tpu.memory_space<hbm>>
    %dma_wait3A_95 = tpu.memref_slice %arg11[%dma_wait3A_88] : memref<2x!tpu.dma_semaphore, #tpu.memory_space<semaphore_mem>> -> memref<1x!tpu.dma_semaphore, #tpu.memory_space<semaphore_mem>>
    %dma_wait3A_96 = tpu.memref_squeeze %dma_wait3A_95 : memref<1x!tpu.dma_semaphore, #tpu.memory_space<semaphore_mem>> -> memref<!tpu.dma_semaphore, #tpu.memory_space<semaphore_mem>>
    %dma_wait3A_97 = arith.constant 0 : i32
    %dma_wait3A_98 = arith.constant 0 : i32
    %dma_wait3A_99 = tpu.memref_slice %arg8[%dma_wait3A_87, %dma_wait3A_97, %dma_wait3A_98] : memref<2x16x128xi32, #tpu.memory_space<vmem>> -> memref<1x16x128xi32, #tpu.memory_space<vmem>>
    %dma_wait3A_100 = tpu.memref_squeeze %dma_wait3A_99 : memref<1x16x128xi32, #tpu.memory_space<vmem>> -> memref<16x128xi32, #tpu.memory_space<vmem>>
    %dma_wait3A_101 = arith.constant 0 : i32
    %dma_wait3A_102 = tpu.memref_slice %arg3[%mul3A_2, %dma_wait3A_101] : memref<2560x128xi32, #tpu.memory_space<hbm>> -> memref<16x128xi32, #tpu.memory_space<hbm>>
    tpu.wait_dma2 semaphore(%dma_wait3A_96 : memref<!tpu.dma_semaphore, #tpu.memory_space<semaphore_mem>>) src(%dma_wait3A_102 : memref<16x128xi32, #tpu.memory_space<hbm>>) dst(%dma_wait3A_100 : memref<16x128xi32, #tpu.memory_space<vmem>>)
    %dma_start3A_103 = arith.constant 0 : i32
    %dma_start3A_104 = arith.constant 0 : i32
    %dma_start3A_105 = arith.constant 0 : i32
    %dma_start3A_106 = arith.constant 0 : i32
    %dma_start3A_107 = arith.constant 0 : i32
    %dma_start3A_108 = arith.constant 0 : i32
    %dma_start3A_109 = tpu.memref_slice %arg9[%dma_start3A_105, %dma_start3A_107, %dma_start3A_108] : memref<2x128x128xf32, #tpu.memory_space<vmem>> -> memref<1x128x128xf32, #tpu.memory_space<vmem>>
    %dma_start3A_110 = tpu.memref_squeeze %dma_start3A_109 : memref<1x128x128xf32, #tpu.memory_space<vmem>> -> memref<128x128xf32, #tpu.memory_space<vmem>>
    %dma_start3A_111 = arith.constant 0 : i32
    %dma_start3A_112 = tpu.memref_slice %arg7[%dma_start3A_103, %dma_start3A_104, %dma_start3A_111] : memref<2x16x128xi32, #tpu.memory_space<vmem>> -> memref<1x1x128xi32, #tpu.memory_space<vmem>>
    %dma_start3A_113 = tpu.memref_squeeze %dma_start3A_112 : memref<1x1x128xi32, #tpu.memory_space<vmem>> -> memref<128xi32, #tpu.memory_space<vmem>>
    %dma_start3A_114 = arith.constant 0 : i32
    %dma_start3A_115 = arith.constant 0 : i32
    %dma_start3A_116 = tpu.memref_slice %arg2[%dma_start3A_114, %dma_start3A_115] : memref<10240x128xf32, #tpu.memory_space<hbm>> -> memref<10240x128xf32, #tpu.memory_space<hbm>>
    %dma_start3A_117 = tpu.memref_slice %arg10[%dma_start3A_106] : memref<2x!tpu.dma_semaphore, #tpu.memory_space<semaphore_mem>> -> memref<1x!tpu.dma_semaphore, #tpu.memory_space<semaphore_mem>>
    %dma_start3A_118 = tpu.memref_squeeze %dma_start3A_117 : memref<1x!tpu.dma_semaphore, #tpu.memory_space<semaphore_mem>> -> memref<!tpu.dma_semaphore, #tpu.memory_space<semaphore_mem>>
    tpu.enqueue_indirect_dma source(%dma_start3A_116 : memref<10240x128xf32, #tpu.memory_space<hbm>>) target(%dma_start3A_110 : memref<128x128xf32, #tpu.memory_space<vmem>>) offsets(%dma_start3A_113 : memref<128xi32, #tpu.memory_space<vmem>>) semaphore(%dma_start3A_118 : memref<!tpu.dma_semaphore, #tpu.memory_space<semaphore_mem>>)
    %barrier3A = arith.constant 0 : index
    tpu.barrier barrier_id(%barrier3A)
    %scan3A = arith.constant 0 : i32
    %scan3A_119 = arith.constant 0 : i32
    %scan3A_120 = arith.constant 80 : i32
    %scan3A_121 = arith.addi %scan3A_119, %scan3A_120 : i32
    %scan3A_122 = arith.constant 1 : i32
    scf.for %scan3A_132 = %scan3A_119 to %scan3A_121 step %scan3A_122  : i32 {
      %div3A = arith.constant 16 : i32
      %div3A_133 = arith.divsi %scan3A_132, %div3A : i32
      %rem3A = arith.constant 16 : i32
      %rem3A_134 = arith.remsi %scan3A_132, %rem3A : i32
      %eq3A = arith.constant 0 : i32
      %eq3A_135 = arith.cmpi eq, %rem3A_134, %eq3A : i32
      %ge3A = arith.constant 1 : i32
      %ge3A_136 = arith.cmpi sge, %div3A_133, %ge3A : i32
      %add3A_137 = arith.constant 1 : i32
      %add3A_138 = arith.addi %div3A_133, %add3A_137 : i32
      %lt3A = arith.constant 5 : i32
      %lt3A_139 = arith.cmpi slt, %add3A_138, %lt3A : i32
      %and3A = arith.andi %ge3A_136, %lt3A_139 : i1
      %and3A_140 = arith.andi %eq3A_135, %and3A : i1
      %convert_element_type3A = arith.extui %and3A_140 : i1 to i32
      %cond3A = arith.constant 0 : i32
      %cond3A_141 = arith.cmpi ne, %convert_element_type3A, %cond3A : i32
      scf.if %cond3A_141 {
        %add3A_175 = arith.constant 1 : i32
        %add3A_176 = arith.addi %div3A_133, %add3A_175 : i32
        %add3A_177 = arith.constant 1 : i32
        %add3A_178 = arith.addi %div3A_133, %add3A_177 : i32
        %rem3A_179 = arith.constant 2 : i32
        %rem3A_180 = arith.remsi %add3A_178, %rem3A_179 : i32
        %mul3A_181 = arith.constant 16 : i32
        %mul3A_182 = arith.muli %add3A_176, %mul3A_181 : i32
        %add3A_183 = arith.addi %mul3A_2, %mul3A_182 : i32
        %dma_start3A_184 = arith.constant 0 : i32
        %dma_start3A_185 = arith.constant 0 : i32
        %dma_start3A_186 = tpu.memref_slice %arg7[%rem3A_180, %dma_start3A_184, %dma_start3A_185] : memref<2x16x128xi32, #tpu.memory_space<vmem>> -> memref<1x16x128xi32, #tpu.memory_space<vmem>>
        %dma_start3A_187 = tpu.memref_squeeze %dma_start3A_186 : memref<1x16x128xi32, #tpu.memory_space<vmem>> -> memref<16x128xi32, #tpu.memory_space<vmem>>
        %dma_start3A_188 = arith.constant 0 : i32
        %dma_start3A_189 = tpu.memref_slice %arg3[%add3A_183, %dma_start3A_188] : memref<2560x128xi32, #tpu.memory_space<hbm>> -> memref<16x128xi32, #tpu.memory_space<hbm>>
        %dma_start3A_190 = tpu.memref_slice %arg11[%rem3A_180] : memref<2x!tpu.dma_semaphore, #tpu.memory_space<semaphore_mem>> -> memref<1x!tpu.dma_semaphore, #tpu.memory_space<semaphore_mem>>
        %dma_start3A_191 = tpu.memref_squeeze %dma_start3A_190 : memref<1x!tpu.dma_semaphore, #tpu.memory_space<semaphore_mem>> -> memref<!tpu.dma_semaphore, #tpu.memory_space<semaphore_mem>>
        %dma_start3A_192 = arith.constant 0 : i32
        %dma_start3A_193 = arith.constant 0 : i32
        %dma_start3A_194 = tpu.memref_slice %arg7[%rem3A_180, %dma_start3A_192, %dma_start3A_193] : memref<2x16x128xi32, #tpu.memory_space<vmem>> -> memref<1x16x128xi32, #tpu.memory_space<vmem>>
        %dma_start3A_195 = tpu.memref_squeeze %dma_start3A_194 : memref<1x16x128xi32, #tpu.memory_space<vmem>> -> memref<16x128xi32, #tpu.memory_space<vmem>>
        %dma_start3A_196 = arith.constant 0 : i32
        %dma_start3A_197 = tpu.memref_slice %arg3[%add3A_183, %dma_start3A_196] : memref<2560x128xi32, #tpu.memory_space<hbm>> -> memref<16x128xi32, #tpu.memory_space<hbm>>
        tpu.enqueue_dma source(%dma_start3A_197 : memref<16x128xi32, #tpu.memory_space<hbm>>) target(%dma_start3A_195 : memref<16x128xi32, #tpu.memory_space<vmem>>) target_semaphore(%dma_start3A_191 : memref<!tpu.dma_semaphore, #tpu.memory_space<semaphore_mem>>)
        %dma_start3A_198 = arith.constant 0 : i32
        %dma_start3A_199 = arith.constant 0 : i32
        %dma_start3A_200 = tpu.memref_slice %arg8[%rem3A_180, %dma_start3A_198, %dma_start3A_199] : memref<2x16x128xi32, #tpu.memory_space<vmem>> -> memref<1x16x128xi32, #tpu.memory_space<vmem>>
        %dma_start3A_201 = tpu.memref_squeeze %dma_start3A_200 : memref<1x16x128xi32, #tpu.memory_space<vmem>> -> memref<16x128xi32, #tpu.memory_space<vmem>>
        %dma_start3A_202 = arith.constant 0 : i32
        %dma_start3A_203 = tpu.memref_slice %arg4[%add3A_183, %dma_start3A_202] : memref<2560x128xi32, #tpu.memory_space<hbm>> -> memref<16x128xi32, #tpu.memory_space<hbm>>
        %dma_start3A_204 = tpu.memref_slice %arg11[%rem3A_180] : memref<2x!tpu.dma_semaphore, #tpu.memory_space<semaphore_mem>> -> memref<1x!tpu.dma_semaphore, #tpu.memory_space<semaphore_mem>>
        %dma_start3A_205 = tpu.memref_squeeze %dma_start3A_204 : memref<1x!tpu.dma_semaphore, #tpu.memory_space<semaphore_mem>> -> memref<!tpu.dma_semaphore, #tpu.memory_space<semaphore_mem>>
        %dma_start3A_206 = arith.constant 0 : i32
        %dma_start3A_207 = arith.constant 0 : i32
        %dma_start3A_208 = tpu.memref_slice %arg8[%rem3A_180, %dma_start3A_206, %dma_start3A_207] : memref<2x16x128xi32, #tpu.memory_space<vmem>> -> memref<1x16x128xi32, #tpu.memory_space<vmem>>
        %dma_start3A_209 = tpu.memref_squeeze %dma_start3A_208 : memref<1x16x128xi32, #tpu.memory_space<vmem>> -> memref<16x128xi32, #tpu.memory_space<vmem>>
        %dma_start3A_210 = arith.constant 0 : i32
        %dma_start3A_211 = tpu.memref_slice %arg4[%add3A_183, %dma_start3A_210] : memref<2560x128xi32, #tpu.memory_space<hbm>> -> memref<16x128xi32, #tpu.memory_space<hbm>>
        tpu.enqueue_dma source(%dma_start3A_211 : memref<16x128xi32, #tpu.memory_space<hbm>>) target(%dma_start3A_209 : memref<16x128xi32, #tpu.memory_space<vmem>>) target_semaphore(%dma_start3A_205 : memref<!tpu.dma_semaphore, #tpu.memory_space<semaphore_mem>>)
      } else {
      }
      %add3A_142 = arith.constant 1 : i32
      %add3A_143 = arith.addi %scan3A_132, %add3A_142 : i32
      %div3A_144 = arith.constant 16 : i32
      %div3A_145 = arith.divsi %add3A_143, %div3A_144 : i32
      %rem3A_146 = arith.constant 2 : i32
      %rem3A_147 = arith.remsi %div3A_145, %rem3A_146 : i32
      %lt3A_148 = arith.constant 80 : i32
      %lt3A_149 = arith.cmpi slt, %add3A_143, %lt3A_148 : i32
      %convert_element_type3A_150 = arith.extui %lt3A_149 : i1 to i32
      %cond3A_151 = arith.constant 0 : i32
      %cond3A_152 = arith.cmpi ne, %convert_element_type3A_150, %cond3A_151 : i32
      scf.if %cond3A_152 {
        %rem3A_175 = arith.constant 16 : i32
        %rem3A_176 = arith.remsi %add3A_143, %rem3A_175 : i32
        %eq3A_177 = arith.constant 0 : i32
        %eq3A_178 = arith.cmpi eq, %rem3A_176, %eq3A_177 : i32
        %convert_element_type3A_179 = arith.extui %eq3A_178 : i1 to i32
        %cond3A_180 = arith.constant 0 : i32
        %cond3A_181 = arith.cmpi ne, %convert_element_type3A_179, %cond3A_180 : i32
        scf.if %cond3A_181 {
          %dma_wait3A_198 = arith.constant 0 : i32
          %dma_wait3A_199 = arith.constant 0 : i32
          %dma_wait3A_200 = tpu.memref_slice %arg7[%rem3A_147, %dma_wait3A_198, %dma_wait3A_199] : memref<2x16x128xi32, #tpu.memory_space<vmem>> -> memref<1x16x128xi32, #tpu.memory_space<vmem>>
          %dma_wait3A_201 = tpu.memref_squeeze %dma_wait3A_200 : memref<1x16x128xi32, #tpu.memory_space<vmem>> -> memref<16x128xi32, #tpu.memory_space<vmem>>
          %dma_wait3A_202 = arith.constant 0 : i32
          %dma_wait3A_203 = tpu.memref_slice %arg3[%mul3A_2, %dma_wait3A_202] : memref<2560x128xi32, #tpu.memory_space<hbm>> -> memref<16x128xi32, #tpu.memory_space<hbm>>
          %dma_wait3A_204 = tpu.memref_slice %arg11[%rem3A_147] : memref<2x!tpu.dma_semaphore, #tpu.memory_space<semaphore_mem>> -> memref<1x!tpu.dma_semaphore, #tpu.memory_space<semaphore_mem>>
          %dma_wait3A_205 = tpu.memref_squeeze %dma_wait3A_204 : memref<1x!tpu.dma_semaphore, #tpu.memory_space<semaphore_mem>> -> memref<!tpu.dma_semaphore, #tpu.memory_space<semaphore_mem>>
          %dma_wait3A_206 = arith.constant 0 : i32
          %dma_wait3A_207 = arith.constant 0 : i32
          %dma_wait3A_208 = tpu.memref_slice %arg7[%rem3A_147, %dma_wait3A_206, %dma_wait3A_207] : memref<2x16x128xi32, #tpu.memory_space<vmem>> -> memref<1x16x128xi32, #tpu.memory_space<vmem>>
          %dma_wait3A_209 = tpu.memref_squeeze %dma_wait3A_208 : memref<1x16x128xi32, #tpu.memory_space<vmem>> -> memref<16x128xi32, #tpu.memory_space<vmem>>
          %dma_wait3A_210 = arith.constant 0 : i32
          %dma_wait3A_211 = tpu.memref_slice %arg3[%mul3A_2, %dma_wait3A_210] : memref<2560x128xi32, #tpu.memory_space<hbm>> -> memref<16x128xi32, #tpu.memory_space<hbm>>
          tpu.wait_dma2 semaphore(%dma_wait3A_205 : memref<!tpu.dma_semaphore, #tpu.memory_space<semaphore_mem>>) src(%dma_wait3A_211 : memref<16x128xi32, #tpu.memory_space<hbm>>) dst(%dma_wait3A_209 : memref<16x128xi32, #tpu.memory_space<vmem>>)
          %dma_wait3A_212 = arith.constant 0 : i32
          %dma_wait3A_213 = arith.constant 0 : i32
          %dma_wait3A_214 = tpu.memref_slice %arg8[%rem3A_147, %dma_wait3A_212, %dma_wait3A_213] : memref<2x16x128xi32, #tpu.memory_space<vmem>> -> memref<1x16x128xi32, #tpu.memory_space<vmem>>
          %dma_wait3A_215 = tpu.memref_squeeze %dma_wait3A_214 : memref<1x16x128xi32, #tpu.memory_space<vmem>> -> memref<16x128xi32, #tpu.memory_space<vmem>>
          %dma_wait3A_216 = arith.constant 0 : i32
          %dma_wait3A_217 = tpu.memref_slice %arg3[%mul3A_2, %dma_wait3A_216] : memref<2560x128xi32, #tpu.memory_space<hbm>> -> memref<16x128xi32, #tpu.memory_space<hbm>>
          %dma_wait3A_218 = tpu.memref_slice %arg11[%rem3A_147] : memref<2x!tpu.dma_semaphore, #tpu.memory_space<semaphore_mem>> -> memref<1x!tpu.dma_semaphore, #tpu.memory_space<semaphore_mem>>
          %dma_wait3A_219 = tpu.memref_squeeze %dma_wait3A_218 : memref<1x!tpu.dma_semaphore, #tpu.memory_space<semaphore_mem>> -> memref<!tpu.dma_semaphore, #tpu.memory_space<semaphore_mem>>
          %dma_wait3A_220 = arith.constant 0 : i32
          %dma_wait3A_221 = arith.constant 0 : i32
          %dma_wait3A_222 = tpu.memref_slice %arg8[%rem3A_147, %dma_wait3A_220, %dma_wait3A_221] : memref<2x16x128xi32, #tpu.memory_space<vmem>> -> memref<1x16x128xi32, #tpu.memory_space<vmem>>
          %dma_wait3A_223 = tpu.memref_squeeze %dma_wait3A_222 : memref<1x16x128xi32, #tpu.memory_space<vmem>> -> memref<16x128xi32, #tpu.memory_space<vmem>>
          %dma_wait3A_224 = arith.constant 0 : i32
          %dma_wait3A_225 = tpu.memref_slice %arg3[%mul3A_2, %dma_wait3A_224] : memref<2560x128xi32, #tpu.memory_space<hbm>> -> memref<16x128xi32, #tpu.memory_space<hbm>>
          tpu.wait_dma2 semaphore(%dma_wait3A_219 : memref<!tpu.dma_semaphore, #tpu.memory_space<semaphore_mem>>) src(%dma_wait3A_225 : memref<16x128xi32, #tpu.memory_space<hbm>>) dst(%dma_wait3A_223 : memref<16x128xi32, #tpu.memory_space<vmem>>)
        } else {
        }
        %rem3A_182 = arith.constant 2 : i32
        %rem3A_183 = arith.remsi %add3A_143, %rem3A_182 : i32
        %rem3A_184 = arith.constant 16 : i32
        %rem3A_185 = arith.remsi %add3A_143, %rem3A_184 : i32
        %dma_start3A_186 = arith.constant 0 : i32
        %dma_start3A_187 = arith.constant 0 : i32
        %dma_start3A_188 = tpu.memref_slice %arg9[%rem3A_183, %dma_start3A_186, %dma_start3A_187] : memref<2x128x128xf32, #tpu.memory_space<vmem>> -> memref<1x128x128xf32, #tpu.memory_space<vmem>>
        %dma_start3A_189 = tpu.memref_squeeze %dma_start3A_188 : memref<1x128x128xf32, #tpu.memory_space<vmem>> -> memref<128x128xf32, #tpu.memory_space<vmem>>
        %dma_start3A_190 = arith.constant 0 : i32
        %dma_start3A_191 = tpu.memref_slice %arg7[%rem3A_147, %rem3A_185, %dma_start3A_190] : memref<2x16x128xi32, #tpu.memory_space<vmem>> -> memref<1x1x128xi32, #tpu.memory_space<vmem>>
        %dma_start3A_192 = tpu.memref_squeeze %dma_start3A_191 : memref<1x1x128xi32, #tpu.memory_space<vmem>> -> memref<128xi32, #tpu.memory_space<vmem>>
        %dma_start3A_193 = arith.constant 0 : i32
        %dma_start3A_194 = arith.constant 0 : i32
        %dma_start3A_195 = tpu.memref_slice %arg2[%dma_start3A_193, %dma_start3A_194] : memref<10240x128xf32, #tpu.memory_space<hbm>> -> memref<10240x128xf32, #tpu.memory_space<hbm>>
        %dma_start3A_196 = tpu.memref_slice %arg10[%rem3A_183] : memref<2x!tpu.dma_semaphore, #tpu.memory_space<semaphore_mem>> -> memref<1x!tpu.dma_semaphore, #tpu.memory_space<semaphore_mem>>
        %dma_start3A_197 = tpu.memref_squeeze %dma_start3A_196 : memref<1x!tpu.dma_semaphore, #tpu.memory_space<semaphore_mem>> -> memref<!tpu.dma_semaphore, #tpu.memory_space<semaphore_mem>>
        tpu.enqueue_indirect_dma source(%dma_start3A_195 : memref<10240x128xf32, #tpu.memory_space<hbm>>) target(%dma_start3A_189 : memref<128x128xf32, #tpu.memory_space<vmem>>) offsets(%dma_start3A_192 : memref<128xi32, #tpu.memory_space<vmem>>) semaphore(%dma_start3A_197 : memref<!tpu.dma_semaphore, #tpu.memory_space<semaphore_mem>>)
      } else {
      }
      %rem3A_153 = arith.constant 2 : i32
      %rem3A_154 = arith.remsi %scan3A_132, %rem3A_153 : i32
      %rem3A_155 = arith.constant 2 : i32
      %rem3A_156 = arith.remsi %div3A_133, %rem3A_155 : i32
      %dma_wait3A_157 = arith.constant 0 : i32
      %dma_wait3A_158 = arith.constant 0 : i32
      %dma_wait3A_159 = tpu.memref_slice %arg9[%rem3A_154, %dma_wait3A_157, %dma_wait3A_158] : memref<2x128x128xf32, #tpu.memory_space<vmem>> -> memref<1x128x128xf32, #tpu.memory_space<vmem>>
      %dma_wait3A_160 = tpu.memref_squeeze %dma_wait3A_159 : memref<1x128x128xf32, #tpu.memory_space<vmem>> -> memref<128x128xf32, #tpu.memory_space<vmem>>
      %dma_wait3A_161 = arith.constant 0 : i32
      %dma_wait3A_162 = arith.constant 0 : i32
      %dma_wait3A_163 = tpu.memref_slice %arg2[%dma_wait3A_161, %dma_wait3A_162] : memref<10240x128xf32, #tpu.memory_space<hbm>> -> memref<128x128xf32, #tpu.memory_space<hbm>>
      %dma_wait3A_164 = tpu.memref_slice %arg10[%rem3A_154] : memref<2x!tpu.dma_semaphore, #tpu.memory_space<semaphore_mem>> -> memref<1x!tpu.dma_semaphore, #tpu.memory_space<semaphore_mem>>
      %dma_wait3A_165 = tpu.memref_squeeze %dma_wait3A_164 : memref<1x!tpu.dma_semaphore, #tpu.memory_space<semaphore_mem>> -> memref<!tpu.dma_semaphore, #tpu.memory_space<semaphore_mem>>
      %dma_wait3A_166 = arith.constant 0 : i32
      %dma_wait3A_167 = arith.constant 0 : i32
      %dma_wait3A_168 = tpu.memref_slice %arg9[%rem3A_154, %dma_wait3A_166, %dma_wait3A_167] : memref<2x128x128xf32, #tpu.memory_space<vmem>> -> memref<1x128x128xf32, #tpu.memory_space<vmem>>
      %dma_wait3A_169 = tpu.memref_squeeze %dma_wait3A_168 : memref<1x128x128xf32, #tpu.memory_space<vmem>> -> memref<128x128xf32, #tpu.memory_space<vmem>>
      %dma_wait3A_170 = arith.constant 0 : i32
      %dma_wait3A_171 = arith.constant 0 : i32
      %dma_wait3A_172 = tpu.memref_slice %arg2[%dma_wait3A_170, %dma_wait3A_171] : memref<10240x128xf32, #tpu.memory_space<hbm>> -> memref<128x128xf32, #tpu.memory_space<hbm>>
      tpu.wait_dma2 semaphore(%dma_wait3A_165 : memref<!tpu.dma_semaphore, #tpu.memory_space<semaphore_mem>>) src(%dma_wait3A_172 : memref<128x128xf32, #tpu.memory_space<hbm>>) dst(%dma_wait3A_169 : memref<128x128xf32, #tpu.memory_space<vmem>>)
      %rem3A_173 = arith.constant 16 : i32
      %rem3A_174 = arith.remsi %scan3A_132, %rem3A_173 : i32
      "tpu.region"() ({
        %run_scoped3A = tpu.sem_alloc : memref<!tpu.dma_semaphore, #tpu.memory_space<semaphore_mem>>
        %dma_start3A_175 = arith.constant 0 : i32
        %dma_start3A_176 = arith.constant 0 : i32
        %dma_start3A_177 = tpu.memref_slice %arg9[%rem3A_154, %dma_start3A_175, %dma_start3A_176] : memref<2x128x128xf32, #tpu.memory_space<vmem>> -> memref<1x128x128xf32, #tpu.memory_space<vmem>>
        %dma_start3A_178 = tpu.memref_squeeze %dma_start3A_177 : memref<1x128x128xf32, #tpu.memory_space<vmem>> -> memref<128x128xf32, #tpu.memory_space<vmem>>
        %dma_start3A_179 = arith.constant 0 : i32
        %dma_start3A_180 = tpu.memref_slice %arg8[%rem3A_156, %rem3A_174, %dma_start3A_179] : memref<2x16x128xi32, #tpu.memory_space<vmem>> -> memref<1x1x128xi32, #tpu.memory_space<vmem>>
        %dma_start3A_181 = tpu.memref_squeeze %dma_start3A_180 : memref<1x1x128xi32, #tpu.memory_space<vmem>> -> memref<128xi32, #tpu.memory_space<vmem>>
        %dma_start3A_182 = arith.constant 0 : i32
        %dma_start3A_183 = arith.constant 0 : i32
        %dma_start3A_184 = tpu.memref_slice %arg12[%dma_start3A_182, %dma_start3A_183] : memref<10240x128xf32, #tpu.memory_space<vmem_shared>> -> memref<10240x128xf32, #tpu.memory_space<vmem_shared>>
        tpu.enqueue_indirect_dma source(%dma_start3A_178 : memref<128x128xf32, #tpu.memory_space<vmem>>) target(%dma_start3A_184 : memref<10240x128xf32, #tpu.memory_space<vmem_shared>>) offsets(%dma_start3A_181 : memref<128xi32, #tpu.memory_space<vmem>>) semaphore(%run_scoped3A : memref<!tpu.dma_semaphore, #tpu.memory_space<semaphore_mem>>) {add = true}
        %dma_wait3A_185 = arith.constant 0 : i32
        %dma_wait3A_186 = arith.constant 0 : i32
        %dma_wait3A_187 = tpu.memref_slice %arg9[%rem3A_154, %dma_wait3A_185, %dma_wait3A_186] : memref<2x128x128xf32, #tpu.memory_space<vmem>> -> memref<1x128x128xf32, #tpu.memory_space<vmem>>
        %dma_wait3A_188 = tpu.memref_squeeze %dma_wait3A_187 : memref<1x128x128xf32, #tpu.memory_space<vmem>> -> memref<128x128xf32, #tpu.memory_space<vmem>>
        %dma_wait3A_189 = arith.constant 0 : i32
        %dma_wait3A_190 = tpu.memref_slice %arg8[%rem3A_156, %rem3A_174, %dma_wait3A_189] : memref<2x16x128xi32, #tpu.memory_space<vmem>> -> memref<1x1x128xi32, #tpu.memory_space<vmem>>
        %dma_wait3A_191 = tpu.memref_squeeze %dma_wait3A_190 : memref<1x1x128xi32, #tpu.memory_space<vmem>> -> memref<128xi32, #tpu.memory_space<vmem>>
        %dma_wait3A_192 = arith.constant 0 : i32
        %dma_wait3A_193 = arith.constant 0 : i32
        %dma_wait3A_194 = tpu.memref_slice %arg12[%dma_wait3A_192, %dma_wait3A_193] : memref<10240x128xf32, #tpu.memory_space<vmem_shared>> -> memref<10240x128xf32, #tpu.memory_space<vmem_shared>>
        tpu.wait_indirect_dma semaphore(%run_scoped3A : memref<!tpu.dma_semaphore, #tpu.memory_space<semaphore_mem>>) src(%dma_wait3A_188 : memref<128x128xf32, #tpu.memory_space<vmem>>) dst(%dma_wait3A_194 : memref<10240x128xf32, #tpu.memory_space<vmem_shared>>)
        tpu.yield
      }) : () -> ()
    }
    %scan3A_123 = arith.constant 80 : i32
    %barrier3A_124 = arith.constant 0 : index
    tpu.barrier barrier_id(%barrier3A_124)
    %mul3A_125 = arith.constant 640 : i32
    %mul3A_126 = arith.muli %arg1, %mul3A_125 : i32
    %mul3A_127 = arith.constant 10240 : i32
    %mul3A_128 = arith.muli %arg0, %mul3A_127 : i32
    %mul3A_129 = arith.constant 640 : i32
    %mul3A_130 = arith.muli %arg1, %mul3A_129 : i32
    %add3A_131 = arith.addi %mul3A_128, %mul3A_130 : i32
    "tpu.region"() ({
      %run_scoped3A = tpu.sem_alloc : memref<!tpu.dma_semaphore, #tpu.memory_space<semaphore_mem>>
      %dma_start3A_132 = arith.constant 0 : i32
      %dma_start3A_133 = tpu.memref_slice %arg6[%add3A_131, %dma_start3A_132] : memref<20480x128xf32, #tpu.memory_space<hbm>> -> memref<640x128xf32, #tpu.memory_space<hbm>>
      %dma_start3A_134 = arith.constant 0 : i32
      %dma_start3A_135 = tpu.memref_slice %arg12[%mul3A_126, %dma_start3A_134] : memref<10240x128xf32, #tpu.memory_space<vmem_shared>> -> memref<640x128xf32, #tpu.memory_space<vmem_shared>>
      tpu.enqueue_dma source(%dma_start3A_135 : memref<640x128xf32, #tpu.memory_space<vmem_shared>>) target(%dma_start3A_133 : memref<640x128xf32, #tpu.memory_space<hbm>>) target_semaphore(%run_scoped3A : memref<!tpu.dma_semaphore, #tpu.memory_space<semaphore_mem>>)
      %dma_wait3A_136 = arith.constant 0 : i32
      %dma_wait3A_137 = tpu.memref_slice %arg6[%add3A_131, %dma_wait3A_136] : memref<20480x128xf32, #tpu.memory_space<hbm>> -> memref<640x128xf32, #tpu.memory_space<hbm>>
      %dma_wait3A_138 = arith.constant 0 : i32
      %dma_wait3A_139 = tpu.memref_slice %arg12[%mul3A_126, %dma_wait3A_138] : memref<10240x128xf32, #tpu.memory_space<vmem_shared>> -> memref<640x128xf32, #tpu.memory_space<vmem_shared>>
      tpu.wait_dma2 semaphore(%run_scoped3A : memref<!tpu.dma_semaphore, #tpu.memory_space<semaphore_mem>>) src(%dma_wait3A_139 : memref<640x128xf32, #tpu.memory_space<vmem_shared>>) dst(%dma_wait3A_137 : memref<640x128xf32, #tpu.memory_space<hbm>>)
      tpu.yield
    }) : () -> ()
    return
  }
}

#map = affine_map<(d0, d1) -> (0, 0)>
module attributes {stable_mosaic.version = 14 : i64} {
  func.func @k(%arg0: i32, %arg1: i32, %arg2: memref<10240x48xf32, #tpu.memory_space<hbm>>, %arg3: memref<2560x128xi32, #tpu.memory_space<hbm>>, %arg4: memref<2560x128xi32, #tpu.memory_space<hbm>>, %arg5: memref<640x48xf32, #tpu.memory_space<hbm>>, %arg6: memref<20480x48xf32, #tpu.memory_space<hbm>>, %arg7: memref<2x16x128xi32, #tpu.memory_space<vmem>>, %arg8: memref<2x16x128xi32, #tpu.memory_space<vmem>>, %arg9: memref<2x128x48xf32, #tpu.memory_space<vmem>>, %arg10: memref<2x!tpu.dma_semaphore, #tpu.memory_space<semaphore_mem>>, %arg11: memref<2x!tpu.dma_semaphore, #tpu.memory_space<semaphore_mem>>, %arg12: memref<10240x48xf32, #tpu.memory_space<vmem_shared>>) attributes {dimension_semantics = [#tpu.dimension_semantics<core_parallel>, #tpu.dimension_semantics<subcore_parallel>], iteration_bounds = array<i64: 2, 16>, scalar_prefetch = 0 : i64, scratch_operands = 6 : i64, tpu.core_type = #tpu.core_type<sc_vector_subcore>, window_params = [{transform_indices = #map}, {transform_indices = #map}, {transform_indices = #map}, {transform_indices = #map}, {transform_indices = #map}]} {
    %mul3A = arith.constant 16 : i32
    %mul3A_0 = arith.muli %arg0, %mul3A : i32
    %add3A = arith.addi %mul3A_0, %arg1 : i32
    %mul3A_1 = arith.constant 80 : i32
    %mul3A_2 = arith.muli %add3A, %mul3A_1 : i32
    %add3A_3 = arith.constant 0 : i32
    %add3A_4 = arith.addi %mul3A_2, %add3A_3 : i32
    %dma_start3A = arith.constant 0 : i32
    %dma_start3A_5 = arith.constant 0 : i32
    %dma_start3A_6 = arith.constant 0 : i32
    %dma_start3A_7 = arith.constant 0 : i32
    %dma_start3A_8 = tpu.memref_slice %arg7[%dma_start3A, %dma_start3A_6, %dma_start3A_7] : memref<2x16x128xi32, #tpu.memory_space<vmem>> -> memref<1x16x128xi32, #tpu.memory_space<vmem>>
    %dma_start3A_9 = tpu.memref_squeeze %dma_start3A_8 : memref<1x16x128xi32, #tpu.memory_space<vmem>> -> memref<16x128xi32, #tpu.memory_space<vmem>>
    %dma_start3A_10 = arith.constant 0 : i32
    %dma_start3A_11 = tpu.memref_slice %arg3[%add3A_4, %dma_start3A_10] : memref<2560x128xi32, #tpu.memory_space<hbm>> -> memref<16x128xi32, #tpu.memory_space<hbm>>
    %dma_start3A_12 = tpu.memref_slice %arg11[%dma_start3A_5] : memref<2x!tpu.dma_semaphore, #tpu.memory_space<semaphore_mem>> -> memref<1x!tpu.dma_semaphore, #tpu.memory_space<semaphore_mem>>
    %dma_start3A_13 = tpu.memref_squeeze %dma_start3A_12 : memref<1x!tpu.dma_semaphore, #tpu.memory_space<semaphore_mem>> -> memref<!tpu.dma_semaphore, #tpu.memory_space<semaphore_mem>>
    %dma_start3A_14 = arith.constant 0 : i32
    %dma_start3A_15 = arith.constant 0 : i32
    %dma_start3A_16 = tpu.memref_slice %arg7[%dma_start3A, %dma_start3A_14, %dma_start3A_15] : memref<2x16x128xi32, #tpu.memory_space<vmem>> -> memref<1x16x128xi32, #tpu.memory_space<vmem>>
    %dma_start3A_17 = tpu.memref_squeeze %dma_start3A_16 : memref<1x16x128xi32, #tpu.memory_space<vmem>> -> memref<16x128xi32, #tpu.memory_space<vmem>>
    %dma_start3A_18 = arith.constant 0 : i32
    %dma_start3A_19 = tpu.memref_slice %arg3[%add3A_4, %dma_start3A_18] : memref<2560x128xi32, #tpu.memory_space<hbm>> -> memref<16x128xi32, #tpu.memory_space<hbm>>
    tpu.enqueue_dma source(%dma_start3A_19 : memref<16x128xi32, #tpu.memory_space<hbm>>) target(%dma_start3A_17 : memref<16x128xi32, #tpu.memory_space<vmem>>) target_semaphore(%dma_start3A_13 : memref<!tpu.dma_semaphore, #tpu.memory_space<semaphore_mem>>)
    %dma_start3A_20 = arith.constant 0 : i32
    %dma_start3A_21 = arith.constant 0 : i32
    %dma_start3A_22 = arith.constant 0 : i32
    %dma_start3A_23 = arith.constant 0 : i32
    %dma_start3A_24 = tpu.memref_slice %arg8[%dma_start3A_20, %dma_start3A_22, %dma_start3A_23] : memref<2x16x128xi32, #tpu.memory_space<vmem>> -> memref<1x16x128xi32, #tpu.memory_space<vmem>>
    %dma_start3A_25 = tpu.memref_squeeze %dma_start3A_24 : memref<1x16x128xi32, #tpu.memory_space<vmem>> -> memref<16x128xi32, #tpu.memory_space<vmem>>
    %dma_start3A_26 = arith.constant 0 : i32
    %dma_start3A_27 = tpu.memref_slice %arg4[%add3A_4, %dma_start3A_26] : memref<2560x128xi32, #tpu.memory_space<hbm>> -> memref<16x128xi32, #tpu.memory_space<hbm>>
    %dma_start3A_28 = tpu.memref_slice %arg11[%dma_start3A_21] : memref<2x!tpu.dma_semaphore, #tpu.memory_space<semaphore_mem>> -> memref<1x!tpu.dma_semaphore, #tpu.memory_space<semaphore_mem>>
    %dma_start3A_29 = tpu.memref_squeeze %dma_start3A_28 : memref<1x!tpu.dma_semaphore, #tpu.memory_space<semaphore_mem>> -> memref<!tpu.dma_semaphore, #tpu.memory_space<semaphore_mem>>
    %dma_start3A_30 = arith.constant 0 : i32
    %dma_start3A_31 = arith.constant 0 : i32
    %dma_start3A_32 = tpu.memref_slice %arg8[%dma_start3A_20, %dma_start3A_30, %dma_start3A_31] : memref<2x16x128xi32, #tpu.memory_space<vmem>> -> memref<1x16x128xi32, #tpu.memory_space<vmem>>
    %dma_start3A_33 = tpu.memref_squeeze %dma_start3A_32 : memref<1x16x128xi32, #tpu.memory_space<vmem>> -> memref<16x128xi32, #tpu.memory_space<vmem>>
    %dma_start3A_34 = arith.constant 0 : i32
    %dma_start3A_35 = tpu.memref_slice %arg4[%add3A_4, %dma_start3A_34] : memref<2560x128xi32, #tpu.memory_space<hbm>> -> memref<16x128xi32, #tpu.memory_space<hbm>>
    tpu.enqueue_dma source(%dma_start3A_35 : memref<16x128xi32, #tpu.memory_space<hbm>>) target(%dma_start3A_33 : memref<16x128xi32, #tpu.memory_space<vmem>>) target_semaphore(%dma_start3A_29 : memref<!tpu.dma_semaphore, #tpu.memory_space<semaphore_mem>>)
    %add3A_36 = arith.constant 16 : i32
    %add3A_37 = arith.addi %mul3A_2, %add3A_36 : i32
    %dma_start3A_38 = arith.constant 1 : i32
    %dma_start3A_39 = arith.constant 1 : i32
    %dma_start3A_40 = arith.constant 0 : i32
    %dma_start3A_41 = arith.constant 0 : i32
    %dma_start3A_42 = tpu.memref_slice %arg7[%dma_start3A_38, %dma_start3A_40, %dma_start3A_41] : memref<2x16x128xi32, #tpu.memory_space<vmem>> -> memref<1x16x128xi32, #tpu.memory_space<vmem>>
    %dma_start3A_43 = tpu.memref_squeeze %dma_start3A_42 : memref<1x16x128xi32, #tpu.memory_space<vmem>> -> memref<16x128xi32, #tpu.memory_space<vmem>>
    %dma_start3A_44 = arith.constant 0 : i32
    %dma_start3A_45 = tpu.memref_slice %arg3[%add3A_37, %dma_start3A_44] : memref<2560x128xi32, #tpu.memory_space<hbm>> -> memref<16x128xi32, #tpu.memory_space<hbm>>
    %dma_start3A_46 = tpu.memref_slice %arg11[%dma_start3A_39] : memref<2x!tpu.dma_semaphore, #tpu.memory_space<semaphore_mem>> -> memref<1x!tpu.dma_semaphore, #tpu.memory_space<semaphore_mem>>
    %dma_start3A_47 = tpu.memref_squeeze %dma_start3A_46 : memref<1x!tpu.dma_semaphore, #tpu.memory_space<semaphore_mem>> -> memref<!tpu.dma_semaphore, #tpu.memory_space<semaphore_mem>>
    %dma_start3A_48 = arith.constant 0 : i32
    %dma_start3A_49 = arith.constant 0 : i32
    %dma_start3A_50 = tpu.memref_slice %arg7[%dma_start3A_38, %dma_start3A_48, %dma_start3A_49] : memref<2x16x128xi32, #tpu.memory_space<vmem>> -> memref<1x16x128xi32, #tpu.memory_space<vmem>>
    %dma_start3A_51 = tpu.memref_squeeze %dma_start3A_50 : memref<1x16x128xi32, #tpu.memory_space<vmem>> -> memref<16x128xi32, #tpu.memory_space<vmem>>
    %dma_start3A_52 = arith.constant 0 : i32
    %dma_start3A_53 = tpu.memref_slice %arg3[%add3A_37, %dma_start3A_52] : memref<2560x128xi32, #tpu.memory_space<hbm>> -> memref<16x128xi32, #tpu.memory_space<hbm>>
    tpu.enqueue_dma source(%dma_start3A_53 : memref<16x128xi32, #tpu.memory_space<hbm>>) target(%dma_start3A_51 : memref<16x128xi32, #tpu.memory_space<vmem>>) target_semaphore(%dma_start3A_47 : memref<!tpu.dma_semaphore, #tpu.memory_space<semaphore_mem>>)
    %dma_start3A_54 = arith.constant 1 : i32
    %dma_start3A_55 = arith.constant 1 : i32
    %dma_start3A_56 = arith.constant 0 : i32
    %dma_start3A_57 = arith.constant 0 : i32
    %dma_start3A_58 = tpu.memref_slice %arg8[%dma_start3A_54, %dma_start3A_56, %dma_start3A_57] : memref<2x16x128xi32, #tpu.memory_space<vmem>> -> memref<1x16x128xi32, #tpu.memory_space<vmem>>
    %dma_start3A_59 = tpu.memref_squeeze %dma_start3A_58 : memref<1x16x128xi32, #tpu.memory_space<vmem>> -> memref<16x128xi32, #tpu.memory_space<vmem>>
    %dma_start3A_60 = arith.constant 0 : i32
    %dma_start3A_61 = tpu.memref_slice %arg4[%add3A_37, %dma_start3A_60] : memref<2560x128xi32, #tpu.memory_space<hbm>> -> memref<16x128xi32, #tpu.memory_space<hbm>>
    %dma_start3A_62 = tpu.memref_slice %arg11[%dma_start3A_55] : memref<2x!tpu.dma_semaphore, #tpu.memory_space<semaphore_mem>> -> memref<1x!tpu.dma_semaphore, #tpu.memory_space<semaphore_mem>>
    %dma_start3A_63 = tpu.memref_squeeze %dma_start3A_62 : memref<1x!tpu.dma_semaphore, #tpu.memory_space<semaphore_mem>> -> memref<!tpu.dma_semaphore, #tpu.memory_space<semaphore_mem>>
    %dma_start3A_64 = arith.constant 0 : i32
    %dma_start3A_65 = arith.constant 0 : i32
    %dma_start3A_66 = tpu.memref_slice %arg8[%dma_start3A_54, %dma_start3A_64, %dma_start3A_65] : memref<2x16x128xi32, #tpu.memory_space<vmem>> -> memref<1x16x128xi32, #tpu.memory_space<vmem>>
    %dma_start3A_67 = tpu.memref_squeeze %dma_start3A_66 : memref<1x16x128xi32, #tpu.memory_space<vmem>> -> memref<16x128xi32, #tpu.memory_space<vmem>>
    %dma_start3A_68 = arith.constant 0 : i32
    %dma_start3A_69 = tpu.memref_slice %arg4[%add3A_37, %dma_start3A_68] : memref<2560x128xi32, #tpu.memory_space<hbm>> -> memref<16x128xi32, #tpu.memory_space<hbm>>
    tpu.enqueue_dma source(%dma_start3A_69 : memref<16x128xi32, #tpu.memory_space<hbm>>) target(%dma_start3A_67 : memref<16x128xi32, #tpu.memory_space<vmem>>) target_semaphore(%dma_start3A_63 : memref<!tpu.dma_semaphore, #tpu.memory_space<semaphore_mem>>)
    %mul3A_70 = arith.constant 640 : i32
    %mul3A_71 = arith.muli %arg1, %mul3A_70 : i32
    "tpu.region"() ({
      %run_scoped3A = tpu.sem_alloc : memref<!tpu.dma_semaphore, #tpu.memory_space<semaphore_mem>>
      %dma_start3A_132 = arith.constant 0 : i32
      %dma_start3A_133 = tpu.memref_slice %arg12[%mul3A_71, %dma_start3A_132] : memref<10240x48xf32, #tpu.memory_space<vmem_shared>> -> memref<640x48xf32, #tpu.memory_space<vmem_shared>>
      tpu.enqueue_dma source(%arg5 : memref<640x48xf32, #tpu.memory_space<hbm>>) target(%dma_start3A_133 : memref<640x48xf32, #tpu.memory_space<vmem_shared>>) target_semaphore(%run_scoped3A : memref<!tpu.dma_semaphore, #tpu.memory_space<semaphore_mem>>)
      %dma_wait3A_134 = arith.constant 0 : i32
      %dma_wait3A_135 = tpu.memref_slice %arg12[%mul3A_71, %dma_wait3A_134] : memref<10240x48xf32, #tpu.memory_space<vmem_shared>> -> memref<640x48xf32, #tpu.memory_space<vmem_shared>>
      tpu.wait_dma2 semaphore(%run_scoped3A : memref<!tpu.dma_semaphore, #tpu.memory_space<semaphore_mem>>) src(%arg5 : memref<640x48xf32, #tpu.memory_space<hbm>>) dst(%dma_wait3A_135 : memref<640x48xf32, #tpu.memory_space<vmem_shared>>)
      tpu.yield
    }) : () -> ()
    %dma_wait3A = arith.constant 0 : i32
    %dma_wait3A_72 = arith.constant 0 : i32
    %dma_wait3A_73 = arith.constant 0 : i32
    %dma_wait3A_74 = arith.constant 0 : i32
    %dma_wait3A_75 = tpu.memref_slice %arg7[%dma_wait3A, %dma_wait3A_73, %dma_wait3A_74] : memref<2x16x128xi32, #tpu.memory_space<vmem>> -> memref<1x16x128xi32, #tpu.memory_space<vmem>>
    %dma_wait3A_76 = tpu.memref_squeeze %dma_wait3A_75 : memref<1x16x128xi32, #tpu.memory_space<vmem>> -> memref<16x128xi32, #tpu.memory_space<vmem>>
    %dma_wait3A_77 = arith.constant 0 : i32
    %dma_wait3A_78 = tpu.memref_slice %arg3[%mul3A_2, %dma_wait3A_77] : memref<2560x128xi32, #tpu.memory_space<hbm>> -> memref<16x128xi32, #tpu.memory_space<hbm>>
    %dma_wait3A_79 = tpu.memref_slice %arg11[%dma_wait3A_72] : memref<2x!tpu.dma_semaphore, #tpu.memory_space<semaphore_mem>> -> memref<1x!tpu.dma_semaphore, #tpu.memory_space<semaphore_mem>>
    %dma_wait3A_80 = tpu.memref_squeeze %dma_wait3A_79 : memref<1x!tpu.dma_semaphore, #tpu.memory_space<semaphore_mem>> -> memref<!tpu.dma_semaphore, #tpu.memory_space<semaphore_mem>>
    %dma_wait3A_81 = arith.constant 0 : i32
    %dma_wait3A_82 = arith.constant 0 : i32
    %dma_wait3A_83 = tpu.memref_slice %arg7[%dma_wait3A, %dma_wait3A_81, %dma_wait3A_82] : memref<2x16x128xi32, #tpu.memory_space<vmem>> -> memref<1x16x128xi32, #tpu.memory_space<vmem>>
    %dma_wait3A_84 = tpu.memref_squeeze %dma_wait3A_83 : memref<1x16x128xi32, #tpu.memory_space<vmem>> -> memref<16x128xi32, #tpu.memory_space<vmem>>
    %dma_wait3A_85 = arith.constant 0 : i32
    %dma_wait3A_86 = tpu.memref_slice %arg3[%mul3A_2, %dma_wait3A_85] : memref<2560x128xi32, #tpu.memory_space<hbm>> -> memref<16x128xi32, #tpu.memory_space<hbm>>
    tpu.wait_dma2 semaphore(%dma_wait3A_80 : memref<!tpu.dma_semaphore, #tpu.memory_space<semaphore_mem>>) src(%dma_wait3A_86 : memref<16x128xi32, #tpu.memory_space<hbm>>) dst(%dma_wait3A_84 : memref<16x128xi32, #tpu.memory_space<vmem>>)
    %dma_wait3A_87 = arith.constant 0 : i32
    %dma_wait3A_88 = arith.constant 0 : i32
    %dma_wait3A_89 = arith.constant 0 : i32
    %dma_wait3A_90 = arith.constant 0 : i32
    %dma_wait3A_91 = tpu.memref_slice %arg8[%dma_wait3A_87, %dma_wait3A_89, %dma_wait3A_90] : memref<2x16x128xi32, #tpu.memory_space<vmem>> -> memref<1x16x128xi32, #tpu.memory_space<vmem>>
    %dma_wait3A_92 = tpu.memref_squeeze %dma_wait3A_91 : memref<1x16x128xi32, #tpu.memory_space<vmem>> -> memref<16x128xi32, #tpu.memory_space<vmem>>
    %dma_wait3A_93 = arith.constant 0 : i32
    %dma_wait3A_94 = tpu.memref_slice %arg3[%mul3A_2, %dma_wait3A_93] : memref<2560x128xi32, #tpu.memory_space<hbm>> -> memref<16x128xi32, #tpu.memory_space<hbm>>
    %dma_wait3A_95 = tpu.memref_slice %arg11[%dma_wait3A_88] : memref<2x!tpu.dma_semaphore, #tpu.memory_space<semaphore_mem>> -> memref<1x!tpu.dma_semaphore, #tpu.memory_space<semaphore_mem>>
    %dma_wait3A_96 = tpu.memref_squeeze %dma_wait3A_95 : memref<1x!tpu.dma_semaphore, #tpu.memory_space<semaphore_mem>> -> memref<!tpu.dma_semaphore, #tpu.memory_space<semaphore_mem>>
    %dma_wait3A_97 = arith.constant 0 : i32
    %dma_wait3A_98 = arith.constant 0 : i32
    %dma_wait3A_99 = tpu.memref_slice %arg8[%dma_wait3A_87, %dma_wait3A_97, %dma_wait3A_98] : memref<2x16x128xi32, #tpu.memory_space<vmem>> -> memref<1x16x128xi32, #tpu.memory_space<vmem>>
    %dma_wait3A_100 = tpu.memref_squeeze %dma_wait3A_99 : memref<1x16x128xi32, #tpu.memory_space<vmem>> -> memref<16x128xi32, #tpu.memory_space<vmem>>
    %dma_wait3A_101 = arith.constant 0 : i32
    %dma_wait3A_102 = tpu.memref_slice %arg3[%mul3A_2, %dma_wait3A_101] : memref<2560x128xi32, #tpu.memory_space<hbm>> -> memref<16x128xi32, #tpu.memory_space<hbm>>
    tpu.wait_dma2 semaphore(%dma_wait3A_96 : memref<!tpu.dma_semaphore, #tpu.memory_space<semaphore_mem>>) src(%dma_wait3A_102 : memref<16x128xi32, #tpu.memory_space<hbm>>) dst(%dma_wait3A_100 : memref<16x128xi32, #tpu.memory_space<vmem>>)
    %dma_start3A_103 = arith.constant 0 : i32
    %dma_start3A_104 = arith.constant 0 : i32
    %dma_start3A_105 = arith.constant 0 : i32
    %dma_start3A_106 = arith.constant 0 : i32
    %dma_start3A_107 = arith.constant 0 : i32
    %dma_start3A_108 = arith.constant 0 : i32
    %dma_start3A_109 = tpu.memref_slice %arg9[%dma_start3A_105, %dma_start3A_107, %dma_start3A_108] : memref<2x128x48xf32, #tpu.memory_space<vmem>> -> memref<1x128x48xf32, #tpu.memory_space<vmem>>
    %dma_start3A_110 = tpu.memref_squeeze %dma_start3A_109 : memref<1x128x48xf32, #tpu.memory_space<vmem>> -> memref<128x48xf32, #tpu.memory_space<vmem>>
    %dma_start3A_111 = arith.constant 0 : i32
    %dma_start3A_112 = tpu.memref_slice %arg7[%dma_start3A_103, %dma_start3A_104, %dma_start3A_111] : memref<2x16x128xi32, #tpu.memory_space<vmem>> -> memref<1x1x128xi32, #tpu.memory_space<vmem>>
    %dma_start3A_113 = tpu.memref_squeeze %dma_start3A_112 : memref<1x1x128xi32, #tpu.memory_space<vmem>> -> memref<128xi32, #tpu.memory_space<vmem>>
    %dma_start3A_114 = arith.constant 0 : i32
    %dma_start3A_115 = arith.constant 0 : i32
    %dma_start3A_116 = tpu.memref_slice %arg2[%dma_start3A_114, %dma_start3A_115] : memref<10240x48xf32, #tpu.memory_space<hbm>> -> memref<10240x48xf32, #tpu.memory_space<hbm>>
    %dma_start3A_117 = tpu.memref_slice %arg10[%dma_start3A_106] : memref<2x!tpu.dma_semaphore, #tpu.memory_space<semaphore_mem>> -> memref<1x!tpu.dma_semaphore, #tpu.memory_space<semaphore_mem>>
    %dma_start3A_118 = tpu.memref_squeeze %dma_start3A_117 : memref<1x!tpu.dma_semaphore, #tpu.memory_space<semaphore_mem>> -> memref<!tpu.dma_semaphore, #tpu.memory_space<semaphore_mem>>
    tpu.enqueue_indirect_dma source(%dma_start3A_116 : memref<10240x48xf32, #tpu.memory_space<hbm>>) target(%dma_start3A_110 : memref<128x48xf32, #tpu.memory_space<vmem>>) offsets(%dma_start3A_113 : memref<128xi32, #tpu.memory_space<vmem>>) semaphore(%dma_start3A_118 : memref<!tpu.dma_semaphore, #tpu.memory_space<semaphore_mem>>)
    %barrier3A = arith.constant 0 : index
    tpu.barrier barrier_id(%barrier3A)
    %scan3A = arith.constant 0 : i32
    %scan3A_119 = arith.constant 0 : i32
    %scan3A_120 = arith.constant 80 : i32
    %scan3A_121 = arith.addi %scan3A_119, %scan3A_120 : i32
    %scan3A_122 = arith.constant 1 : i32
    scf.for %scan3A_132 = %scan3A_119 to %scan3A_121 step %scan3A_122  : i32 {
      %div3A = arith.constant 16 : i32
      %div3A_133 = arith.divsi %scan3A_132, %div3A : i32
      %rem3A = arith.constant 16 : i32
      %rem3A_134 = arith.remsi %scan3A_132, %rem3A : i32
      %eq3A = arith.constant 0 : i32
      %eq3A_135 = arith.cmpi eq, %rem3A_134, %eq3A : i32
      %ge3A = arith.constant 1 : i32
      %ge3A_136 = arith.cmpi sge, %div3A_133, %ge3A : i32
      %add3A_137 = arith.constant 1 : i32
      %add3A_138 = arith.addi %div3A_133, %add3A_137 : i32
      %lt3A = arith.constant 5 : i32
      %lt3A_139 = arith.cmpi slt, %add3A_138, %lt3A : i32
      %and3A = arith.andi %ge3A_136, %lt3A_139 : i1
      %and3A_140 = arith.andi %eq3A_135, %and3A : i1
      %convert_element_type3A = arith.extui %and3A_140 : i1 to i32
      %cond3A = arith.constant 0 : i32
      %cond3A_141 = arith.cmpi ne, %convert_element_type3A, %cond3A : i32
      scf.if %cond3A_141 {
        %add3A_175 = arith.constant 1 : i32
        %add3A_176 = arith.addi %div3A_133, %add3A_175 : i32
        %add3A_177 = arith.constant 1 : i32
        %add3A_178 = arith.addi %div3A_133, %add3A_177 : i32
        %rem3A_179 = arith.constant 2 : i32
        %rem3A_180 = arith.remsi %add3A_178, %rem3A_179 : i32
        %mul3A_181 = arith.constant 16 : i32
        %mul3A_182 = arith.muli %add3A_176, %mul3A_181 : i32
        %add3A_183 = arith.addi %mul3A_2, %mul3A_182 : i32
        %dma_start3A_184 = arith.constant 0 : i32
        %dma_start3A_185 = arith.constant 0 : i32
        %dma_start3A_186 = tpu.memref_slice %arg7[%rem3A_180, %dma_start3A_184, %dma_start3A_185] : memref<2x16x128xi32, #tpu.memory_space<vmem>> -> memref<1x16x128xi32, #tpu.memory_space<vmem>>
        %dma_start3A_187 = tpu.memref_squeeze %dma_start3A_186 : memref<1x16x128xi32, #tpu.memory_space<vmem>> -> memref<16x128xi32, #tpu.memory_space<vmem>>
        %dma_start3A_188 = arith.constant 0 : i32
        %dma_start3A_189 = tpu.memref_slice %arg3[%add3A_183, %dma_start3A_188] : memref<2560x128xi32, #tpu.memory_space<hbm>> -> memref<16x128xi32, #tpu.memory_space<hbm>>
        %dma_start3A_190 = tpu.memref_slice %arg11[%rem3A_180] : memref<2x!tpu.dma_semaphore, #tpu.memory_space<semaphore_mem>> -> memref<1x!tpu.dma_semaphore, #tpu.memory_space<semaphore_mem>>
        %dma_start3A_191 = tpu.memref_squeeze %dma_start3A_190 : memref<1x!tpu.dma_semaphore, #tpu.memory_space<semaphore_mem>> -> memref<!tpu.dma_semaphore, #tpu.memory_space<semaphore_mem>>
        %dma_start3A_192 = arith.constant 0 : i32
        %dma_start3A_193 = arith.constant 0 : i32
        %dma_start3A_194 = tpu.memref_slice %arg7[%rem3A_180, %dma_start3A_192, %dma_start3A_193] : memref<2x16x128xi32, #tpu.memory_space<vmem>> -> memref<1x16x128xi32, #tpu.memory_space<vmem>>
        %dma_start3A_195 = tpu.memref_squeeze %dma_start3A_194 : memref<1x16x128xi32, #tpu.memory_space<vmem>> -> memref<16x128xi32, #tpu.memory_space<vmem>>
        %dma_start3A_196 = arith.constant 0 : i32
        %dma_start3A_197 = tpu.memref_slice %arg3[%add3A_183, %dma_start3A_196] : memref<2560x128xi32, #tpu.memory_space<hbm>> -> memref<16x128xi32, #tpu.memory_space<hbm>>
        tpu.enqueue_dma source(%dma_start3A_197 : memref<16x128xi32, #tpu.memory_space<hbm>>) target(%dma_start3A_195 : memref<16x128xi32, #tpu.memory_space<vmem>>) target_semaphore(%dma_start3A_191 : memref<!tpu.dma_semaphore, #tpu.memory_space<semaphore_mem>>)
        %dma_start3A_198 = arith.constant 0 : i32
        %dma_start3A_199 = arith.constant 0 : i32
        %dma_start3A_200 = tpu.memref_slice %arg8[%rem3A_180, %dma_start3A_198, %dma_start3A_199] : memref<2x16x128xi32, #tpu.memory_space<vmem>> -> memref<1x16x128xi32, #tpu.memory_space<vmem>>
        %dma_start3A_201 = tpu.memref_squeeze %dma_start3A_200 : memref<1x16x128xi32, #tpu.memory_space<vmem>> -> memref<16x128xi32, #tpu.memory_space<vmem>>
        %dma_start3A_202 = arith.constant 0 : i32
        %dma_start3A_203 = tpu.memref_slice %arg4[%add3A_183, %dma_start3A_202] : memref<2560x128xi32, #tpu.memory_space<hbm>> -> memref<16x128xi32, #tpu.memory_space<hbm>>
        %dma_start3A_204 = tpu.memref_slice %arg11[%rem3A_180] : memref<2x!tpu.dma_semaphore, #tpu.memory_space<semaphore_mem>> -> memref<1x!tpu.dma_semaphore, #tpu.memory_space<semaphore_mem>>
        %dma_start3A_205 = tpu.memref_squeeze %dma_start3A_204 : memref<1x!tpu.dma_semaphore, #tpu.memory_space<semaphore_mem>> -> memref<!tpu.dma_semaphore, #tpu.memory_space<semaphore_mem>>
        %dma_start3A_206 = arith.constant 0 : i32
        %dma_start3A_207 = arith.constant 0 : i32
        %dma_start3A_208 = tpu.memref_slice %arg8[%rem3A_180, %dma_start3A_206, %dma_start3A_207] : memref<2x16x128xi32, #tpu.memory_space<vmem>> -> memref<1x16x128xi32, #tpu.memory_space<vmem>>
        %dma_start3A_209 = tpu.memref_squeeze %dma_start3A_208 : memref<1x16x128xi32, #tpu.memory_space<vmem>> -> memref<16x128xi32, #tpu.memory_space<vmem>>
        %dma_start3A_210 = arith.constant 0 : i32
        %dma_start3A_211 = tpu.memref_slice %arg4[%add3A_183, %dma_start3A_210] : memref<2560x128xi32, #tpu.memory_space<hbm>> -> memref<16x128xi32, #tpu.memory_space<hbm>>
        tpu.enqueue_dma source(%dma_start3A_211 : memref<16x128xi32, #tpu.memory_space<hbm>>) target(%dma_start3A_209 : memref<16x128xi32, #tpu.memory_space<vmem>>) target_semaphore(%dma_start3A_205 : memref<!tpu.dma_semaphore, #tpu.memory_space<semaphore_mem>>)
      } else {
      }
      %add3A_142 = arith.constant 1 : i32
      %add3A_143 = arith.addi %scan3A_132, %add3A_142 : i32
      %div3A_144 = arith.constant 16 : i32
      %div3A_145 = arith.divsi %add3A_143, %div3A_144 : i32
      %rem3A_146 = arith.constant 2 : i32
      %rem3A_147 = arith.remsi %div3A_145, %rem3A_146 : i32
      %lt3A_148 = arith.constant 80 : i32
      %lt3A_149 = arith.cmpi slt, %add3A_143, %lt3A_148 : i32
      %convert_element_type3A_150 = arith.extui %lt3A_149 : i1 to i32
      %cond3A_151 = arith.constant 0 : i32
      %cond3A_152 = arith.cmpi ne, %convert_element_type3A_150, %cond3A_151 : i32
      scf.if %cond3A_152 {
        %rem3A_175 = arith.constant 16 : i32
        %rem3A_176 = arith.remsi %add3A_143, %rem3A_175 : i32
        %eq3A_177 = arith.constant 0 : i32
        %eq3A_178 = arith.cmpi eq, %rem3A_176, %eq3A_177 : i32
        %convert_element_type3A_179 = arith.extui %eq3A_178 : i1 to i32
        %cond3A_180 = arith.constant 0 : i32
        %cond3A_181 = arith.cmpi ne, %convert_element_type3A_179, %cond3A_180 : i32
        scf.if %cond3A_181 {
          %dma_wait3A_198 = arith.constant 0 : i32
          %dma_wait3A_199 = arith.constant 0 : i32
          %dma_wait3A_200 = tpu.memref_slice %arg7[%rem3A_147, %dma_wait3A_198, %dma_wait3A_199] : memref<2x16x128xi32, #tpu.memory_space<vmem>> -> memref<1x16x128xi32, #tpu.memory_space<vmem>>
          %dma_wait3A_201 = tpu.memref_squeeze %dma_wait3A_200 : memref<1x16x128xi32, #tpu.memory_space<vmem>> -> memref<16x128xi32, #tpu.memory_space<vmem>>
          %dma_wait3A_202 = arith.constant 0 : i32
          %dma_wait3A_203 = tpu.memref_slice %arg3[%mul3A_2, %dma_wait3A_202] : memref<2560x128xi32, #tpu.memory_space<hbm>> -> memref<16x128xi32, #tpu.memory_space<hbm>>
          %dma_wait3A_204 = tpu.memref_slice %arg11[%rem3A_147] : memref<2x!tpu.dma_semaphore, #tpu.memory_space<semaphore_mem>> -> memref<1x!tpu.dma_semaphore, #tpu.memory_space<semaphore_mem>>
          %dma_wait3A_205 = tpu.memref_squeeze %dma_wait3A_204 : memref<1x!tpu.dma_semaphore, #tpu.memory_space<semaphore_mem>> -> memref<!tpu.dma_semaphore, #tpu.memory_space<semaphore_mem>>
          %dma_wait3A_206 = arith.constant 0 : i32
          %dma_wait3A_207 = arith.constant 0 : i32
          %dma_wait3A_208 = tpu.memref_slice %arg7[%rem3A_147, %dma_wait3A_206, %dma_wait3A_207] : memref<2x16x128xi32, #tpu.memory_space<vmem>> -> memref<1x16x128xi32, #tpu.memory_space<vmem>>
          %dma_wait3A_209 = tpu.memref_squeeze %dma_wait3A_208 : memref<1x16x128xi32, #tpu.memory_space<vmem>> -> memref<16x128xi32, #tpu.memory_space<vmem>>
          %dma_wait3A_210 = arith.constant 0 : i32
          %dma_wait3A_211 = tpu.memref_slice %arg3[%mul3A_2, %dma_wait3A_210] : memref<2560x128xi32, #tpu.memory_space<hbm>> -> memref<16x128xi32, #tpu.memory_space<hbm>>
          tpu.wait_dma2 semaphore(%dma_wait3A_205 : memref<!tpu.dma_semaphore, #tpu.memory_space<semaphore_mem>>) src(%dma_wait3A_211 : memref<16x128xi32, #tpu.memory_space<hbm>>) dst(%dma_wait3A_209 : memref<16x128xi32, #tpu.memory_space<vmem>>)
          %dma_wait3A_212 = arith.constant 0 : i32
          %dma_wait3A_213 = arith.constant 0 : i32
          %dma_wait3A_214 = tpu.memref_slice %arg8[%rem3A_147, %dma_wait3A_212, %dma_wait3A_213] : memref<2x16x128xi32, #tpu.memory_space<vmem>> -> memref<1x16x128xi32, #tpu.memory_space<vmem>>
          %dma_wait3A_215 = tpu.memref_squeeze %dma_wait3A_214 : memref<1x16x128xi32, #tpu.memory_space<vmem>> -> memref<16x128xi32, #tpu.memory_space<vmem>>
          %dma_wait3A_216 = arith.constant 0 : i32
          %dma_wait3A_217 = tpu.memref_slice %arg3[%mul3A_2, %dma_wait3A_216] : memref<2560x128xi32, #tpu.memory_space<hbm>> -> memref<16x128xi32, #tpu.memory_space<hbm>>
          %dma_wait3A_218 = tpu.memref_slice %arg11[%rem3A_147] : memref<2x!tpu.dma_semaphore, #tpu.memory_space<semaphore_mem>> -> memref<1x!tpu.dma_semaphore, #tpu.memory_space<semaphore_mem>>
          %dma_wait3A_219 = tpu.memref_squeeze %dma_wait3A_218 : memref<1x!tpu.dma_semaphore, #tpu.memory_space<semaphore_mem>> -> memref<!tpu.dma_semaphore, #tpu.memory_space<semaphore_mem>>
          %dma_wait3A_220 = arith.constant 0 : i32
          %dma_wait3A_221 = arith.constant 0 : i32
          %dma_wait3A_222 = tpu.memref_slice %arg8[%rem3A_147, %dma_wait3A_220, %dma_wait3A_221] : memref<2x16x128xi32, #tpu.memory_space<vmem>> -> memref<1x16x128xi32, #tpu.memory_space<vmem>>
          %dma_wait3A_223 = tpu.memref_squeeze %dma_wait3A_222 : memref<1x16x128xi32, #tpu.memory_space<vmem>> -> memref<16x128xi32, #tpu.memory_space<vmem>>
          %dma_wait3A_224 = arith.constant 0 : i32
          %dma_wait3A_225 = tpu.memref_slice %arg3[%mul3A_2, %dma_wait3A_224] : memref<2560x128xi32, #tpu.memory_space<hbm>> -> memref<16x128xi32, #tpu.memory_space<hbm>>
          tpu.wait_dma2 semaphore(%dma_wait3A_219 : memref<!tpu.dma_semaphore, #tpu.memory_space<semaphore_mem>>) src(%dma_wait3A_225 : memref<16x128xi32, #tpu.memory_space<hbm>>) dst(%dma_wait3A_223 : memref<16x128xi32, #tpu.memory_space<vmem>>)
        } else {
        }
        %rem3A_182 = arith.constant 2 : i32
        %rem3A_183 = arith.remsi %add3A_143, %rem3A_182 : i32
        %rem3A_184 = arith.constant 16 : i32
        %rem3A_185 = arith.remsi %add3A_143, %rem3A_184 : i32
        %dma_start3A_186 = arith.constant 0 : i32
        %dma_start3A_187 = arith.constant 0 : i32
        %dma_start3A_188 = tpu.memref_slice %arg9[%rem3A_183, %dma_start3A_186, %dma_start3A_187] : memref<2x128x48xf32, #tpu.memory_space<vmem>> -> memref<1x128x48xf32, #tpu.memory_space<vmem>>
        %dma_start3A_189 = tpu.memref_squeeze %dma_start3A_188 : memref<1x128x48xf32, #tpu.memory_space<vmem>> -> memref<128x48xf32, #tpu.memory_space<vmem>>
        %dma_start3A_190 = arith.constant 0 : i32
        %dma_start3A_191 = tpu.memref_slice %arg7[%rem3A_147, %rem3A_185, %dma_start3A_190] : memref<2x16x128xi32, #tpu.memory_space<vmem>> -> memref<1x1x128xi32, #tpu.memory_space<vmem>>
        %dma_start3A_192 = tpu.memref_squeeze %dma_start3A_191 : memref<1x1x128xi32, #tpu.memory_space<vmem>> -> memref<128xi32, #tpu.memory_space<vmem>>
        %dma_start3A_193 = arith.constant 0 : i32
        %dma_start3A_194 = arith.constant 0 : i32
        %dma_start3A_195 = tpu.memref_slice %arg2[%dma_start3A_193, %dma_start3A_194] : memref<10240x48xf32, #tpu.memory_space<hbm>> -> memref<10240x48xf32, #tpu.memory_space<hbm>>
        %dma_start3A_196 = tpu.memref_slice %arg10[%rem3A_183] : memref<2x!tpu.dma_semaphore, #tpu.memory_space<semaphore_mem>> -> memref<1x!tpu.dma_semaphore, #tpu.memory_space<semaphore_mem>>
        %dma_start3A_197 = tpu.memref_squeeze %dma_start3A_196 : memref<1x!tpu.dma_semaphore, #tpu.memory_space<semaphore_mem>> -> memref<!tpu.dma_semaphore, #tpu.memory_space<semaphore_mem>>
        tpu.enqueue_indirect_dma source(%dma_start3A_195 : memref<10240x48xf32, #tpu.memory_space<hbm>>) target(%dma_start3A_189 : memref<128x48xf32, #tpu.memory_space<vmem>>) offsets(%dma_start3A_192 : memref<128xi32, #tpu.memory_space<vmem>>) semaphore(%dma_start3A_197 : memref<!tpu.dma_semaphore, #tpu.memory_space<semaphore_mem>>)
      } else {
      }
      %rem3A_153 = arith.constant 2 : i32
      %rem3A_154 = arith.remsi %scan3A_132, %rem3A_153 : i32
      %rem3A_155 = arith.constant 2 : i32
      %rem3A_156 = arith.remsi %div3A_133, %rem3A_155 : i32
      %dma_wait3A_157 = arith.constant 0 : i32
      %dma_wait3A_158 = arith.constant 0 : i32
      %dma_wait3A_159 = tpu.memref_slice %arg9[%rem3A_154, %dma_wait3A_157, %dma_wait3A_158] : memref<2x128x48xf32, #tpu.memory_space<vmem>> -> memref<1x128x48xf32, #tpu.memory_space<vmem>>
      %dma_wait3A_160 = tpu.memref_squeeze %dma_wait3A_159 : memref<1x128x48xf32, #tpu.memory_space<vmem>> -> memref<128x48xf32, #tpu.memory_space<vmem>>
      %dma_wait3A_161 = arith.constant 0 : i32
      %dma_wait3A_162 = arith.constant 0 : i32
      %dma_wait3A_163 = tpu.memref_slice %arg2[%dma_wait3A_161, %dma_wait3A_162] : memref<10240x48xf32, #tpu.memory_space<hbm>> -> memref<128x48xf32, #tpu.memory_space<hbm>>
      %dma_wait3A_164 = tpu.memref_slice %arg10[%rem3A_154] : memref<2x!tpu.dma_semaphore, #tpu.memory_space<semaphore_mem>> -> memref<1x!tpu.dma_semaphore, #tpu.memory_space<semaphore_mem>>
      %dma_wait3A_165 = tpu.memref_squeeze %dma_wait3A_164 : memref<1x!tpu.dma_semaphore, #tpu.memory_space<semaphore_mem>> -> memref<!tpu.dma_semaphore, #tpu.memory_space<semaphore_mem>>
      %dma_wait3A_166 = arith.constant 0 : i32
      %dma_wait3A_167 = arith.constant 0 : i32
      %dma_wait3A_168 = tpu.memref_slice %arg9[%rem3A_154, %dma_wait3A_166, %dma_wait3A_167] : memref<2x128x48xf32, #tpu.memory_space<vmem>> -> memref<1x128x48xf32, #tpu.memory_space<vmem>>
      %dma_wait3A_169 = tpu.memref_squeeze %dma_wait3A_168 : memref<1x128x48xf32, #tpu.memory_space<vmem>> -> memref<128x48xf32, #tpu.memory_space<vmem>>
      %dma_wait3A_170 = arith.constant 0 : i32
      %dma_wait3A_171 = arith.constant 0 : i32
      %dma_wait3A_172 = tpu.memref_slice %arg2[%dma_wait3A_170, %dma_wait3A_171] : memref<10240x48xf32, #tpu.memory_space<hbm>> -> memref<128x48xf32, #tpu.memory_space<hbm>>
      tpu.wait_dma2 semaphore(%dma_wait3A_165 : memref<!tpu.dma_semaphore, #tpu.memory_space<semaphore_mem>>) src(%dma_wait3A_172 : memref<128x48xf32, #tpu.memory_space<hbm>>) dst(%dma_wait3A_169 : memref<128x48xf32, #tpu.memory_space<vmem>>)
      %rem3A_173 = arith.constant 16 : i32
      %rem3A_174 = arith.remsi %scan3A_132, %rem3A_173 : i32
      "tpu.region"() ({
        %run_scoped3A = tpu.sem_alloc : memref<!tpu.dma_semaphore, #tpu.memory_space<semaphore_mem>>
        %dma_start3A_175 = arith.constant 0 : i32
        %dma_start3A_176 = arith.constant 0 : i32
        %dma_start3A_177 = tpu.memref_slice %arg9[%rem3A_154, %dma_start3A_175, %dma_start3A_176] : memref<2x128x48xf32, #tpu.memory_space<vmem>> -> memref<1x128x48xf32, #tpu.memory_space<vmem>>
        %dma_start3A_178 = tpu.memref_squeeze %dma_start3A_177 : memref<1x128x48xf32, #tpu.memory_space<vmem>> -> memref<128x48xf32, #tpu.memory_space<vmem>>
        %dma_start3A_179 = arith.constant 0 : i32
        %dma_start3A_180 = tpu.memref_slice %arg8[%rem3A_156, %rem3A_174, %dma_start3A_179] : memref<2x16x128xi32, #tpu.memory_space<vmem>> -> memref<1x1x128xi32, #tpu.memory_space<vmem>>
        %dma_start3A_181 = tpu.memref_squeeze %dma_start3A_180 : memref<1x1x128xi32, #tpu.memory_space<vmem>> -> memref<128xi32, #tpu.memory_space<vmem>>
        %dma_start3A_182 = arith.constant 0 : i32
        %dma_start3A_183 = arith.constant 0 : i32
        %dma_start3A_184 = tpu.memref_slice %arg12[%dma_start3A_182, %dma_start3A_183] : memref<10240x48xf32, #tpu.memory_space<vmem_shared>> -> memref<10240x48xf32, #tpu.memory_space<vmem_shared>>
        tpu.enqueue_indirect_dma source(%dma_start3A_178 : memref<128x48xf32, #tpu.memory_space<vmem>>) target(%dma_start3A_184 : memref<10240x48xf32, #tpu.memory_space<vmem_shared>>) offsets(%dma_start3A_181 : memref<128xi32, #tpu.memory_space<vmem>>) semaphore(%run_scoped3A : memref<!tpu.dma_semaphore, #tpu.memory_space<semaphore_mem>>) {add = true}
        %dma_wait3A_185 = arith.constant 0 : i32
        %dma_wait3A_186 = arith.constant 0 : i32
        %dma_wait3A_187 = tpu.memref_slice %arg9[%rem3A_154, %dma_wait3A_185, %dma_wait3A_186] : memref<2x128x48xf32, #tpu.memory_space<vmem>> -> memref<1x128x48xf32, #tpu.memory_space<vmem>>
        %dma_wait3A_188 = tpu.memref_squeeze %dma_wait3A_187 : memref<1x128x48xf32, #tpu.memory_space<vmem>> -> memref<128x48xf32, #tpu.memory_space<vmem>>
        %dma_wait3A_189 = arith.constant 0 : i32
        %dma_wait3A_190 = tpu.memref_slice %arg8[%rem3A_156, %rem3A_174, %dma_wait3A_189] : memref<2x16x128xi32, #tpu.memory_space<vmem>> -> memref<1x1x128xi32, #tpu.memory_space<vmem>>
        %dma_wait3A_191 = tpu.memref_squeeze %dma_wait3A_190 : memref<1x1x128xi32, #tpu.memory_space<vmem>> -> memref<128xi32, #tpu.memory_space<vmem>>
        %dma_wait3A_192 = arith.constant 0 : i32
        %dma_wait3A_193 = arith.constant 0 : i32
        %dma_wait3A_194 = tpu.memref_slice %arg12[%dma_wait3A_192, %dma_wait3A_193] : memref<10240x48xf32, #tpu.memory_space<vmem_shared>> -> memref<10240x48xf32, #tpu.memory_space<vmem_shared>>
        tpu.wait_indirect_dma semaphore(%run_scoped3A : memref<!tpu.dma_semaphore, #tpu.memory_space<semaphore_mem>>) src(%dma_wait3A_188 : memref<128x48xf32, #tpu.memory_space<vmem>>) dst(%dma_wait3A_194 : memref<10240x48xf32, #tpu.memory_space<vmem_shared>>)
        tpu.yield
      }) : () -> ()
    }
    %scan3A_123 = arith.constant 80 : i32
    %barrier3A_124 = arith.constant 0 : index
    tpu.barrier barrier_id(%barrier3A_124)
    %mul3A_125 = arith.constant 640 : i32
    %mul3A_126 = arith.muli %arg1, %mul3A_125 : i32
    %mul3A_127 = arith.constant 10240 : i32
    %mul3A_128 = arith.muli %arg0, %mul3A_127 : i32
    %mul3A_129 = arith.constant 640 : i32
    %mul3A_130 = arith.muli %arg1, %mul3A_129 : i32
    %add3A_131 = arith.addi %mul3A_128, %mul3A_130 : i32
    "tpu.region"() ({
      %run_scoped3A = tpu.sem_alloc : memref<!tpu.dma_semaphore, #tpu.memory_space<semaphore_mem>>
      %dma_start3A_132 = arith.constant 0 : i32
      %dma_start3A_133 = tpu.memref_slice %arg6[%add3A_131, %dma_start3A_132] : memref<20480x48xf32, #tpu.memory_space<hbm>> -> memref<640x48xf32, #tpu.memory_space<hbm>>
      %dma_start3A_134 = arith.constant 0 : i32
      %dma_start3A_135 = tpu.memref_slice %arg12[%mul3A_126, %dma_start3A_134] : memref<10240x48xf32, #tpu.memory_space<vmem_shared>> -> memref<640x48xf32, #tpu.memory_space<vmem_shared>>
      tpu.enqueue_dma source(%dma_start3A_135 : memref<640x48xf32, #tpu.memory_space<vmem_shared>>) target(%dma_start3A_133 : memref<640x48xf32, #tpu.memory_space<hbm>>) target_semaphore(%run_scoped3A : memref<!tpu.dma_semaphore, #tpu.memory_space<semaphore_mem>>)
      %dma_wait3A_136 = arith.constant 0 : i32
      %dma_wait3A_137 = tpu.memref_slice %arg6[%add3A_131, %dma_wait3A_136] : memref<20480x48xf32, #tpu.memory_space<hbm>> -> memref<640x48xf32, #tpu.memory_space<hbm>>
      %dma_wait3A_138 = arith.constant 0 : i32
      %dma_wait3A_139 = tpu.memref_slice %arg12[%mul3A_126, %dma_wait3A_138] : memref<10240x48xf32, #tpu.memory_space<vmem_shared>> -> memref<640x48xf32, #tpu.memory_space<vmem_shared>>
      tpu.wait_dma2 semaphore(%run_scoped3A : memref<!tpu.dma_semaphore, #tpu.memory_space<semaphore_mem>>) src(%dma_wait3A_139 : memref<640x48xf32, #tpu.memory_space<vmem_shared>>) dst(%dma_wait3A_137 : memref<640x48xf32, #tpu.memory_space<hbm>>)
      tpu.yield
    }) : () -> ()
    return
  }
}

module attributes {stable_mosaic.version = 14 : i64} {
  func.func @body(%arg0: i32, %arg1: memref<5120x128xf32, #tpu.memory_space<vmem>>, %arg2: memref<5120x4xf32, #tpu.memory_space<vmem>>, %arg3: memref<5120x128xf32, #tpu.memory_space<vmem>>) attributes {dimension_semantics = [#tpu.dimension_semantics<arbitrary>], iteration_bounds = array<i64: 2>, scalar_prefetch = 0 : i64, scratch_operands = 0 : i64, tpu.core_type = #tpu.core_type<tc>, window_params = [{transform_indices = @transform_0, window_bounds = array<i64: 5120, 128>}, {transform_indices = @transform_1, window_bounds = array<i64: 5120, 4>}, {transform_indices = @transform_2, window_bounds = array<i64: 5120, 128>}]} {
    %get3A = arith.constant 0 : index
    %get3A_0 = arith.constant 0 : index
    %get3A_1 = vector.load %arg2[%get3A, %get3A_0] : memref<5120x4xf32, #tpu.memory_space<vmem>>, vector<5120x4xf32>
    %slice3A = vector.extract_strided_slice %get3A_1 {offsets = [0, 0], sizes = [5120, 1], strides = [1, 1]} : vector<5120x4xf32> to vector<5120x1xf32>
    %squeeze3A = vector.shape_cast %slice3A : vector<5120x1xf32> to vector<5120xf32>
    %slice3A_2 = vector.extract_strided_slice %get3A_1 {offsets = [0, 1], sizes = [5120, 1], strides = [1, 1]} : vector<5120x4xf32> to vector<5120x1xf32>
    %squeeze3A_3 = vector.shape_cast %slice3A_2 : vector<5120x1xf32> to vector<5120xf32>
    %add3A = arith.addf %squeeze3A, %squeeze3A_3 : vector<5120xf32>
    %max3A = arith.constant 1.000000e+00 : f32
    %max3A_4 = vector.broadcast %max3A : f32 to vector<5120xf32>
    %max3A_5 = arith.maximumf %add3A, %max3A_4 : vector<5120xf32>
    %rsqrt3A = math.rsqrt %max3A_5 : vector<5120xf32>
    %get3A_6 = arith.constant 0 : index
    %get3A_7 = arith.constant 0 : index
    %get3A_8 = vector.load %arg1[%get3A_6, %get3A_7] : memref<5120x128xf32, #tpu.memory_space<vmem>>, vector<5120x128xf32>
    %broadcast_in_dim3A = vector.shape_cast %rsqrt3A : vector<5120xf32> to vector<5120x1xf32>
    %mul3A = vector.broadcast %broadcast_in_dim3A : vector<5120x1xf32> to vector<5120x128xf32>
    %mul3A_9 = arith.mulf %get3A_8, %mul3A : vector<5120x128xf32>
    %swap3A = arith.constant 0 : index
    %swap3A_10 = arith.constant 0 : index
    %swap3A_11 = vector.load %arg3[%swap3A, %swap3A_10] : memref<5120x128xf32, #tpu.memory_space<vmem>>, vector<5120x128xf32>
    tpu.vector_store %arg3[%swap3A, %swap3A_10], %mul3A_9 {strides = array<i32>} : memref<5120x128xf32, #tpu.memory_space<vmem>>, vector<5120x128xf32>,
    return
  }
  func.func @transform_0(%arg0: i32) -> (i32, i32) {
    %c0_i32 = arith.constant 0 : i32
    %c0_i32_0 = arith.constant 0 : i32
    return %arg0, %c0_i32 : i32, i32
  }
  func.func @transform_1(%arg0: i32) -> (i32, i32) {
    %c0_i32 = arith.constant 0 : i32
    %c0_i32_0 = arith.constant 0 : i32
    return %arg0, %c0_i32 : i32, i32
  }
  func.func @transform_2(%arg0: i32) -> (i32, i32) {
    %c0_i32 = arith.constant 0 : i32
    %c0_i32_0 = arith.constant 0 : i32
    return %arg0, %c0_i32 : i32, i32
  }
}

module attributes {stable_mosaic.version = 14 : i64} {
  func.func @body(%arg0: i32, %arg1: memref<5120x128xf32, #tpu.memory_space<vmem>>, %arg2: memref<5120x128xf32, #tpu.memory_space<vmem>>, %arg3: memref<5120x4xf32, #tpu.memory_space<vmem>>, %arg4: memref<128x128xf32, #tpu.memory_space<vmem>>, %arg5: memref<1x128xf32, #tpu.memory_space<vmem>>, %arg6: memref<5120x128xf32, #tpu.memory_space<vmem>>) attributes {dimension_semantics = [#tpu.dimension_semantics<arbitrary>], iteration_bounds = array<i64: 2>, scalar_prefetch = 0 : i64, scratch_operands = 0 : i64, tpu.core_type = #tpu.core_type<tc>, window_params = [{transform_indices = @transform_0, window_bounds = array<i64: 5120, 128>}, {transform_indices = @transform_1, window_bounds = array<i64: 5120, 128>}, {transform_indices = @transform_2, window_bounds = array<i64: 5120, 4>}, {pipeline_mode = #tpu.pipeline_mode<synchronous>, transform_indices = @transform_3, window_bounds = array<i64: 128, 128>}, {pipeline_mode = #tpu.pipeline_mode<synchronous>, transform_indices = @transform_4, window_bounds = array<i64: 1, 128>}, {transform_indices = @transform_5, window_bounds = array<i64: 5120, 128>}]} {
    %get3A = arith.constant 0 : index
    %get3A_0 = arith.constant 0 : index
    %get3A_1 = vector.load %arg3[%get3A, %get3A_0] : memref<5120x4xf32, #tpu.memory_space<vmem>>, vector<5120x4xf32>
    %slice3A = vector.extract_strided_slice %get3A_1 {offsets = [0, 0], sizes = [5120, 1], strides = [1, 1]} : vector<5120x4xf32> to vector<5120x1xf32>
    %squeeze3A = vector.shape_cast %slice3A : vector<5120x1xf32> to vector<5120xf32>
    %slice3A_2 = vector.extract_strided_slice %get3A_1 {offsets = [0, 1], sizes = [5120, 1], strides = [1, 1]} : vector<5120x4xf32> to vector<5120x1xf32>
    %squeeze3A_3 = vector.shape_cast %slice3A_2 : vector<5120x1xf32> to vector<5120xf32>
    %add3A = arith.addf %squeeze3A, %squeeze3A_3 : vector<5120xf32>
    %max3A = arith.constant 1.000000e+00 : f32
    %max3A_4 = vector.broadcast %max3A : f32 to vector<5120xf32>
    %max3A_5 = arith.maximumf %add3A, %max3A_4 : vector<5120xf32>
    %rsqrt3A = math.rsqrt %max3A_5 : vector<5120xf32>
    %slice3A_6 = vector.extract_strided_slice %get3A_1 {offsets = [0, 2], sizes = [5120, 1], strides = [1, 1]} : vector<5120x4xf32> to vector<5120x1xf32>
    %squeeze3A_7 = vector.shape_cast %slice3A_6 : vector<5120x1xf32> to vector<5120xf32>
    %slice3A_8 = vector.extract_strided_slice %get3A_1 {offsets = [0, 3], sizes = [5120, 1], strides = [1, 1]} : vector<5120x4xf32> to vector<5120x1xf32>
    %squeeze3A_9 = vector.shape_cast %slice3A_8 : vector<5120x1xf32> to vector<5120xf32>
    %add3A_10 = arith.addf %squeeze3A_7, %squeeze3A_9 : vector<5120xf32>
    %max3A_11 = arith.constant 1.000000e+00 : f32
    %max3A_12 = vector.broadcast %max3A_11 : f32 to vector<5120xf32>
    %max3A_13 = arith.maximumf %add3A_10, %max3A_12 : vector<5120xf32>
    %rsqrt3A_14 = math.rsqrt %max3A_13 : vector<5120xf32>
    %get3A_15 = arith.constant 0 : index
    %get3A_16 = arith.constant 0 : index
    %get3A_17 = vector.load %arg1[%get3A_15, %get3A_16] : memref<5120x128xf32, #tpu.memory_space<vmem>>, vector<5120x128xf32>
    %get3A_18 = arith.constant 0 : index
    %get3A_19 = arith.constant 0 : index
    %get3A_20 = vector.load %arg2[%get3A_18, %get3A_19] : memref<5120x128xf32, #tpu.memory_space<vmem>>, vector<5120x128xf32>
    %add3A_21 = arith.addf %get3A_17, %get3A_20 : vector<5120x128xf32>
    %broadcast_in_dim3A = vector.shape_cast %rsqrt3A_14 : vector<5120xf32> to vector<5120x1xf32>
    %mul3A = vector.broadcast %broadcast_in_dim3A : vector<5120x1xf32> to vector<5120x128xf32>
    %mul3A_22 = arith.mulf %add3A_21, %mul3A : vector<5120x128xf32>
    %get3A_23 = arith.constant 0 : index
    %get3A_24 = arith.constant 0 : index
    %get3A_25 = vector.load %arg4[%get3A_23, %get3A_24] : memref<128x128xf32, #tpu.memory_space<vmem>>, vector<128x128xf32>
    %dot_general3A = arith.constant dense<0.000000e+00> : vector<5120x128xf32>
    %dot_general3A_26 = tpu.matmul %mul3A_22, %get3A_25, %dot_general3A {dimension_numbers = #tpu.dot_dimension_numbers<[1], [0], [0], [1], [0, 0, 1, 1], [], []>, transpose_lhs_hint = false} : vector<5120x128xf32>, vector<128x128xf32>, vector<5120x128xf32> -> vector<5120x128xf32>
    %get3A_27 = arith.constant 0 : index
    %get3A_28 = arith.constant 0 : index
    %get3A_29 = vector.load %arg5[%get3A_27, %get3A_28] : memref<1x128xf32, #tpu.memory_space<vmem>>, vector<1x128xf32>
    %add3A_30 = vector.broadcast %get3A_29 : vector<1x128xf32> to vector<5120x128xf32>
    %add3A_31 = arith.addf %dot_general3A_26, %add3A_30 : vector<5120x128xf32>
    %max3A_32 = arith.constant 0.000000e+00 : f32
    %max3A_33 = vector.broadcast %max3A_32 : f32 to vector<5120x128xf32>
    %max3A_34 = arith.maximumf %add3A_31, %max3A_33 : vector<5120x128xf32>
    %broadcast_in_dim3A_35 = vector.shape_cast %rsqrt3A : vector<5120xf32> to vector<5120x1xf32>
    %mul3A_36 = vector.broadcast %broadcast_in_dim3A_35 : vector<5120x1xf32> to vector<5120x128xf32>
    %mul3A_37 = arith.mulf %max3A_34, %mul3A_36 : vector<5120x128xf32>
    %swap3A = arith.constant 0 : index
    %swap3A_38 = arith.constant 0 : index
    %swap3A_39 = vector.load %arg6[%swap3A, %swap3A_38] : memref<5120x128xf32, #tpu.memory_space<vmem>>, vector<5120x128xf32>
    tpu.vector_store %arg6[%swap3A, %swap3A_38], %mul3A_37 {strides = array<i32>} : memref<5120x128xf32, #tpu.memory_space<vmem>>, vector<5120x128xf32>,
    return
  }
  func.func @transform_0(%arg0: i32) -> (i32, i32) {
    %c0_i32 = arith.constant 0 : i32
    %c0_i32_0 = arith.constant 0 : i32
    return %arg0, %c0_i32 : i32, i32
  }
  func.func @transform_1(%arg0: i32) -> (i32, i32) {
    %add3A = arith.constant 2 : i32
    %add3A_0 = arith.addi %arg0, %add3A : i32
    %c0_i32 = arith.constant 0 : i32
    %c0_i32_1 = arith.constant 0 : i32
    return %add3A_0, %c0_i32 : i32, i32
  }
  func.func @transform_2(%arg0: i32) -> (i32, i32) {
    %c0_i32 = arith.constant 0 : i32
    %c0_i32_0 = arith.constant 0 : i32
    return %arg0, %c0_i32 : i32, i32
  }
  func.func @transform_3(%arg0: i32) -> (i32, i32) {
    %c0_i32 = arith.constant 0 : i32
    %c0_i32_0 = arith.constant 0 : i32
    %c0_i32_1 = arith.constant 0 : i32
    return %c0_i32, %c0_i32_0 : i32, i32
  }
  func.func @transform_4(%arg0: i32) -> (i32, i32) {
    %c0_i32 = arith.constant 0 : i32
    %c0_i32_0 = arith.constant 0 : i32
    %c0_i32_1 = arith.constant 0 : i32
    return %c0_i32, %c0_i32_0 : i32, i32
  }
  func.func @transform_5(%arg0: i32) -> (i32, i32) {
    %c0_i32 = arith.constant 0 : i32
    %c0_i32_0 = arith.constant 0 : i32
    return %arg0, %c0_i32 : i32, i32
  }
}

module attributes {stable_mosaic.version = 14 : i64} {
  func.func @body(%arg0: i32, %arg1: memref<5120x128xf32, #tpu.memory_space<vmem>>, %arg2: memref<5120x128xf32, #tpu.memory_space<vmem>>, %arg3: memref<5120x4xf32, #tpu.memory_space<vmem>>, %arg4: memref<128x128xf32, #tpu.memory_space<vmem>>, %arg5: memref<1x128xf32, #tpu.memory_space<vmem>>, %arg6: memref<128x48xf32, #tpu.memory_space<vmem>>, %arg7: memref<5120x128xf32, #tpu.memory_space<vmem>>, %arg8: memref<5120x48xf32, #tpu.memory_space<vmem>>) attributes {dimension_semantics = [#tpu.dimension_semantics<arbitrary>], iteration_bounds = array<i64: 2>, scalar_prefetch = 0 : i64, scratch_operands = 0 : i64, tpu.core_type = #tpu.core_type<tc>, window_params = [{transform_indices = @transform_0, window_bounds = array<i64: 5120, 128>}, {transform_indices = @transform_1, window_bounds = array<i64: 5120, 128>}, {transform_indices = @transform_2, window_bounds = array<i64: 5120, 4>}, {pipeline_mode = #tpu.pipeline_mode<synchronous>, transform_indices = @transform_3, window_bounds = array<i64: 128, 128>}, {pipeline_mode = #tpu.pipeline_mode<synchronous>, transform_indices = @transform_4, window_bounds = array<i64: 1, 128>}, {pipeline_mode = #tpu.pipeline_mode<synchronous>, transform_indices = @transform_5, window_bounds = array<i64: 128, 48>}, {transform_indices = @transform_6, window_bounds = array<i64: 5120, 128>}, {transform_indices = @transform_7, window_bounds = array<i64: 5120, 48>}]} {
    %get3A = arith.constant 0 : index
    %get3A_0 = arith.constant 0 : index
    %get3A_1 = vector.load %arg3[%get3A, %get3A_0] : memref<5120x4xf32, #tpu.memory_space<vmem>>, vector<5120x4xf32>
    %slice3A = vector.extract_strided_slice %get3A_1 {offsets = [0, 0], sizes = [5120, 1], strides = [1, 1]} : vector<5120x4xf32> to vector<5120x1xf32>
    %squeeze3A = vector.shape_cast %slice3A : vector<5120x1xf32> to vector<5120xf32>
    %slice3A_2 = vector.extract_strided_slice %get3A_1 {offsets = [0, 1], sizes = [5120, 1], strides = [1, 1]} : vector<5120x4xf32> to vector<5120x1xf32>
    %squeeze3A_3 = vector.shape_cast %slice3A_2 : vector<5120x1xf32> to vector<5120xf32>
    %add3A = arith.addf %squeeze3A, %squeeze3A_3 : vector<5120xf32>
    %max3A = arith.constant 1.000000e+00 : f32
    %max3A_4 = vector.broadcast %max3A : f32 to vector<5120xf32>
    %max3A_5 = arith.maximumf %add3A, %max3A_4 : vector<5120xf32>
    %rsqrt3A = math.rsqrt %max3A_5 : vector<5120xf32>
    %slice3A_6 = vector.extract_strided_slice %get3A_1 {offsets = [0, 2], sizes = [5120, 1], strides = [1, 1]} : vector<5120x4xf32> to vector<5120x1xf32>
    %squeeze3A_7 = vector.shape_cast %slice3A_6 : vector<5120x1xf32> to vector<5120xf32>
    %slice3A_8 = vector.extract_strided_slice %get3A_1 {offsets = [0, 3], sizes = [5120, 1], strides = [1, 1]} : vector<5120x4xf32> to vector<5120x1xf32>
    %squeeze3A_9 = vector.shape_cast %slice3A_8 : vector<5120x1xf32> to vector<5120xf32>
    %add3A_10 = arith.addf %squeeze3A_7, %squeeze3A_9 : vector<5120xf32>
    %max3A_11 = arith.constant 1.000000e+00 : f32
    %max3A_12 = vector.broadcast %max3A_11 : f32 to vector<5120xf32>
    %max3A_13 = arith.maximumf %add3A_10, %max3A_12 : vector<5120xf32>
    %rsqrt3A_14 = math.rsqrt %max3A_13 : vector<5120xf32>
    %get3A_15 = arith.constant 0 : index
    %get3A_16 = arith.constant 0 : index
    %get3A_17 = vector.load %arg1[%get3A_15, %get3A_16] : memref<5120x128xf32, #tpu.memory_space<vmem>>, vector<5120x128xf32>
    %get3A_18 = arith.constant 0 : index
    %get3A_19 = arith.constant 0 : index
    %get3A_20 = vector.load %arg2[%get3A_18, %get3A_19] : memref<5120x128xf32, #tpu.memory_space<vmem>>, vector<5120x128xf32>
    %add3A_21 = arith.addf %get3A_17, %get3A_20 : vector<5120x128xf32>
    %broadcast_in_dim3A = vector.shape_cast %rsqrt3A_14 : vector<5120xf32> to vector<5120x1xf32>
    %mul3A = vector.broadcast %broadcast_in_dim3A : vector<5120x1xf32> to vector<5120x128xf32>
    %mul3A_22 = arith.mulf %add3A_21, %mul3A : vector<5120x128xf32>
    %get3A_23 = arith.constant 0 : index
    %get3A_24 = arith.constant 0 : index
    %get3A_25 = vector.load %arg4[%get3A_23, %get3A_24] : memref<128x128xf32, #tpu.memory_space<vmem>>, vector<128x128xf32>
    %dot_general3A = arith.constant dense<0.000000e+00> : vector<5120x128xf32>
    %dot_general3A_26 = tpu.matmul %mul3A_22, %get3A_25, %dot_general3A {dimension_numbers = #tpu.dot_dimension_numbers<[1], [0], [0], [1], [0, 0, 1, 1], [], []>, transpose_lhs_hint = false} : vector<5120x128xf32>, vector<128x128xf32>, vector<5120x128xf32> -> vector<5120x128xf32>
    %get3A_27 = arith.constant 0 : index
    %get3A_28 = arith.constant 0 : index
    %get3A_29 = vector.load %arg5[%get3A_27, %get3A_28] : memref<1x128xf32, #tpu.memory_space<vmem>>, vector<1x128xf32>
    %add3A_30 = vector.broadcast %get3A_29 : vector<1x128xf32> to vector<5120x128xf32>
    %add3A_31 = arith.addf %dot_general3A_26, %add3A_30 : vector<5120x128xf32>
    %max3A_32 = arith.constant 0.000000e+00 : f32
    %max3A_33 = vector.broadcast %max3A_32 : f32 to vector<5120x128xf32>
    %max3A_34 = arith.maximumf %add3A_31, %max3A_33 : vector<5120x128xf32>
    %swap3A = arith.constant 0 : index
    %swap3A_35 = arith.constant 0 : index
    %swap3A_36 = vector.load %arg7[%swap3A, %swap3A_35] : memref<5120x128xf32, #tpu.memory_space<vmem>>, vector<5120x128xf32>
    tpu.vector_store %arg7[%swap3A, %swap3A_35], %max3A_34 {strides = array<i32>} : memref<5120x128xf32, #tpu.memory_space<vmem>>, vector<5120x128xf32>,
    %broadcast_in_dim3A_37 = vector.shape_cast %rsqrt3A : vector<5120xf32> to vector<5120x1xf32>
    %mul3A_38 = vector.broadcast %broadcast_in_dim3A_37 : vector<5120x1xf32> to vector<5120x128xf32>
    %mul3A_39 = arith.mulf %max3A_34, %mul3A_38 : vector<5120x128xf32>
    %get3A_40 = arith.constant 0 : index
    %get3A_41 = arith.constant 0 : index
    %get3A_42 = vector.load %arg6[%get3A_40, %get3A_41] : memref<128x48xf32, #tpu.memory_space<vmem>>, vector<128x48xf32>
    %dot_general3A_43 = arith.constant dense<0.000000e+00> : vector<5120x48xf32>
    %dot_general3A_44 = tpu.matmul %mul3A_39, %get3A_42, %dot_general3A_43 {dimension_numbers = #tpu.dot_dimension_numbers<[1], [0], [0], [1], [0, 0, 1, 1], [], []>, transpose_lhs_hint = false} : vector<5120x128xf32>, vector<128x48xf32>, vector<5120x48xf32> -> vector<5120x48xf32>
    %swap3A_45 = arith.constant 0 : index
    %swap3A_46 = arith.constant 0 : index
    %swap3A_47 = vector.load %arg8[%swap3A_45, %swap3A_46] : memref<5120x48xf32, #tpu.memory_space<vmem>>, vector<5120x48xf32>
    tpu.vector_store %arg8[%swap3A_45, %swap3A_46], %dot_general3A_44 {strides = array<i32>} : memref<5120x48xf32, #tpu.memory_space<vmem>>, vector<5120x48xf32>,
    return
  }
  func.func @transform_0(%arg0: i32) -> (i32, i32) {
    %c0_i32 = arith.constant 0 : i32
    %c0_i32_0 = arith.constant 0 : i32
    return %arg0, %c0_i32 : i32, i32
  }
  func.func @transform_1(%arg0: i32) -> (i32, i32) {
    %add3A = arith.constant 2 : i32
    %add3A_0 = arith.addi %arg0, %add3A : i32
    %c0_i32 = arith.constant 0 : i32
    %c0_i32_1 = arith.constant 0 : i32
    return %add3A_0, %c0_i32 : i32, i32
  }
  func.func @transform_2(%arg0: i32) -> (i32, i32) {
    %c0_i32 = arith.constant 0 : i32
    %c0_i32_0 = arith.constant 0 : i32
    return %arg0, %c0_i32 : i32, i32
  }
  func.func @transform_3(%arg0: i32) -> (i32, i32) {
    %c0_i32 = arith.constant 0 : i32
    %c0_i32_0 = arith.constant 0 : i32
    %c0_i32_1 = arith.constant 0 : i32
    return %c0_i32, %c0_i32_0 : i32, i32
  }
  func.func @transform_4(%arg0: i32) -> (i32, i32) {
    %c0_i32 = arith.constant 0 : i32
    %c0_i32_0 = arith.constant 0 : i32
    %c0_i32_1 = arith.constant 0 : i32
    return %c0_i32, %c0_i32_0 : i32, i32
  }
  func.func @transform_5(%arg0: i32) -> (i32, i32) {
    %c0_i32 = arith.constant 0 : i32
    %c0_i32_0 = arith.constant 0 : i32
    %c0_i32_1 = arith.constant 0 : i32
    return %c0_i32, %c0_i32_0 : i32, i32
  }
  func.func @transform_6(%arg0: i32) -> (i32, i32) {
    %c0_i32 = arith.constant 0 : i32
    %c0_i32_0 = arith.constant 0 : i32
    return %arg0, %c0_i32 : i32, i32
  }
  func.func @transform_7(%arg0: i32) -> (i32, i32) {
    %c0_i32 = arith.constant 0 : i32
    %c0_i32_0 = arith.constant 0 : i32
    return %arg0, %c0_i32 : i32, i32
  }
}

module attributes {stable_mosaic.version = 14 : i64} {
  func.func @body(%arg0: i32, %arg1: memref<5120x48xf32, #tpu.memory_space<vmem>>, %arg2: memref<5120x48xf32, #tpu.memory_space<vmem>>, %arg3: memref<5120x4xf32, #tpu.memory_space<vmem>>, %arg4: memref<1x48xf32, #tpu.memory_space<vmem>>, %arg5: memref<5120x48xf32, #tpu.memory_space<vmem>>) attributes {dimension_semantics = [#tpu.dimension_semantics<arbitrary>], iteration_bounds = array<i64: 2>, scalar_prefetch = 0 : i64, scratch_operands = 0 : i64, tpu.core_type = #tpu.core_type<tc>, window_params = [{transform_indices = @transform_0, window_bounds = array<i64: 5120, 48>}, {transform_indices = @transform_1, window_bounds = array<i64: 5120, 48>}, {transform_indices = @transform_2, window_bounds = array<i64: 5120, 4>}, {pipeline_mode = #tpu.pipeline_mode<synchronous>, transform_indices = @transform_3, window_bounds = array<i64: 1, 48>}, {transform_indices = @transform_4, window_bounds = array<i64: 5120, 48>}]} {
    %get3A = arith.constant 0 : index
    %get3A_0 = arith.constant 0 : index
    %get3A_1 = vector.load %arg3[%get3A, %get3A_0] : memref<5120x4xf32, #tpu.memory_space<vmem>>, vector<5120x4xf32>
    %slice3A = vector.extract_strided_slice %get3A_1 {offsets = [0, 2], sizes = [5120, 1], strides = [1, 1]} : vector<5120x4xf32> to vector<5120x1xf32>
    %squeeze3A = vector.shape_cast %slice3A : vector<5120x1xf32> to vector<5120xf32>
    %slice3A_2 = vector.extract_strided_slice %get3A_1 {offsets = [0, 3], sizes = [5120, 1], strides = [1, 1]} : vector<5120x4xf32> to vector<5120x1xf32>
    %squeeze3A_3 = vector.shape_cast %slice3A_2 : vector<5120x1xf32> to vector<5120xf32>
    %add3A = arith.addf %squeeze3A, %squeeze3A_3 : vector<5120xf32>
    %max3A = arith.constant 1.000000e+00 : f32
    %max3A_4 = vector.broadcast %max3A : f32 to vector<5120xf32>
    %max3A_5 = arith.maximumf %add3A, %max3A_4 : vector<5120xf32>
    %rsqrt3A = math.rsqrt %max3A_5 : vector<5120xf32>
    %get3A_6 = arith.constant 0 : index
    %get3A_7 = arith.constant 0 : index
    %get3A_8 = vector.load %arg1[%get3A_6, %get3A_7] : memref<5120x48xf32, #tpu.memory_space<vmem>>, vector<5120x48xf32>
    %get3A_9 = arith.constant 0 : index
    %get3A_10 = arith.constant 0 : index
    %get3A_11 = vector.load %arg2[%get3A_9, %get3A_10] : memref<5120x48xf32, #tpu.memory_space<vmem>>, vector<5120x48xf32>
    %add3A_12 = arith.addf %get3A_8, %get3A_11 : vector<5120x48xf32>
    %broadcast_in_dim3A = vector.shape_cast %rsqrt3A : vector<5120xf32> to vector<5120x1xf32>
    %mul3A = vector.broadcast %broadcast_in_dim3A : vector<5120x1xf32> to vector<5120x48xf32>
    %mul3A_13 = arith.mulf %add3A_12, %mul3A : vector<5120x48xf32>
    %get3A_14 = arith.constant 0 : index
    %get3A_15 = arith.constant 0 : index
    %get3A_16 = vector.load %arg4[%get3A_14, %get3A_15] : memref<1x48xf32, #tpu.memory_space<vmem>>, vector<1x48xf32>
    %add3A_17 = vector.broadcast %get3A_16 : vector<1x48xf32> to vector<5120x48xf32>
    %add3A_18 = arith.addf %mul3A_13, %add3A_17 : vector<5120x48xf32>
    %swap3A = arith.constant 0 : index
    %swap3A_19 = arith.constant 0 : index
    %swap3A_20 = vector.load %arg5[%swap3A, %swap3A_19] : memref<5120x48xf32, #tpu.memory_space<vmem>>, vector<5120x48xf32>
    tpu.vector_store %arg5[%swap3A, %swap3A_19], %add3A_18 {strides = array<i32>} : memref<5120x48xf32, #tpu.memory_space<vmem>>, vector<5120x48xf32>,
    return
  }
  func.func @transform_0(%arg0: i32) -> (i32, i32) {
    %c0_i32 = arith.constant 0 : i32
    %c0_i32_0 = arith.constant 0 : i32
    return %arg0, %c0_i32 : i32, i32
  }
  func.func @transform_1(%arg0: i32) -> (i32, i32) {
    %add3A = arith.constant 2 : i32
    %add3A_0 = arith.addi %arg0, %add3A : i32
    %c0_i32 = arith.constant 0 : i32
    %c0_i32_1 = arith.constant 0 : i32
    return %add3A_0, %c0_i32 : i32, i32
  }
  func.func @transform_2(%arg0: i32) -> (i32, i32) {
    %c0_i32 = arith.constant 0 : i32
    %c0_i32_0 = arith.constant 0 : i32
    return %arg0, %c0_i32 : i32, i32
  }
  func.func @transform_3(%arg0: i32) -> (i32, i32) {
    %c0_i32 = arith.constant 0 : i32
    %c0_i32_0 = arith.constant 0 : i32
    %c0_i32_1 = arith.constant 0 : i32
    return %c0_i32, %c0_i32_0 : i32, i32
  }
  func.func @transform_4(%arg0: i32) -> (i32, i32) {
    %c0_i32 = arith.constant 0 : i32
    %c0_i32_0 = arith.constant 0 : i32
    return %arg0, %c0_i32 : i32, i32
  }
}

</mosaic_0001>

<sc_bundles>
// kernel: kernel.12.cloned.1.call-start
scs
__scs_entry_jumppad:
0x0: {  	(pc) =	sbr.rel $0x88, $3  }
0x1: {  	(tag) =	ssettag $0x0;
	lr =	simm.s32 $0x1  }
0x2: {  	[smem:$0x3F99] =	sst lr;
	_ =	strace $0xD0000000  }
0x3: {  	_ = 	snop  }
0x4: {  	_ = 	snop  }
0x5: {  	_ = 	snop  }
0x6: {  	_ = 	snop  }
0x7: {  	_ = 	snop  }
__scs_overlays_trampoline_lowered:
0x8: {  	[smem:$0x3FA8] =	sst s0  }
0x9: {  	[smem:$0x3FA9] =	sst s1  }
0xa: {  	[smem:$0x3FAA] =	sst s2  }
0xb: {  	[smem:$0x3FAB] =	sst s3  }
0xc: {  	[smem:$0x3FAC] =	sst s4  }
0xd: {  	[smem:$0x3FAD] =	sst s5  }
0xe: {  	[smem:$0x3FAE] =	sst s6  }
0xf: {  	[smem:$0x3FAF] =	sst s7  }
0x10: {  	[smem:$0x3FB0] =	sst s8  }
0x11: {  	[smem:$0x3FB1] =	sst s9;
	s0 =	simm.s32 @!p0 $0x0  }
0x12: {  	s1 =	sld [smem:$0x3F97];
	s0 =	simm.s32 @p0 $0x1  }
0x13: {  	[smem:$0x3FB2] =	sst s0;
	s0 =	simm.s32 @!p1 $0x0  }
0x14: {  	s2 =	sld [smem:$0x3F96];
	s0 =	simm.s32 @p1 $0x1  }
0x15: {  	[smem:$0x3FB3] =	sst s0;
	s0 =	simm.s32 @!p2 $0x0  }
0x16: {  	s3 =	sld [smem:$0x3FDB];
	s0 =	simm.s32 @p2 $0x1  }
0x17: {  	s4 =	simm.s32 $0x1BF5;
	[smem:$0x3FB5] =	sst s0  }
0x18: {  	s0 =	sld [smem:$0x3F98];
	_ =	swait.ge [sflag:s4], $0x0  }
0x19: {  	s7 =	sld [smem:$0x3F99]  }
0x1a: {  	s8 =	sadd.s32 $0xFFFFE003, lr  }
0x1b: {  	s9 =	sadd.s32 $0xFFFFFEF7, lr;
	s5 =	simm.s32 $0xFFFFFFFF;
	p2 =	slt.u32 s8, $0xFFFFF086  }
0x1c: {  	p1 =	slt.u32 s9, $0xF7A;
	s5 =	simm.s32 @!p2 $0x0  }
0x1d: {  	s5 =	simm.s32 @p1 $0x1;
	p0 =	seq.s32 s7, s2  }
0x1e: {  	s7 =	smul.u32 @!p0 $0xF7A, s2;
	p2 =	seq.s32 @!p0 s5, $0x0  }
0x1f: {  	s9 =	smul.u32 $0xF7A, s1;
	s8 =	simm.s32 @!p0 $0x1BF5;
	p2 =	por !p2, p0  }
0x20: {  	[sflag:s8] =	ssyncset.s32 @!p0 $0xFFFFF086;
	s6 =	sadd.s32 @!p0 s3, s7;
	s7 =	simm.s32 @!p0 $0x108  }
0x21: {  	s3 =	sadd.s32 s3, s9;
	s6 =	sadd.s32 @!p0 $0x88, s6;
	s7 =	simm.s32 @p2 $0x1082  }
0x22: {  	[simem:s7], [sflag:s8] =	dma.local @!p0 [hbm:s6], $0xF7A  }
0x23: {  	s9 =	sor.u32 $0xD0000000, s2;
	s6 =	simm.s32 $0x108;
	_ =	swait.ge @!p0 [sflag:s8], $0x0  }
0x24: {  	s3 =	sadd.s32 $0x88, s3;
	s6 =	simm.s32 @!p1 $0x1082;
	[sflag:s4] =	ssyncset.s32 $0xFFFFF086  }
0x25: {  	[simem:s6], [sflag:s4] =	dma.local [hbm:s3], $0xF7A  }
0x26: {  	[smem:$0x3F99] =	sst s1;
	(tag) =	ssettag s2;
	_ =	strace s9  }
0x27: {  	s1 =	sld [smem:$0x3FA9]  }
0x28: {  	s2 =	sld [smem:$0x3FAA]  }
0x29: {  	s4 =	sld [smem:$0x3FAC]  }
0x2a: {  	p0 =	seq.s32 s5, $0x0;
	s5 =	sld [smem:$0x3FAD]  }
0x2b: {  	s6 =	sld [smem:$0x3FAE]  }
0x2c: {  	s7 =	sld [smem:$0x3FAF]  }
0x2d: {  	s3 =	simm.s32 $0x108;
	s8 =	sld [smem:$0x3FB0]  }
0x2e: {  	s3 =	simm.s32 @!p0 $0x1082;
	s9 =	sld [smem:$0x3FB1]  }
0x2f: {  	lr =	sadd.s32 s0, s3;
	s0 =	sld [smem:$0x3FA8]  }
0x30: {  	s3 =	sld [smem:$0x3FAB]  }
0x31: {  	[smem:$0x3FB4] =	sst s10  }
0x32: {  	s10 =	sld [smem:$0x3FB2];
	_ =	sdelay $0x3  }
0x33: {  	p0 =	seq.s32 s10, $0x1;
	s10 =	sld [smem:$0x3FB4];
	_ =	sdelay $0x3  }
0x34: {  	[smem:$0x3FB4] =	sst s10  }
0x35: {  	s10 =	sld [smem:$0x3FB3];
	_ =	sdelay $0x3  }
0x36: {  	p1 =	seq.s32 s10, $0x1;
	s10 =	sld [smem:$0x3FB4];
	_ =	sdelay $0x3  }
0x37: {  	[smem:$0x3FB4] =	sst s10  }
0x38: {  	s10 =	sld [smem:$0x3FB5]  }
0x39: {  	_ = 	snop;
	(pc) =	sbr.ind lr, $3  }
0x3a: {  	_ = 	snop  }
0x3b: {  	_ = 	snop  }
0x3c: {  	p2 =	seq.s32 s10, $0x1;
	s10 =	sld [smem:$0x3FB4]  }
0x3d: {  	_ =	shalt  }
0x3e: {  	_ =	shalt  }
0x3f: {  	_ =	shalt  }
0x40: {  	_ =	shalt  }
0x41: {  	_ =	shalt  }
0x42: {  	_ =	shalt  }
0x43: {  	_ =	shalt  }
0x44: {  	_ =	shalt  }
0x45: {  	_ =	shalt  }
0x46: {  	_ =	shalt  }
0x47: {  	_ =	shalt  }
0x48: {  	_ =	shalt  }
0x49: {  	_ =	shalt  }
0x4a: {  	_ =	shalt  }
0x4b: {  	_ =	shalt  }
0x4c: {  	_ =	shalt  }
0x4d: {  	_ =	shalt  }
0x4e: {  	_ =	shalt  }
0x4f: {  	_ =	shalt  }
0x50: {  	_ =	shalt  }
0x51: {  	_ =	shalt  }
0x52: {  	_ =	shalt  }
0x53: {  	_ =	shalt  }
0x54: {  	_ =	shalt  }
0x55: {  	_ =	shalt  }
0x56: {  	_ =	shalt  }
0x57: {  	_ =	shalt  }
0x58: {  	_ =	shalt  }
0x59: {  	_ =	shalt  }
0x5a: {  	_ =	shalt  }
0x5b: {  	_ =	shalt  }
0x5c: {  	_ =	shalt  }
0x5d: {  	_ =	shalt  }
0x5e: {  	_ =	shalt  }
0x5f: {  	_ =	shalt  }
0x60: {  	_ =	shalt  }
0x61: {  	_ =	shalt  }
0x62: {  	_ =	shalt  }
0x63: {  	_ =	shalt  }
0x64: {  	_ =	shalt  }
0x65: {  	_ =	shalt  }
0x66: {  	_ =	shalt  }
0x67: {  	_ =	shalt  }
0x68: {  	_ =	shalt  }
0x69: {  	_ =	shalt  }
0x6a: {  	_ =	shalt  }
0x6b: {  	_ =	shalt  }
0x6c: {  	_ =	shalt  }
0x6d: {  	_ =	shalt  }
0x6e: {  	_ =	shalt  }
0x6f: {  	_ =	shalt  }
0x70: {  	_ =	shalt  }
0x71: {  	_ =	shalt  }
0x72: {  	_ =	shalt  }
0x73: {  	_ =	shalt  }
0x74: {  	_ =	shalt  }
0x75: {  	_ =	shalt  }
0x76: {  	_ =	shalt  }
0x77: {  	_ =	shalt  }
0x78: {  	_ =	shalt  }
0x79: {  	_ =	shalt  }
0x7a: {  	_ =	shalt  }
0x7b: {  	_ =	shalt  }
0x7c: {  	_ =	shalt  }
0x7d: {  	_ =	shalt  }
0x7e: {  	_ =	shalt  }
0x7f: {  	_ =	shalt  }
0x80: {  	_ =	shalt  }
0x81: {  	_ =	shalt  }
0x82: {  	_ =	shalt  }
0x83: {  	_ =	shalt  }
0x84: {  	_ =	shalt  }
0x85: {  	_ =	shalt  }
0x86: {  	_ =	shalt  }
0x87: {  	_ =	shalt  }
.Lfunc_end0:
.L_simem_size_0:
called_computation_lowered:
.L_overlay_start_0:
0x88: {  	s2 =	sld [smem:$0x3FD9]  }
0x89: {  	s3 =	sld [smem:$0x3FFE];
	_ =	sdelay $0x1  }
0x8a: {  	s1 =	srdreg.scid  }
0x8b: {  	s0 =	sand.u32 $0x1, s1  }
0x8c: {  	s14 =	sshll.u32 s0, $0xA;
	s2 =	sadd.s32 s3, s2  }
0x8d: {  	s2 =	sadd.s32 s2, s14  }
0x8e: {  	[smem:$0x3FC0] =	sst s2  }
0x8f: {  	_ = 	snop  }
0x90: {  	s2 =	sld [smem:$0x3FD0];
	_ =	sdelay $0x2  }
0x91: {  	s15 =	simm.s32 $0xA;
	s4 =	simm.s32 $0x10  }
0x92: {  	[smem:s4], [sflag:s15] =	dma.local [hbm:s2], $0x1  }
0x93: {  	_ =	swait.eq [sflag:s15], $0x1  }
0x94: {  	[sflag:s15] =	ssyncset.done $0x0  }
0x95: {  	s16 =	sld [smem:$0x10];
	[sflag:s15] =	ssyncadd.s32 $0xFFFFFFFF  }
0x96: {  	s17 =	sld [smem:$0x11];
	(tm) =	ssettm $0x1  }
0x97: {  	s18 =	sld [smem:$0x3FFB];
	_ =	sdelay $0x3  }
0x98: {  	_ =	strace s18  }
0x99: {  	s4 =	sld [smem:$0x3FFC];
	_ =	sdelay $0x3  }
0x9a: {  	_ =	strace s4  }
0x9b: {  	s4 =	sld [smem:$0x3FFD];
	_ =	sdelay $0x3  }
0x9c: {  	_ =	strace s4  }
0x9d: {  	_ =	strace $0x8FFFFFFF  }
0x9e: {  	s19 =	sld [smem:$0x3FDB];
	_ =	sdelay $0x1  }
0x9f: {  	s5 =	simm.s32 $_scs_section_size  }
0xa0: {  	s6 =	simm.s32 $_size__tile_overlayer_lowered;
	s7 =	simm.s32 $_tile_overlayer_lowered  }
0xa1: {  	s22 =	simm.s32 $0x1BFF;
	s21 =	sshll.u32 s7, $0x1;
	s4 =	sadd.s32 s5, s19  }
0xa2: {  	s8 =	simm.s32 $0x0;
	s20 =	sshll.u32 s6, $0x1;
	s6 =	sadd.s32 s21, s4  }
0xa3: {  	[timem:s8], [sflag:s22] =	dma.local [hbm:s6], s20  }
0xa4: {  	_ =	swait.ge [sflag:s22], s20  }
0xa5: {  	s5 =	ssub.s32 $0x0, s20;
	[sflag:s22] =	ssyncset.done $0x0  }
0xa6: {  	[sflag:s22] =	ssyncadd.s32 s5;
	_ =	sdelay $0x1  }
0xa7: {  	s23 =	simm.s32 $0x1B8B  }
0xa8: {  	_ =	swait.ge [sflag:s23], $0x1  }
0xa9: {  	[sflag:s23] =	ssyncset.done $0x0  }
0xaa: {  	s25 =	simm.s32 $0x1B8E;
	s24 =	sld [smem:$0x3FFE];
	[sflag:s23] =	ssyncadd.s32 $0xFFFFFFFF  }
0xab: {  	s26 =	simm.s32 $execute0_lowered;
	[smem:$0x3FD2] =	sst s25  }
0xac: {  	s6 =	sshll.u32 s26, $0x1;
	_ =	strace $0x80000046;
	[dreg:$0x1] =	wrdreg $0xFFFFFFFF  }
0xad: {  	s28 =	simm.s32 $_size_execute0_lowered;
	s4 =	sadd.s32 s4, s6;
	[dreg:$0x0] =	wrdreg $0x0  }
0xae: {  	s6 =	sshll.u32 s28, $0x1;
	[dreg:$0x2] =	wrdreg s4  }
0xaf: {  	[dreg:$0x3] =	wrdreg s6  }
0xb0: {  	[dreg:$0x4] =	wrdreg $0xC0  }
0xb1: {  	_ =	task [dreg:s8], $0x5FFFF  }
0xb2: {  	[dreg:$0x1] =	wrdreg $0xFFFFFFFF  }
0xb3: {  	[dreg:$0x0] =	wrdreg $0x60  }
0xb4: {  	[dreg:$0x2] =	wrdreg s24  }
0xb5: {  	[dreg:$0x3] =	wrdreg s16  }
0xb6: {  	[dreg:$0x4] =	wrdreg s17  }
0xb7: {  	[dreg:$0x5] =	wrdreg $0x50800  }
0xb8: {  	[dreg:$0x6] =	wrdreg $0x53000  }
0xb9: {  	[dreg:$0x7] =	wrdreg $0x9  }
0xba: {  	_ =	task.clear_ibuf [dreg:s8], $0x8FFFF;
	_ =	strace $0x90000046  }
0xbb: {  	s29 =	simm.s32 $0x9;
	_ =	strace $0x80000048  }
0xbc: {  	_ =	swait.ge [sflag:s29], $0x1  }
0xbd: {  	[sflag:s29] =	ssyncadd.s32 $0xFFFFFFFF  }
0xbe: {  	_ =	strace $0x90000048  }
0xbf: {  	_ =	sfence  }
0xc0: {  	s30 =	sld [smem:$0x0];
	_ =	sdelay $0x2  }
0xc1: {  	s31 =	sshll.u32 s1, $0xD;
	s1 =	sshrl.u32 s1, $0x2  }
0xc2: {  	s3 =	sand.u32 $0x4000, s31;
	s1 =	sadd.s32 s1, s30  }
0xc3: {  	s0 =	sor.u32 s3, s0;
	s1 =	sshll.u32 s1, $0x11  }
0xc4: {  	s0 =	sor.u32 s1, s0  }
0xc5: {  	s0 =	sadd.s32 $0x8F2B, s0  }
0xc6: {  	[sflag:s0] =	ssyncadd.remote.s32 $0x1  }
0xc7: {  	_ =	sfence.sel $0xFFFF  }
0xc8: {  	[dreg:$0x0] =	wrdreg $0xFFFFFFFF;
	(pc) =	sbr.abs _section_cstart, $3  }
0xc9: {  	[dreg:$0x1] =	wrdreg $0xFFFFFFFF  }
0xca: {  	_ =	task.clear_ibuf [dreg:s8], $0x2FFFF;
	_ =	strace $0x9FFFFFFF  }
0xcb: {  	(tm) =	ssettm $0x7FFFFFFF  }
tec
execute0_lowered:
.L_overlay_start_1:
0x0: {  	(tag) =	ssettag $0x1  }
0x1: {  	s5 =	rddreg [dreg:$0x0]  }
0x2: {  	s7 =	rddreg [dreg:$0x1]  }
0x3: {  	s8 =	rddreg [dreg:$0x2]  }
0x4: {  	s2 =	rddreg [dreg:$0x3]  }
0x5: {  	s0 =	srdreg.scid;
	s3 =	rddreg [dreg:$0x4];
	s4 =	simm.s32 $0x0  }
0x6: {  	s16 =	simm.s32 $0x80;
	s17 =	simm.s32 $0x5000;
	s18 =	simm.s32 $0x2880  }
0x7: {  	s19 =	simm.s32 $0x100;
	s6 =	sand.u32 $0x1, s0;
	s0 =	stileid.u32  }
0x8: {  	s20 =	simm.s32 $0x2900;
	s21 =	simm.s32 $0x0;
	s10 =	smul.u32 $0x280, s0  }
0x9: {  	[smem:$0x7FF] =	sst s4;
	s1 =	sshll.u32 s6, $0x4;
	s11 =	smul.u32 $0x2800, s6  }
0xa: {  	s6 =	ssub.s32 $0x2, s6;
	s31 =	sshll.u32 s0, $0x6;
	s1 =	sor.u32 s0, s1  }
0xb: {  	s13 =	sshrl.u32 s6, $0x1;
	s9 =	smul.u32 $0x500, s1;
	s1 =	rddreg [dreg:$0x5]  }
0xc: {  	_ =	strace $0x80000047;
	s11 =	sadd.s32 s10, s11;
	s13 =	ssub.s32 s6, s13  }
0xd: {  	s14 =	sadd.s32 s10, s2;
	s15 =	sadd.s32 s10, s3;
	s11 =	sshrl.u32 s11, $0x3  }
0xe: {  	s10 =	smax.u32 s13, $0x1;
	s13 =	sor.u32 $0x1C05, s31;
	s14 =	sshrl.u32 s14, $0x3  }
0xf: {  	s15 =	sshrl.u32 s15, $0x3;
	s12 =	sadd.s32 s9, s5;
	s5 =	sadd.s32 $0xC800, s5  }
0x10: {  	s7 =	sadd.s32 s7, s9;
	s8 =	sadd.s32 s8, s11;
	s11 =	simm.s32 $0x5  }
0x11: {  	v0 =	vimm.f32 $1.000000000e+00;
	s6 =	sadd.s32 $0x2800, s12;
	s9 =	sadd.s32 $0xA00, s8;
	s12 =	simm.s32 $0x2800  }
.LBB2_1:
0x12: {  	[tilespmem:s4], [sflag:$0x5] =	stream.linear.gather [hbm4b:s6+s4], $0x2800, $0x38;
	[tilespmem:$0x5580] =	vst v63  }
0x13: {  	_ =	swait.ge [sflag:s11], $0x2800  }
0x14: {  	[sflag:s11] =	ssyncset.done $0x0  }
0x15: {  	[sflag:s11] =	ssyncadd.s32 $0xFFFFD800  }
0x16: {  	[tilespmem:s12], [sflag:$0x5] =	stream.linear.gather [hbm4b:s7+s4], $0x2800, $0x38;
	[tilespmem:$0x5580] =	vst v63  }
0x17: {  	_ =	swait.ge [sflag:s11], $0x2800  }
0x18: {  	[sflag:s11] =	ssyncset.done $0x0  }
0x19: {  	[sflag:s11] =	ssyncadd.s32 $0xFFFFD800  }
0x1a: {  	[tilespmem:$0x5000] =	vst v0  }
0x1b: {  	[tilespmem:$0x5010] =	vst v0  }
0x1c: {  	[tilespmem:$0x5020] =	vst v0  }
0x1d: {  	[tilespmem:$0x5030] =	vst v0  }
0x1e: {  	[tilespmem:$0x5040] =	vst v0  }
0x1f: {  	[tilespmem:$0x5050] =	vst v0  }
0x20: {  	[tilespmem:$0x5060] =	vst v0  }
0x21: {  	[tilespmem:$0x5070] =	vst v0  }
0x22: {  	[spmem:s14], [sflag:s13] =	dma.local [hbm:s5], $0x50  }
0x23: {  	_ =	swait.ge [sflag:s11], $0x50  }
0x24: {  	[sflag:s11] =	ssyncset.done $0x0  }
0x25: {  	[sflag:s11] =	ssyncadd.s32 $0xFFFFFFB0  }
0x26: {  	[spmem:s15], [sflag:s13] =	dma.local [hbm:s5], $0x50  }
0x27: {  	_ =	swait.ge [sflag:s11], $0x50  }
0x28: {  	[sflag:s11] =	ssyncset.done $0x0  }
0x29: {  	[sflag:s11] =	ssyncadd.s32 $0xFFFFFFB0  }
0x2a: {  	[bflag:$0x0] =	sbarrier.arrive $0xFFFF  }
0x2b: {  	[spmem:s2] =	stream.indirect.scatter.add.f32 [tilespmem:s17], [sflag:$0x1], $0x1, s4, s16, $0xb8;
	[tilespmem:$0x5580] =	vst v63  }
0x2c: {  	_ = 	snop  }
0x2d: {  	[spmem:s3] =	stream.indirect.scatter.add.f32 [tilespmem:s17], [sflag:$0x1], $0x1, s12, s16, $0xb8;
	[tilespmem:$0x5580] =	vst v63  }
0x2e: {  	_ = 	snop  }
0x2f: {  	[spmem:s2] =	stream.indirect.scatter.add.f32 [tilespmem:s17], [sflag:$0x2], $0x1, s16, s16, $0xb8;
	[tilespmem:$0x5580] =	vst v63  }
0x30: {  	_ = 	snop  }
0x31: {  	[spmem:s3] =	stream.indirect.scatter.add.f32 [tilespmem:s17], [sflag:$0x2], $0x1, s18, s16, $0xb8;
	[tilespmem:$0x5580] =	vst v63  }
0x32: {  	s22 =	simm.s32 $0x3;
	s23 =	simm.s32 $0x0;
	p0 =	por $0x0, $0x0  }
0x33: {  	[spmem:s2] =	stream.indirect.scatter.add.f32 [tilespmem:s17], [sflag:$0x3], $0x1, s19, s16, $0xb8;
	[tilespmem:$0x5580] =	vst v63  }
0x34: {  	s24 =	simm.s32 $0x180;
	s23 =	sand.u32 $0x3, s23;
	s22 =	sand.u32 @!p0 $0x3, s22  }
0x35: {  	[spmem:s3] =	stream.indirect.scatter.add.f32 [tilespmem:s17], [sflag:$0x3], $0x1, s20, s16, $0xb8;
	[tilespmem:$0x5580] =	vst v63  }
0x36: {  	s25 =	simm.s32 @!p0 $0x80;
	s26 =	simm.s32 @!p0 $0x5000;
	s22 =	sadd.s32 @!p0 $0x1, s22  }
0x37: {  	[spmem:s2] =	stream.indirect.scatter.add.f32 @!p0 [tilespmem:s26], [sflag:s22], $0x1, s24, s25, $0xb8;
	[tilespmem:$0x5580] =	vst v63  }
0x38: {  	s23 =	sadd.s32 $0x1, s23;
	s24 =	simm.s32 $0x2980  }
0x39: {  	[spmem:s3] =	stream.indirect.scatter.add.f32 @!p0 [tilespmem:s26], [sflag:s22], $0x1, s24, s25, $0xb8;
	[tilespmem:$0x5580] =	vst v63  }
0x3a: {  	s28 =	simm.s32 $0x4;
	_ =	swait.ge [sflag:s23], $0x80  }
0x3b: {  	s31 =	simm.s32 $0x1;
	s24 =	simm.s32 $0x5;
	[sflag:s23] =	ssyncset.done $0x0  }
0x3c: {  	s22 =	simm.s32 $0x2A00;
	s25 =	simm.s32 $0x200;
	[sflag:s23] =	ssyncadd.s32 $0xFFFFFF80  }
0x3d: {  	p0 =	por $0x0, $0x0;
	s26 =	sand.u32 $0x3, s31;
	_ =	swait.ge [sflag:s23], $0x80  }
0x3e: {  	s29 =	sand.u32 @!p0 $0x3, s28;
	s28 =	simm.s32 @!p0 $0x80;
	[sflag:s23] =	ssyncset.done $0x0  }
.LBB2_2:
0x3f: {  	s29 =	sadd.s32 @!p0 $0x1, s29;
	s30 =	simm.s32 @!p0 $0x5000  }
0x40: {  	[sflag:s23] =	ssyncadd.s32 $0xFFFFFF80;
	s31 =	smov.u32 s24;
	s24 =	sadd.s32 $0x1, s24  }
0x41: {  	[spmem:s2] =	stream.indirect.scatter.add.f32 @!p0 [tilespmem:s30], [sflag:s29], $0x1, s25, s28, $0xb8;
	[tilespmem:$0x5580] =	vst v63  }
0x42: {  	s23 =	sadd.s32 $0x1, s26;
	p1 =	sne.s32 s24, $0x53  }
0x43: {  	[spmem:s3] =	stream.indirect.scatter.add.f32 @!p0 [tilespmem:s30], [sflag:s29], $0x1, s22, s28, $0xb8;
	[tilespmem:$0x5580] =	vst v63  }
.Ltmp0:
0x44: {  	_ =	swait.ge [sflag:s23], $0x80;
	(pc) =	sbr.rel @p1 .LBB2_2-.Ltmp0, $4  }
0x45: {  	s22 =	sadd.s32 $0x80, s22;
	[sflag:s23] =	ssyncset.done $0x0  }
0x46: {  	s26 =	sadd.s32 $0xFFFFFFFD, s31;
	s25 =	sadd.s32 $0x80, s25;
	[sflag:s23] =	ssyncadd.s32 $0xFFFFFF80  }
0x47: {  	p0 =	sgt.u32 s26, $0x4C;
	s26 =	sand.u32 $0x3, s26;
	_ =	swait.ge [sflag:s23], $0x80  }
0x48: {  	s29 =	sand.u32 @!p0 $0x3, s31;
	s28 =	simm.s32 @!p0 $0x80;
	[sflag:s23] =	ssyncset.done $0x0  }
0x49: {  	s24 =	sadd.s32 @!p0 $0x1, s29;
	s29 =	simm.s32 @!p0 $0x5000;
	[sflag:s23] =	ssyncadd.s32 $0xFFFFFF80  }
0x4a: {  	[spmem:s2] =	stream.indirect.scatter.add.f32 @!p0 [tilespmem:s29], [sflag:s24], $0x1, s25, s28, $0xb8;
	[tilespmem:$0x5580] =	vst v63  }
0x4b: {  	s31 =	sadd.s32 $0x1, s26  }
0x4c: {  	[spmem:s3] =	stream.indirect.scatter.add.f32 @!p0 [tilespmem:s29], [sflag:s24], $0x1, s22, s28, $0xb8;
	[tilespmem:$0x5580] =	vst v63  }
0x4d: {  	_ =	swait.ge [sflag:s31], $0x80  }
0x4e: {  	[sflag:s31] =	ssyncset.done $0x0  }
0x4f: {  	[sflag:s31] =	ssyncadd.s32 $0xFFFFFF80  }
0x50: {  	_ =	swait.ge [sflag:s31], $0x80  }
0x51: {  	[sflag:s31] =	ssyncset.done $0x0  }
0x52: {  	[sflag:s31] =	ssyncadd.s32 $0xFFFFFF80  }
0x53: {  	[bflag:$0x0] =	sbarrier.arrive $0xFFFF  }
0x54: {  	[hbm:s8], [sflag:s13] =	dma.local [spmem:s14], $0x50  }
0x55: {  	s21 =	sadd.s32 $0x1, s21;
	_ =	swait.ge [sflag:s11], $0x50  }
0x56: {  	p0 =	sne.s32 s21, s10;
	[sflag:s11] =	ssyncset.done $0x0  }
.Ltmp1:
0x57: {  	[sflag:s11] =	ssyncadd.s32 $0xFFFFFFB0;
	(pc) =	sbr.rel @p0 .LBB2_1-.Ltmp1, $4  }
0x58: {  	[hbm:s9], [sflag:s13] =	dma.local [spmem:s15], $0x50  }
0x59: {  	_ =	swait.ge [sflag:s11], $0x50  }
0x5a: {  	[sflag:s11] =	ssyncset.done $0x0  }
0x5b: {  	[sflag:s11] =	ssyncadd.s32 $0xFFFFFFB0  }
0x5c: {  	_ =	sfence.sel $0x180000  }
0x5d: {  	[bflag:$0x0] =	sbarrier.arrive $0xFFFF  }
0x5e: {  	p0 =	sne.s32 s0, $0x0;
	_ =	strace $0x90000047  }
0x5f: {  	s0 =	sadd.s32 @!p0 $0x100000, s1;
	[bflag:$0x2] =	sbarrier.arrive $0xFFFF  }
0x60: {  	[sflag:s0] =	ssyncadd.tile.s32 @!p0 $0x1;
	_ =	shalt  }
.Lfunc_end2:
_tile_overlayer_lowered:
.L_overlay_start_2:
0x61: {  	(tag) =	ssettag $0x2  }
0x62: {  	s0 =	rddreg [dreg:$0x0];
	s2 =	stileid.u32  }
0x63: {  	s1 =	rddreg [dreg:$0x1];
	p0 =	sne.s32 s2, $0x0  }
0x64: {  	s3 =	rddreg [dreg:$0x2];
	[bflag:$0x3] =	sbarrier.arrive $0xFFFF;
	s2 =	simm.s32 @!p0 $0x1C05  }
0x65: {  	[timem:s3], [sflag:s2] =	dma.local @!p0 [hbm:s0], s1  }
0x66: {  	s0 =	simm.s32 @!p0 $0x5  }
0x67: {  	_ =	swait.ge @!p0 [sflag:s0], s1  }
0x68: {  	s1 =	ssub.s32 @!p0 $0x0, s1;
	[sflag:s0] =	ssyncset.done @!p0 $0x0  }
0x69: {  	[sflag:s0] =	ssyncadd.s32 @!p0 s1  }
0x6a: {  	[bflag:$0x3] =	sbarrier.arrive $0xFFFF  }
0x6b: {  	_ =	shalt  }

// kernel: kernel.15.cloned.1.call-start
scs
__scs_entry_jumppad:
0x0: {  	(pc) =	sbr.rel $0x88, $3  }
0x1: {  	(tag) =	ssettag $0x0;
	lr =	simm.s32 $0x1  }
0x2: {  	[smem:$0x3F99] =	sst lr;
	_ =	strace $0xD0000000  }
0x3: {  	_ = 	snop  }
0x4: {  	_ = 	snop  }
0x5: {  	_ = 	snop  }
0x6: {  	_ = 	snop  }
0x7: {  	_ = 	snop  }
__scs_overlays_trampoline_lowered:
0x8: {  	[smem:$0x3FA8] =	sst s0  }
0x9: {  	[smem:$0x3FA9] =	sst s1  }
0xa: {  	[smem:$0x3FAA] =	sst s2  }
0xb: {  	[smem:$0x3FAB] =	sst s3  }
0xc: {  	[smem:$0x3FAC] =	sst s4  }
0xd: {  	[smem:$0x3FAD] =	sst s5  }
0xe: {  	[smem:$0x3FAE] =	sst s6  }
0xf: {  	[smem:$0x3FAF] =	sst s7  }
0x10: {  	[smem:$0x3FB0] =	sst s8  }
0x11: {  	[smem:$0x3FB1] =	sst s9;
	s0 =	simm.s32 @!p0 $0x0  }
0x12: {  	s1 =	sld [smem:$0x3F97];
	s0 =	simm.s32 @p0 $0x1  }
0x13: {  	[smem:$0x3FB2] =	sst s0;
	s0 =	simm.s32 @!p1 $0x0  }
0x14: {  	s2 =	sld [smem:$0x3F96];
	s0 =	simm.s32 @p1 $0x1  }
0x15: {  	[smem:$0x3FB3] =	sst s0;
	s0 =	simm.s32 @!p2 $0x0  }
0x16: {  	s3 =	sld [smem:$0x3FDB];
	s0 =	simm.s32 @p2 $0x1  }
0x17: {  	s4 =	simm.s32 $0x1BF5;
	[smem:$0x3FB5] =	sst s0  }
0x18: {  	s0 =	sld [smem:$0x3F98];
	_ =	swait.ge [sflag:s4], $0x0  }
0x19: {  	s7 =	sld [smem:$0x3F99]  }
0x1a: {  	s8 =	sadd.s32 $0xFFFFE003, lr  }
0x1b: {  	s9 =	sadd.s32 $0xFFFFFEF7, lr;
	s5 =	simm.s32 $0xFFFFFFFF;
	p2 =	slt.u32 s8, $0xFFFFF086  }
0x1c: {  	p1 =	slt.u32 s9, $0xF7A;
	s5 =	simm.s32 @!p2 $0x0  }
0x1d: {  	s5 =	simm.s32 @p1 $0x1;
	p0 =	seq.s32 s7, s2  }
0x1e: {  	s7 =	smul.u32 @!p0 $0xF7A, s2;
	p2 =	seq.s32 @!p0 s5, $0x0  }
0x1f: {  	s9 =	smul.u32 $0xF7A, s1;
	s8 =	simm.s32 @!p0 $0x1BF5;
	p2 =	por !p2, p0  }
0x20: {  	[sflag:s8] =	ssyncset.s32 @!p0 $0xFFFFF086;
	s6 =	sadd.s32 @!p0 s3, s7;
	s7 =	simm.s32 @!p0 $0x108  }
0x21: {  	s3 =	sadd.s32 s3, s9;
	s6 =	sadd.s32 @!p0 $0x88, s6;
	s7 =	simm.s32 @p2 $0x1082  }
0x22: {  	[simem:s7], [sflag:s8] =	dma.local @!p0 [hbm:s6], $0xF7A  }
0x23: {  	s9 =	sor.u32 $0xD0000000, s2;
	s6 =	simm.s32 $0x108;
	_ =	swait.ge @!p0 [sflag:s8], $0x0  }
0x24: {  	s3 =	sadd.s32 $0x88, s3;
	s6 =	simm.s32 @!p1 $0x1082;
	[sflag:s4] =	ssyncset.s32 $0xFFFFF086  }
0x25: {  	[simem:s6], [sflag:s4] =	dma.local [hbm:s3], $0xF7A  }
0x26: {  	[smem:$0x3F99] =	sst s1;
	(tag) =	ssettag s2;
	_ =	strace s9  }
0x27: {  	s1 =	sld [smem:$0x3FA9]  }
0x28: {  	s2 =	sld [smem:$0x3FAA]  }
0x29: {  	s4 =	sld [smem:$0x3FAC]  }
0x2a: {  	p0 =	seq.s32 s5, $0x0;
	s5 =	sld [smem:$0x3FAD]  }
0x2b: {  	s6 =	sld [smem:$0x3FAE]  }
0x2c: {  	s7 =	sld [smem:$0x3FAF]  }
0x2d: {  	s3 =	simm.s32 $0x108;
	s8 =	sld [smem:$0x3FB0]  }
0x2e: {  	s3 =	simm.s32 @!p0 $0x1082;
	s9 =	sld [smem:$0x3FB1]  }
0x2f: {  	lr =	sadd.s32 s0, s3;
	s0 =	sld [smem:$0x3FA8]  }
0x30: {  	s3 =	sld [smem:$0x3FAB]  }
0x31: {  	[smem:$0x3FB4] =	sst s10  }
0x32: {  	s10 =	sld [smem:$0x3FB2];
	_ =	sdelay $0x3  }
0x33: {  	p0 =	seq.s32 s10, $0x1;
	s10 =	sld [smem:$0x3FB4];
	_ =	sdelay $0x3  }
0x34: {  	[smem:$0x3FB4] =	sst s10  }
0x35: {  	s10 =	sld [smem:$0x3FB3];
	_ =	sdelay $0x3  }
0x36: {  	p1 =	seq.s32 s10, $0x1;
	s10 =	sld [smem:$0x3FB4];
	_ =	sdelay $0x3  }
0x37: {  	[smem:$0x3FB4] =	sst s10  }
0x38: {  	s10 =	sld [smem:$0x3FB5]  }
0x39: {  	_ = 	snop;
	(pc) =	sbr.ind lr, $3  }
0x3a: {  	_ = 	snop  }
0x3b: {  	_ = 	snop  }
0x3c: {  	p2 =	seq.s32 s10, $0x1;
	s10 =	sld [smem:$0x3FB4]  }
0x3d: {  	_ =	shalt  }
0x3e: {  	_ =	shalt  }
0x3f: {  	_ =	shalt  }
0x40: {  	_ =	shalt  }
0x41: {  	_ =	shalt  }
0x42: {  	_ =	shalt  }
0x43: {  	_ =	shalt  }
0x44: {  	_ =	shalt  }
0x45: {  	_ =	shalt  }
0x46: {  	_ =	shalt  }
0x47: {  	_ =	shalt  }
0x48: {  	_ =	shalt  }
0x49: {  	_ =	shalt  }
0x4a: {  	_ =	shalt  }
0x4b: {  	_ =	shalt  }
0x4c: {  	_ =	shalt  }
0x4d: {  	_ =	shalt  }
0x4e: {  	_ =	shalt  }
0x4f: {  	_ =	shalt  }
0x50: {  	_ =	shalt  }
0x51: {  	_ =	shalt  }
0x52: {  	_ =	shalt  }
0x53: {  	_ =	shalt  }
0x54: {  	_ =	shalt  }
0x55: {  	_ =	shalt  }
0x56: {  	_ =	shalt  }
0x57: {  	_ =	shalt  }
0x58: {  	_ =	shalt  }
0x59: {  	_ =	shalt  }
0x5a: {  	_ =	shalt  }
0x5b: {  	_ =	shalt  }
0x5c: {  	_ =	shalt  }
0x5d: {  	_ =	shalt  }
0x5e: {  	_ =	shalt  }
0x5f: {  	_ =	shalt  }
0x60: {  	_ =	shalt  }
0x61: {  	_ =	shalt  }
0x62: {  	_ =	shalt  }
0x63: {  	_ =	shalt  }
0x64: {  	_ =	shalt  }
0x65: {  	_ =	shalt  }
0x66: {  	_ =	shalt  }
0x67: {  	_ =	shalt  }
0x68: {  	_ =	shalt  }
0x69: {  	_ =	shalt  }
0x6a: {  	_ =	shalt  }
0x6b: {  	_ =	shalt  }
0x6c: {  	_ =	shalt  }
0x6d: {  	_ =	shalt  }
0x6e: {  	_ =	shalt  }
0x6f: {  	_ =	shalt  }
0x70: {  	_ =	shalt  }
0x71: {  	_ =	shalt  }
0x72: {  	_ =	shalt  }
0x73: {  	_ =	shalt  }
0x74: {  	_ =	shalt  }
0x75: {  	_ =	shalt  }
0x76: {  	_ =	shalt  }
0x77: {  	_ =	shalt  }
0x78: {  	_ =	shalt  }
0x79: {  	_ =	shalt  }
0x7a: {  	_ =	shalt  }
0x7b: {  	_ =	shalt  }
0x7c: {  	_ =	shalt  }
0x7d: {  	_ =	shalt  }
0x7e: {  	_ =	shalt  }
0x7f: {  	_ =	shalt  }
0x80: {  	_ =	shalt  }
0x81: {  	_ =	shalt  }
0x82: {  	_ =	shalt  }
0x83: {  	_ =	shalt  }
0x84: {  	_ =	shalt  }
0x85: {  	_ =	shalt  }
0x86: {  	_ =	shalt  }
0x87: {  	_ =	shalt  }
.Lfunc_end0:
.L_simem_size_0:
called_computation.1_lowered:
.L_overlay_start_0:
0x88: {  	s2 =	sld [smem:$0x3FD9]  }
0x89: {  	s3 =	sld [smem:$0x3FFE];
	_ =	sdelay $0x1  }
0x8a: {  	s1 =	srdreg.scid  }
0x8b: {  	s0 =	sand.u32 $0x1, s1  }
0x8c: {  	s14 =	sshll.u32 s0, $0xA;
	s2 =	sadd.s32 s3, s2  }
0x8d: {  	s2 =	sadd.s32 s2, s14  }
0x8e: {  	[smem:$0x3FC0] =	sst s2  }
0x8f: {  	_ = 	snop  }
0x90: {  	s2 =	sld [smem:$0x3FD0];
	_ =	sdelay $0x2  }
0x91: {  	s15 =	simm.s32 $0xA;
	s4 =	simm.s32 $0x10  }
0x92: {  	[smem:s4], [sflag:s15] =	dma.local [hbm:s2], $0x1  }
0x93: {  	_ =	swait.eq [sflag:s15], $0x1  }
0x94: {  	[sflag:s15] =	ssyncset.done $0x0  }
0x95: {  	s16 =	sld [smem:$0x10];
	[sflag:s15] =	ssyncadd.s32 $0xFFFFFFFF  }
0x96: {  	s17 =	sld [smem:$0x11];
	(tm) =	ssettm $0x1  }
0x97: {  	s18 =	sld [smem:$0x3FFB];
	_ =	sdelay $0x3  }
0x98: {  	_ =	strace s18  }
0x99: {  	s4 =	sld [smem:$0x3FFC];
	_ =	sdelay $0x3  }
0x9a: {  	_ =	strace s4  }
0x9b: {  	s4 =	sld [smem:$0x3FFD];
	_ =	sdelay $0x3  }
0x9c: {  	_ =	strace s4  }
0x9d: {  	_ =	strace $0x8FFFFFFF  }
0x9e: {  	s19 =	sld [smem:$0x3FDB];
	_ =	sdelay $0x1  }
0x9f: {  	s5 =	simm.s32 $_scs_section_size  }
0xa0: {  	s6 =	simm.s32 $_size__tile_overlayer_lowered;
	s7 =	simm.s32 $_tile_overlayer_lowered  }
0xa1: {  	s22 =	simm.s32 $0x1BFF;
	s21 =	sshll.u32 s7, $0x1;
	s4 =	sadd.s32 s5, s19  }
0xa2: {  	s8 =	simm.s32 $0x0;
	s20 =	sshll.u32 s6, $0x1;
	s6 =	sadd.s32 s21, s4  }
0xa3: {  	[timem:s8], [sflag:s22] =	dma.local [hbm:s6], s20  }
0xa4: {  	_ =	swait.ge [sflag:s22], s20  }
0xa5: {  	s5 =	ssub.s32 $0x0, s20;
	[sflag:s22] =	ssyncset.done $0x0  }
0xa6: {  	[sflag:s22] =	ssyncadd.s32 s5;
	_ =	sdelay $0x1  }
0xa7: {  	s23 =	simm.s32 $0x1B8B  }
0xa8: {  	_ =	swait.ge [sflag:s23], $0x1  }
0xa9: {  	[sflag:s23] =	ssyncset.done $0x0  }
0xaa: {  	s25 =	simm.s32 $0x1B8E;
	s24 =	sld [smem:$0x3FFE];
	[sflag:s23] =	ssyncadd.s32 $0xFFFFFFFF  }
0xab: {  	s26 =	simm.s32 $execute0_lowered;
	[smem:$0x3FD2] =	sst s25  }
0xac: {  	s6 =	sshll.u32 s26, $0x1;
	_ =	strace $0x80000049;
	[dreg:$0x1] =	wrdreg $0xFFFFFFFF  }
0xad: {  	s28 =	simm.s32 $_size_execute0_lowered;
	s4 =	sadd.s32 s4, s6;
	[dreg:$0x0] =	wrdreg $0x0  }
0xae: {  	s6 =	sshll.u32 s28, $0x1;
	[dreg:$0x2] =	wrdreg s4  }
0xaf: {  	[dreg:$0x3] =	wrdreg s6  }
0xb0: {  	[dreg:$0x4] =	wrdreg $0xC0  }
0xb1: {  	_ =	task [dreg:s8], $0x5FFFF  }
0xb2: {  	[dreg:$0x1] =	wrdreg $0xFFFFFFFF  }
0xb3: {  	[dreg:$0x0] =	wrdreg $0x60  }
0xb4: {  	[dreg:$0x2] =	wrdreg s24  }
0xb5: {  	[dreg:$0x3] =	wrdreg s16  }
0xb6: {  	[dreg:$0x4] =	wrdreg s17  }
0xb7: {  	[dreg:$0x5] =	wrdreg $0xA0000  }
0xb8: {  	[dreg:$0x6] =	wrdreg $0x9  }
0xb9: {  	_ =	task.clear_ibuf [dreg:s8], $0x7FFFF;
	_ =	strace $0x90000049  }
0xba: {  	s29 =	simm.s32 $0x9;
	_ =	strace $0x8000004B  }
0xbb: {  	_ =	swait.ge [sflag:s29], $0x1  }
0xbc: {  	[sflag:s29] =	ssyncadd.s32 $0xFFFFFFFF  }
0xbd: {  	_ =	strace $0x9000004B  }
0xbe: {  	_ =	sfence  }
0xbf: {  	s30 =	sld [smem:$0x0];
	_ =	sdelay $0x2  }
0xc0: {  	s31 =	sshll.u32 s1, $0xD;
	s1 =	sshrl.u32 s1, $0x2  }
0xc1: {  	s3 =	sand.u32 $0x4000, s31;
	s1 =	sadd.s32 s1, s30  }
0xc2: {  	s0 =	sor.u32 s3, s0;
	s1 =	sshll.u32 s1, $0x11  }
0xc3: {  	s0 =	sor.u32 s1, s0  }
0xc4: {  	s0 =	sadd.s32 $0x8F2B, s0  }
0xc5: {  	[sflag:s0] =	ssyncadd.remote.s32 $0x1  }
0xc6: {  	_ =	sfence.sel $0xFFFF  }
0xc7: {  	[dreg:$0x0] =	wrdreg $0xFFFFFFFF;
	(pc) =	sbr.abs _section_cstart, $3  }
0xc8: {  	[dreg:$0x1] =	wrdreg $0xFFFFFFFF  }
0xc9: {  	_ =	task.clear_ibuf [dreg:s8], $0x2FFFF;
	_ =	strace $0x9FFFFFFF  }
0xca: {  	(tm) =	ssettm $0x7FFFFFFF  }
0xcb: {  	_ =	shalt  }
tec
execute0_lowered:
.L_overlay_start_1:
0x0: {  	(tag) =	ssettag $0x1  }
0x1: {  	s9 =	rddreg [dreg:$0x0]  }
0x2: {  	s1 =	rddreg [dreg:$0x1]  }
0x3: {  	s3 =	rddreg [dreg:$0x2]  }
0x4: {  	s4 =	rddreg [dreg:$0x3]  }
0x5: {  	s6 =	srdreg.scid;
	s0 =	stileid.u32;
	s5 =	simm.s32 $0x0  }
0x6: {  	s16 =	simm.s32 $0x1000;
	s17 =	simm.s32 $0x800;
	s18 =	simm.s32 $0x1800  }
0x7: {  	s20 =	simm.s32 $0x5;
	s21 =	simm.s32 $0x3;
	s22 =	simm.s32 $0x80  }
0x8: {  	s23 =	simm.s32 $0x2000;
	s24 =	simm.s32 $0x0;
	s8 =	smul.u32 $0x2800, s0  }
0x9: {  	s10 =	sand.u32 $0x1, s6;
	[smem:$0x7FF] =	sst s5;
	s13 =	smul.u32 $0x50000, s0  }
0xa: {  	s6 =	sadd.s32 $0xC800, s9;
	s11 =	smul.u32 $0x28000, s10;
	s7 =	sshll.u32 s10, $0x4  }
0xb: {  	s31 =	sshll.u32 s0, $0x6;
	_ =	strace $0x8000004A;
	s12 =	sor.u32 s0, s7  }
0xc: {  	s26 =	ssub.s32 $0x2, s10;
	s11 =	sadd.s32 s8, s11;
	s8 =	smul.u32 $0x2800, s12  }
0xd: {  	s7 =	sadd.s32 $0x2800, s9;
	s29 =	sshrl.u32 s26, $0x1;
	s28 =	smul.u32 $0x500, s12  }
.Ltmp0:
0xe: {  	s13 =	sshrl.u32 s13, $0x2;
	s15 =	ssub.s32 s26, s29;
	(pc) =	sbr.rel .LBB2_1-.Ltmp0, $4  }
0xf: {  	s19 =	sadd.s32 s13, s4;
	s13 =	sor.u32 $0x1C05, s31;
	s14 =	sadd.s32 s11, s9  }
0x10: {  	s15 =	smax.u32 s15, $0x1;
	s19 =	sshrl.u32 s19, $0x3;
	s30 =	sshrl.u32 s8, $0x3  }
0x11: {  	s9 =	sadd.s32 s7, s28;
	s10 =	sadd.s32 s1, s28;
	s12 =	sadd.s32 $0x100, s30  }
0x12: {  	s14 =	sadd.s32 $0x34800, s14;
	s11 =	sadd.s32 s7, s12;
	s12 =	sadd.s32 s1, s12  }
.LBB2_8:
0x13: {  	s24 =	sadd.s32 $0x1, s24  }
0x14: {  	p0 =	sne.s32 s24, s15  }
.Ltmp1:
0x15: {  	[bflag:$0x0] =	sbarrier.arrive $0xFFFF;
	(pc) =	sbr.rel @!p0 .LBB2_9-.Ltmp1, $4  }
0x16: {  	[hbm:s14], [sflag:s13] =	dma.local [spmem:s19], $0x2800  }
0x17: {  	_ =	swait.ge [sflag:s20], $0x2800  }
0x18: {  	[sflag:s20] =	ssyncset.done $0x0  }
0x19: {  	[sflag:s20] =	ssyncadd.s32 $0xFFFFD800  }
.LBB2_1:
0x1a: {  	[tilespmem:s5], [sflag:$0x3] =	stream.linear.gather [hbm4b:s9+s5], $0x800, $0x38;
	[tilespmem:$0x1E000] =	vst v63  }
0x1b: {  	_ = 	snop  }
0x1c: {  	[tilespmem:s16], [sflag:$0x3] =	stream.linear.gather [hbm4b:s10+s5], $0x800, $0x38;
	[tilespmem:$0x1E000] =	vst v63  }
0x1d: {  	_ = 	snop  }
0x1e: {  	[tilespmem:s17], [sflag:$0x4] =	stream.linear.gather [hbm4b:s11+s5], $0x800, $0x38;
	[tilespmem:$0x1E000] =	vst v63  }
0x1f: {  	_ = 	snop  }
0x20: {  	[tilespmem:s18], [sflag:$0x4] =	stream.linear.gather [hbm4b:s12+s5], $0x800, $0x38;
	[tilespmem:$0x1E000] =	vst v63  }
0x21: {  	[spmem:s19], [sflag:s13] =	dma.local [hbm:s3], $0x2800  }
0x22: {  	_ =	swait.ge [sflag:s20], $0x2800  }
0x23: {  	[sflag:s20] =	ssyncset.done $0x0  }
0x24: {  	[sflag:s20] =	ssyncadd.s32 $0xFFFFD800  }
0x25: {  	_ =	swait.ge [sflag:s21], $0x800  }
0x26: {  	[sflag:s21] =	ssyncset.done $0x0  }
0x27: {  	[sflag:s21] =	ssyncadd.s32 $0xFFFFF800  }
0x28: {  	_ =	swait.ge [sflag:s21], $0x800  }
.Ltmp2:
0x29: {  	[sflag:s21] =	ssyncset.done $0x0;
	(pc) =	sbr.rel .LBB2_2-.Ltmp2, $4  }
0x2a: {  	[sflag:s21] =	ssyncadd.s32 $0xFFFFF800  }
0x2b: {  	[tilespmem:s23], [sflag:$0x1] =	stream.indirect.gather [hbm4b:s6+s22], $0x80, s5, s22, $0xb8;
	[tilespmem:$0x1E000] =	vst v63  }
0x2c: {  	[bflag:$0x0] =	sbarrier.arrive $0xFFFF  }
0x2d: {  	s26 =	simm.s32 $0x0  }
.LBB2_3:
0x2e: {  	s29 =	sadd.s32 $0x1, s28  }
0x2f: {  	s30 =	sshll.u32 s29, $0xB  }
0x30: {  	s30 =	sadd.s32 s8, s30  }
0x31: {  	s29 =	sand.u32 $0x1, s29;
	s30 =	sshrl.u32 s30, $0x3  }
0x32: {  	s31 =	sadd.s32 $0x3, s29;
	s29 =	sshll.u32 s29, $0xB;
	s0 =	sadd.s32 s7, s30  }
0x33: {  	[tilespmem:s29], [sflag:s31] =	stream.linear.gather [hbm4b:s0+s5], $0x800, $0x38;
	[tilespmem:$0x1E000] =	vst v63  }
0x34: {  	s2 =	sor.u32 $0x1000, s29;
	s29 =	sadd.s32 s1, s30  }
0x35: {  	[tilespmem:s2], [sflag:s31] =	stream.linear.gather [hbm4b:s29+s5], $0x800, $0x38;
	[tilespmem:$0x1E000] =	vst v63  }
0x36: {  	s30 =	smov.u32 s28;
	s29 =	sor.u32 $0x1, s26  }
.LBB2_6:
0x37: {  	s0 =	sand.u32 $0xF, s29  }
0x38: {  	s30 =	sand.u32 $0x1, s30;
	p0 =	sne.s32 s0, $0x0  }
0x39: {  	s31 =	sadd.s32 @!p0 $0x3, s30  }
0x3a: {  	_ =	swait.ge @!p0 [sflag:s31], $0x800  }
0x3b: {  	[sflag:s31] =	ssyncset.done @!p0 $0x0  }
0x3c: {  	[sflag:s31] =	ssyncadd.s32 @!p0 $0xFFFFF800  }
0x3d: {  	_ =	swait.ge @!p0 [sflag:s31], $0x800  }
0x3e: {  	[sflag:s31] =	ssyncset.done @!p0 $0x0  }
0x3f: {  	[sflag:s31] =	ssyncadd.s32 @!p0 $0xFFFFF800;
	s31 =	sand.u32 $0x1, s29  }
0x40: {  	s0 =	sshll.u32 s0, $0x7;
	s30 =	sshll.u32 s30, $0xB;
	s2 =	sshll.u32 s31, $0xE  }
0x41: {  	s0 =	sor.u32 s0, s30;
	s31 =	sadd.s32 $0x1, s31;
	s2 =	sor.u32 $0x2000, s2  }
0x42: {  	[tilespmem:s2], [sflag:s31] =	stream.indirect.gather [hbm4b:s6+s22], $0x80, s0, s22, $0xb8;
	[tilespmem:$0x1E000] =	vst v63  }
.LBB2_7:
0x43: {  	s0 =	sand.u32 $0x1, s26;
	s30 =	sshll.u32 s28, $0xB  }
0x44: {  	s25 =	sshll.u32 s25, $0x7;
	p0 =	slt.u32 s29, $0x50;
	s2 =	sadd.s32 $0x1, s0  }
0x45: {  	s26 =	sand.u32 $0x800, s30;
	s0 =	sshll.u32 s0, $0xE;
	_ =	swait.ge [sflag:s2], $0x4000  }
0x46: {  	s25 =	sor.u32 s25, s26;
	s0 =	sor.u32 $0x2000, s0;
	[sflag:s2] =	ssyncset.done $0x0  }
.Ltmp3:
0x47: {  	s31 =	sor.u32 $0x1000, s25;
	[sflag:s2] =	ssyncadd.s32 $0xFFFFC000;
	(pc) =	sbr.rel @!p0 .LBB2_8-.Ltmp3, $4  }
0x48: {  	[spmem:s4] =	stream.indirect.scatter.add.f32 [tilespmem:s0], [sflag:$0x5], $0x80, s31, s22, $0xb8;
	[tilespmem:$0x1E000] =	vst v63  }
0x49: {  	_ =	swait.ge [sflag:s20], $0x4000  }
0x4a: {  	[sflag:s20] =	ssyncset.done $0x0  }
0x4b: {  	s26 =	smov.u32 s29;
	[sflag:s20] =	ssyncadd.s32 $0xFFFFC000  }
.LBB2_2:
0x4c: {  	s25 =	sand.u32 $0xF, s26  }
0x4d: {  	s28 =	sadd.s32 $0xFFFFFFF0, s26;
	p0 =	sne.s32 s25, $0x0  }
0x4e: {  	p1 =	sgt.u32 @!p0 s28, $0x2F  }
0x4f: {  	p0 =	por p0, p1  }
.Ltmp4:
0x50: {  	_ = 	snop;
	(pc) =	sbr.rel @!p0 .LBB2_3-.Ltmp4, $2  }
0x51: {  	_ =	sdelay $0x2  }
0x52: {  	s28 =	sshrl.u32 s26, $0x4  }
0x53: {  	p0 =	seq.s32 s26, $0x4F  }
.Ltmp5:
0x54: {  	_ = 	snop;
	(pc) =	sbr.rel @p0 .LBB2_7-.Ltmp5, $2  }
0x55: {  	_ =	sdelay $0x2  }
0x56: {  	s29 =	simm.s32 $0x50  }
.Ltmp6:
0x57: {  	(pc) =	sbr.rel .LBB2_6-.Ltmp6, $3  }
0x58: {  	_ =	sdelay $0x1  }
0x59: {  	s29 =	sadd.s32 $0x1, s26  }
0x5a: {  	s30 =	sshrl.u32 s29, $0x4  }
.LBB2_9:
0x5b: {  	_ =	sfence.sel $0x180000  }
0x5c: {  	[bflag:$0x0] =	sbarrier.arrive $0xFFFF  }
0x5d: {  	_ =	strace $0x9000004A  }
0x5e: {  	s0 =	stileid.u32;
	[bflag:$0x2] =	sbarrier.arrive $0xFFFF  }
0x5f: {  	p0 =	sne.s32 s0, $0x0;
	s0 =	rddreg [dreg:$0x4]  }
0x60: {  	s0 =	sadd.s32 @!p0 $0x100000, s0  }
0x61: {  	[sflag:s0] =	ssyncadd.tile.s32 @!p0 $0x1;
	_ =	shalt  }
.Lfunc_end2:
_tile_overlayer_lowered:
.L_overlay_start_2:
0x62: {  	(tag) =	ssettag $0x2  }
0x63: {  	s0 =	rddreg [dreg:$0x0];
	s2 =	stileid.u32  }
0x64: {  	s1 =	rddreg [dreg:$0x1];
	p0 =	sne.s32 s2, $0x0  }
0x65: {  	s3 =	rddreg [dreg:$0x2];
	[bflag:$0x3] =	sbarrier.arrive $0xFFFF;
	s2 =	simm.s32 @!p0 $0x1C05  }
0x66: {  	[timem:s3], [sflag:s2] =	dma.local @!p0 [hbm:s0], s1  }
0x67: {  	s0 =	simm.s32 @!p0 $0x5  }
0x68: {  	_ =	swait.ge @!p0 [sflag:s0], s1  }
0x69: {  	s1 =	ssub.s32 @!p0 $0x0, s1;
	[sflag:s0] =	ssyncset.done @!p0 $0x0  }
0x6a: {  	[sflag:s0] =	ssyncadd.s32 @!p0 s1  }
0x6b: {  	[bflag:$0x3] =	sbarrier.arrive $0xFFFF  }
0x6c: {  	_ =	shalt  }

// kernel: kernel.18.cloned.1.call-start
scs
__scs_entry_jumppad:
0x0: {  	(pc) =	sbr.rel $0x88, $3  }
0x1: {  	(tag) =	ssettag $0x0;
	lr =	simm.s32 $0x1  }
0x2: {  	[smem:$0x3F99] =	sst lr;
	_ =	strace $0xD0000000  }
0x3: {  	_ = 	snop  }
0x4: {  	_ = 	snop  }
0x5: {  	_ = 	snop  }
0x6: {  	_ = 	snop  }
0x7: {  	_ = 	snop  }
__scs_overlays_trampoline_lowered:
0x8: {  	[smem:$0x3FA8] =	sst s0  }
0x9: {  	[smem:$0x3FA9] =	sst s1  }
0xa: {  	[smem:$0x3FAA] =	sst s2  }
0xb: {  	[smem:$0x3FAB] =	sst s3  }
0xc: {  	[smem:$0x3FAC] =	sst s4  }
0xd: {  	[smem:$0x3FAD] =	sst s5  }
0xe: {  	[smem:$0x3FAE] =	sst s6  }
0xf: {  	[smem:$0x3FAF] =	sst s7  }
0x10: {  	[smem:$0x3FB0] =	sst s8  }
0x11: {  	[smem:$0x3FB1] =	sst s9;
	s0 =	simm.s32 @!p0 $0x0  }
0x12: {  	s1 =	sld [smem:$0x3F97];
	s0 =	simm.s32 @p0 $0x1  }
0x13: {  	[smem:$0x3FB2] =	sst s0;
	s0 =	simm.s32 @!p1 $0x0  }
0x14: {  	s2 =	sld [smem:$0x3F96];
	s0 =	simm.s32 @p1 $0x1  }
0x15: {  	[smem:$0x3FB3] =	sst s0;
	s0 =	simm.s32 @!p2 $0x0  }
0x16: {  	s3 =	sld [smem:$0x3FDB];
	s0 =	simm.s32 @p2 $0x1  }
0x17: {  	s4 =	simm.s32 $0x1BF5;
	[smem:$0x3FB5] =	sst s0  }
0x18: {  	s0 =	sld [smem:$0x3F98];
	_ =	swait.ge [sflag:s4], $0x0  }
0x19: {  	s7 =	sld [smem:$0x3F99]  }
0x1a: {  	s8 =	sadd.s32 $0xFFFFE003, lr  }
0x1b: {  	s9 =	sadd.s32 $0xFFFFFEF7, lr;
	s5 =	simm.s32 $0xFFFFFFFF;
	p2 =	slt.u32 s8, $0xFFFFF086  }
0x1c: {  	p1 =	slt.u32 s9, $0xF7A;
	s5 =	simm.s32 @!p2 $0x0  }
0x1d: {  	s5 =	simm.s32 @p1 $0x1;
	p0 =	seq.s32 s7, s2  }
0x1e: {  	s7 =	smul.u32 @!p0 $0xF7A, s2;
	p2 =	seq.s32 @!p0 s5, $0x0  }
0x1f: {  	s9 =	smul.u32 $0xF7A, s1;
	s8 =	simm.s32 @!p0 $0x1BF5;
	p2 =	por !p2, p0  }
0x20: {  	[sflag:s8] =	ssyncset.s32 @!p0 $0xFFFFF086;
	s6 =	sadd.s32 @!p0 s3, s7;
	s7 =	simm.s32 @!p0 $0x108  }
0x21: {  	s3 =	sadd.s32 s3, s9;
	s6 =	sadd.s32 @!p0 $0x88, s6;
	s7 =	simm.s32 @p2 $0x1082  }
0x22: {  	[simem:s7], [sflag:s8] =	dma.local @!p0 [hbm:s6], $0xF7A  }
0x23: {  	s9 =	sor.u32 $0xD0000000, s2;
	s6 =	simm.s32 $0x108;
	_ =	swait.ge @!p0 [sflag:s8], $0x0  }
0x24: {  	s3 =	sadd.s32 $0x88, s3;
	s6 =	simm.s32 @!p1 $0x1082;
	[sflag:s4] =	ssyncset.s32 $0xFFFFF086  }
0x25: {  	[simem:s6], [sflag:s4] =	dma.local [hbm:s3], $0xF7A  }
0x26: {  	[smem:$0x3F99] =	sst s1;
	(tag) =	ssettag s2;
	_ =	strace s9  }
0x27: {  	s1 =	sld [smem:$0x3FA9]  }
0x28: {  	s2 =	sld [smem:$0x3FAA]  }
0x29: {  	s4 =	sld [smem:$0x3FAC]  }
0x2a: {  	p0 =	seq.s32 s5, $0x0;
	s5 =	sld [smem:$0x3FAD]  }
0x2b: {  	s6 =	sld [smem:$0x3FAE]  }
0x2c: {  	s7 =	sld [smem:$0x3FAF]  }
0x2d: {  	s3 =	simm.s32 $0x108;
	s8 =	sld [smem:$0x3FB0]  }
0x2e: {  	s3 =	simm.s32 @!p0 $0x1082;
	s9 =	sld [smem:$0x3FB1]  }
0x2f: {  	lr =	sadd.s32 s0, s3;
	s0 =	sld [smem:$0x3FA8]  }
0x30: {  	s3 =	sld [smem:$0x3FAB]  }
0x31: {  	[smem:$0x3FB4] =	sst s10  }
0x32: {  	s10 =	sld [smem:$0x3FB2];
	_ =	sdelay $0x3  }
0x33: {  	p0 =	seq.s32 s10, $0x1;
	s10 =	sld [smem:$0x3FB4];
	_ =	sdelay $0x3  }
0x34: {  	[smem:$0x3FB4] =	sst s10  }
0x35: {  	s10 =	sld [smem:$0x3FB3];
	_ =	sdelay $0x3  }
0x36: {  	p1 =	seq.s32 s10, $0x1;
	s10 =	sld [smem:$0x3FB4];
	_ =	sdelay $0x3  }
0x37: {  	[smem:$0x3FB4] =	sst s10  }
0x38: {  	s10 =	sld [smem:$0x3FB5]  }
0x39: {  	_ = 	snop;
	(pc) =	sbr.ind lr, $3  }
0x3a: {  	_ = 	snop  }
0x3b: {  	_ = 	snop  }
0x3c: {  	p2 =	seq.s32 s10, $0x1;
	s10 =	sld [smem:$0x3FB4]  }
0x3d: {  	_ =	shalt  }
0x3e: {  	_ =	shalt  }
0x3f: {  	_ =	shalt  }
0x40: {  	_ =	shalt  }
0x41: {  	_ =	shalt  }
0x42: {  	_ =	shalt  }
0x43: {  	_ =	shalt  }
0x44: {  	_ =	shalt  }
0x45: {  	_ =	shalt  }
0x46: {  	_ =	shalt  }
0x47: {  	_ =	shalt  }
0x48: {  	_ =	shalt  }
0x49: {  	_ =	shalt  }
0x4a: {  	_ =	shalt  }
0x4b: {  	_ =	shalt  }
0x4c: {  	_ =	shalt  }
0x4d: {  	_ =	shalt  }
0x4e: {  	_ =	shalt  }
0x4f: {  	_ =	shalt  }
0x50: {  	_ =	shalt  }
0x51: {  	_ =	shalt  }
0x52: {  	_ =	shalt  }
0x53: {  	_ =	shalt  }
0x54: {  	_ =	shalt  }
0x55: {  	_ =	shalt  }
0x56: {  	_ =	shalt  }
0x57: {  	_ =	shalt  }
0x58: {  	_ =	shalt  }
0x59: {  	_ =	shalt  }
0x5a: {  	_ =	shalt  }
0x5b: {  	_ =	shalt  }
0x5c: {  	_ =	shalt  }
0x5d: {  	_ =	shalt  }
0x5e: {  	_ =	shalt  }
0x5f: {  	_ =	shalt  }
0x60: {  	_ =	shalt  }
0x61: {  	_ =	shalt  }
0x62: {  	_ =	shalt  }
0x63: {  	_ =	shalt  }
0x64: {  	_ =	shalt  }
0x65: {  	_ =	shalt  }
0x66: {  	_ =	shalt  }
0x67: {  	_ =	shalt  }
0x68: {  	_ =	shalt  }
0x69: {  	_ =	shalt  }
0x6a: {  	_ =	shalt  }
0x6b: {  	_ =	shalt  }
0x6c: {  	_ =	shalt  }
0x6d: {  	_ =	shalt  }
0x6e: {  	_ =	shalt  }
0x6f: {  	_ =	shalt  }
0x70: {  	_ =	shalt  }
0x71: {  	_ =	shalt  }
0x72: {  	_ =	shalt  }
0x73: {  	_ =	shalt  }
0x74: {  	_ =	shalt  }
0x75: {  	_ =	shalt  }
0x76: {  	_ =	shalt  }
0x77: {  	_ =	shalt  }
0x78: {  	_ =	shalt  }
0x79: {  	_ =	shalt  }
0x7a: {  	_ =	shalt  }
0x7b: {  	_ =	shalt  }
0x7c: {  	_ =	shalt  }
0x7d: {  	_ =	shalt  }
0x7e: {  	_ =	shalt  }
0x7f: {  	_ =	shalt  }
0x80: {  	_ =	shalt  }
0x81: {  	_ =	shalt  }
0x82: {  	_ =	shalt  }
0x83: {  	_ =	shalt  }
0x84: {  	_ =	shalt  }
0x85: {  	_ =	shalt  }
0x86: {  	_ =	shalt  }
0x87: {  	_ =	shalt  }
.Lfunc_end0:
.L_simem_size_0:
called_computation.2_lowered:
.L_overlay_start_0:
0x88: {  	s2 =	sld [smem:$0x3FD9]  }
0x89: {  	s3 =	sld [smem:$0x3FFE];
	_ =	sdelay $0x1  }
0x8a: {  	s1 =	srdreg.scid  }
0x8b: {  	s0 =	sand.u32 $0x1, s1  }
0x8c: {  	s14 =	sshll.u32 s0, $0xA;
	s2 =	sadd.s32 s3, s2  }
0x8d: {  	s2 =	sadd.s32 s2, s14  }
0x8e: {  	[smem:$0x3FC0] =	sst s2  }
0x8f: {  	_ = 	snop  }
0x90: {  	s2 =	sld [smem:$0x3FD0];
	_ =	sdelay $0x2  }
0x91: {  	s15 =	simm.s32 $0xA;
	s4 =	simm.s32 $0x10  }
0x92: {  	[smem:s4], [sflag:s15] =	dma.local [hbm:s2], $0x1  }
0x93: {  	_ =	swait.eq [sflag:s15], $0x1  }
0x94: {  	[sflag:s15] =	ssyncset.done $0x0  }
0x95: {  	s16 =	sld [smem:$0x10];
	[sflag:s15] =	ssyncadd.s32 $0xFFFFFFFF  }
0x96: {  	s17 =	sld [smem:$0x11];
	(tm) =	ssettm $0x1  }
0x97: {  	s18 =	sld [smem:$0x3FFB];
	_ =	sdelay $0x3  }
0x98: {  	_ =	strace s18  }
0x99: {  	s4 =	sld [smem:$0x3FFC];
	_ =	sdelay $0x3  }
0x9a: {  	_ =	strace s4  }
0x9b: {  	s4 =	sld [smem:$0x3FFD];
	_ =	sdelay $0x3  }
0x9c: {  	_ =	strace s4  }
0x9d: {  	_ =	strace $0x8FFFFFFF  }
0x9e: {  	s19 =	sld [smem:$0x3FDB];
	_ =	sdelay $0x1  }
0x9f: {  	s5 =	simm.s32 $_scs_section_size  }
0xa0: {  	s6 =	simm.s32 $_size__tile_overlayer_lowered;
	s7 =	simm.s32 $_tile_overlayer_lowered  }
0xa1: {  	s22 =	simm.s32 $0x1BFF;
	s21 =	sshll.u32 s7, $0x1;
	s4 =	sadd.s32 s5, s19  }
0xa2: {  	s8 =	simm.s32 $0x0;
	s20 =	sshll.u32 s6, $0x1;
	s6 =	sadd.s32 s21, s4  }
0xa3: {  	[timem:s8], [sflag:s22] =	dma.local [hbm:s6], s20  }
0xa4: {  	_ =	swait.ge [sflag:s22], s20  }
0xa5: {  	s5 =	ssub.s32 $0x0, s20;
	[sflag:s22] =	ssyncset.done $0x0  }
0xa6: {  	[sflag:s22] =	ssyncadd.s32 s5;
	_ =	sdelay $0x1  }
0xa7: {  	s23 =	simm.s32 $0x1B8B  }
0xa8: {  	_ =	swait.ge [sflag:s23], $0x1  }
0xa9: {  	[sflag:s23] =	ssyncset.done $0x0  }
0xaa: {  	s25 =	simm.s32 $0x1B8E;
	s24 =	sld [smem:$0x3FFE];
	[sflag:s23] =	ssyncadd.s32 $0xFFFFFFFF  }
0xab: {  	s26 =	simm.s32 $execute0_lowered;
	[smem:$0x3FD2] =	sst s25  }
0xac: {  	s6 =	sshll.u32 s26, $0x1;
	_ =	strace $0x8000004C;
	[dreg:$0x1] =	wrdreg $0xFFFFFFFF  }
0xad: {  	s28 =	simm.s32 $_size_execute0_lowered;
	s4 =	sadd.s32 s4, s6;
	[dreg:$0x0] =	wrdreg $0x0  }
0xae: {  	s6 =	sshll.u32 s28, $0x1;
	[dreg:$0x2] =	wrdreg s4  }
0xaf: {  	[dreg:$0x3] =	wrdreg s6  }
0xb0: {  	[dreg:$0x4] =	wrdreg $0xC0  }
0xb1: {  	_ =	task [dreg:s8], $0x5FFFF  }
0xb2: {  	[dreg:$0x1] =	wrdreg $0xFFFFFFFF  }
0xb3: {  	[dreg:$0x0] =	wrdreg $0x60  }
0xb4: {  	[dreg:$0x2] =	wrdreg s24  }
0xb5: {  	[dreg:$0x3] =	wrdreg s16  }
0xb6: {  	[dreg:$0x4] =	wrdreg s17  }
0xb7: {  	[dreg:$0x5] =	wrdreg $0xA0000  }
0xb8: {  	[dreg:$0x6] =	wrdreg $0x9  }
0xb9: {  	_ =	task.clear_ibuf [dreg:s8], $0x7FFFF;
	_ =	strace $0x9000004C  }
0xba: {  	s29 =	simm.s32 $0x9;
	_ =	strace $0x8000004E  }
0xbb: {  	_ =	swait.ge [sflag:s29], $0x1  }
0xbc: {  	[sflag:s29] =	ssyncadd.s32 $0xFFFFFFFF  }
0xbd: {  	_ =	strace $0x9000004E  }
0xbe: {  	_ =	sfence  }
0xbf: {  	s30 =	sld [smem:$0x0];
	_ =	sdelay $0x2  }
0xc0: {  	s31 =	sshll.u32 s1, $0xD;
	s1 =	sshrl.u32 s1, $0x2  }
0xc1: {  	s3 =	sand.u32 $0x4000, s31;
	s1 =	sadd.s32 s1, s30  }
0xc2: {  	s0 =	sor.u32 s3, s0;
	s1 =	sshll.u32 s1, $0x11  }
0xc3: {  	s0 =	sor.u32 s1, s0  }
0xc4: {  	s0 =	sadd.s32 $0x8F2B, s0  }
0xc5: {  	[sflag:s0] =	ssyncadd.remote.s32 $0x1  }
0xc6: {  	_ =	sfence.sel $0xFFFF  }
0xc7: {  	[dreg:$0x0] =	wrdreg $0xFFFFFFFF;
	(pc) =	sbr.abs _section_cstart, $3  }
0xc8: {  	[dreg:$0x1] =	wrdreg $0xFFFFFFFF  }
0xc9: {  	_ =	task.clear_ibuf [dreg:s8], $0x2FFFF;
	_ =	strace $0x9FFFFFFF  }
0xca: {  	(tm) =	ssettm $0x7FFFFFFF  }
0xcb: {  	_ =	shalt  }
tec
execute0_lowered:
.L_overlay_start_1:
0x0: {  	(tag) =	ssettag $0x1  }
0x1: {  	s9 =	rddreg [dreg:$0x0]  }
0x2: {  	s1 =	rddreg [dreg:$0x1]  }
0x3: {  	s3 =	rddreg [dreg:$0x2]  }
0x4: {  	s4 =	rddreg [dreg:$0x3]  }
0x5: {  	s6 =	srdreg.scid;
	s0 =	stileid.u32;
	s5 =	simm.s32 $0x0  }
0x6: {  	s16 =	simm.s32 $0x1000;
	s17 =	simm.s32 $0x800;
	s18 =	simm.s32 $0x1800  }
0x7: {  	s20 =	simm.s32 $0x5;
	s21 =	simm.s32 $0x3;
	s22 =	simm.s32 $0x80  }
0x8: {  	s23 =	simm.s32 $0x2000;
	s24 =	simm.s32 $0x0;
	s8 =	smul.u32 $0x2800, s0  }
0x9: {  	s10 =	sand.u32 $0x1, s6;
	[smem:$0x7FF] =	sst s5;
	s13 =	smul.u32 $0x50000, s0  }
0xa: {  	s6 =	sadd.s32 $0xC800, s9;
	s11 =	smul.u32 $0x28000, s10;
	s7 =	sshll.u32 s10, $0x4  }
0xb: {  	s31 =	sshll.u32 s0, $0x6;
	_ =	strace $0x8000004D;
	s12 =	sor.u32 s0, s7  }
0xc: {  	s26 =	ssub.s32 $0x2, s10;
	s11 =	sadd.s32 s8, s11;
	s8 =	smul.u32 $0x2800, s12  }
0xd: {  	s7 =	sadd.s32 $0x2800, s9;
	s29 =	sshrl.u32 s26, $0x1;
	s28 =	smul.u32 $0x500, s12  }
.Ltmp0:
0xe: {  	s13 =	sshrl.u32 s13, $0x2;
	s15 =	ssub.s32 s26, s29;
	(pc) =	sbr.rel .LBB2_1-.Ltmp0, $4  }
0xf: {  	s19 =	sadd.s32 s13, s4;
	s13 =	sor.u32 $0x1C05, s31;
	s14 =	sadd.s32 s11, s9  }
0x10: {  	s15 =	smax.u32 s15, $0x1;
	s19 =	sshrl.u32 s19, $0x3;
	s30 =	sshrl.u32 s8, $0x3  }
0x11: {  	s9 =	sadd.s32 s7, s28;
	s10 =	sadd.s32 s1, s28;
	s12 =	sadd.s32 $0x100, s30  }
0x12: {  	s14 =	sadd.s32 $0x34800, s14;
	s11 =	sadd.s32 s7, s12;
	s12 =	sadd.s32 s1, s12  }
.LBB2_8:
0x13: {  	s24 =	sadd.s32 $0x1, s24  }
0x14: {  	p0 =	sne.s32 s24, s15  }
.Ltmp1:
0x15: {  	[bflag:$0x0] =	sbarrier.arrive $0xFFFF;
	(pc) =	sbr.rel @!p0 .LBB2_9-.Ltmp1, $4  }
0x16: {  	[hbm:s14], [sflag:s13] =	dma.local [spmem:s19], $0x2800  }
0x17: {  	_ =	swait.ge [sflag:s20], $0x2800  }
0x18: {  	[sflag:s20] =	ssyncset.done $0x0  }
0x19: {  	[sflag:s20] =	ssyncadd.s32 $0xFFFFD800  }
.LBB2_1:
0x1a: {  	[tilespmem:s5], [sflag:$0x3] =	stream.linear.gather [hbm4b:s9+s5], $0x800, $0x38;
	[tilespmem:$0x1E000] =	vst v63  }
0x1b: {  	_ = 	snop  }
0x1c: {  	[tilespmem:s16], [sflag:$0x3] =	stream.linear.gather [hbm4b:s10+s5], $0x800, $0x38;
	[tilespmem:$0x1E000] =	vst v63  }
0x1d: {  	_ = 	snop  }
0x1e: {  	[tilespmem:s17], [sflag:$0x4] =	stream.linear.gather [hbm4b:s11+s5], $0x800, $0x38;
	[tilespmem:$0x1E000] =	vst v63  }
0x1f: {  	_ = 	snop  }
0x20: {  	[tilespmem:s18], [sflag:$0x4] =	stream.linear.gather [hbm4b:s12+s5], $0x800, $0x38;
	[tilespmem:$0x1E000] =	vst v63  }
0x21: {  	[spmem:s19], [sflag:s13] =	dma.local [hbm:s3], $0x2800  }
0x22: {  	_ =	swait.ge [sflag:s20], $0x2800  }
0x23: {  	[sflag:s20] =	ssyncset.done $0x0  }
0x24: {  	[sflag:s20] =	ssyncadd.s32 $0xFFFFD800  }
0x25: {  	_ =	swait.ge [sflag:s21], $0x800  }
0x26: {  	[sflag:s21] =	ssyncset.done $0x0  }
0x27: {  	[sflag:s21] =	ssyncadd.s32 $0xFFFFF800  }
0x28: {  	_ =	swait.ge [sflag:s21], $0x800  }
.Ltmp2:
0x29: {  	[sflag:s21] =	ssyncset.done $0x0;
	(pc) =	sbr.rel .LBB2_2-.Ltmp2, $4  }
0x2a: {  	[sflag:s21] =	ssyncadd.s32 $0xFFFFF800  }
0x2b: {  	[tilespmem:s23], [sflag:$0x1] =	stream.indirect.gather [hbm4b:s6+s22], $0x80, s5, s22, $0xb8;
	[tilespmem:$0x1E000] =	vst v63  }
0x2c: {  	[bflag:$0x0] =	sbarrier.arrive $0xFFFF  }
0x2d: {  	s26 =	simm.s32 $0x0  }
.LBB2_3:
0x2e: {  	s29 =	sadd.s32 $0x1, s28  }
0x2f: {  	s30 =	sshll.u32 s29, $0xB  }
0x30: {  	s30 =	sadd.s32 s8, s30  }
0x31: {  	s29 =	sand.u32 $0x1, s29;
	s30 =	sshrl.u32 s30, $0x3  }
0x32: {  	s31 =	sadd.s32 $0x3, s29;
	s29 =	sshll.u32 s29, $0xB;
	s0 =	sadd.s32 s7, s30  }
0x33: {  	[tilespmem:s29], [sflag:s31] =	stream.linear.gather [hbm4b:s0+s5], $0x800, $0x38;
	[tilespmem:$0x1E000] =	vst v63  }
0x34: {  	s2 =	sor.u32 $0x1000, s29;
	s29 =	sadd.s32 s1, s30  }
0x35: {  	[tilespmem:s2], [sflag:s31] =	stream.linear.gather [hbm4b:s29+s5], $0x800, $0x38;
	[tilespmem:$0x1E000] =	vst v63  }
0x36: {  	s30 =	smov.u32 s28;
	s29 =	sor.u32 $0x1, s26  }
.LBB2_6:
0x37: {  	s0 =	sand.u32 $0xF, s29  }
0x38: {  	s30 =	sand.u32 $0x1, s30;
	p0 =	sne.s32 s0, $0x0  }
0x39: {  	s31 =	sadd.s32 @!p0 $0x3, s30  }
0x3a: {  	_ =	swait.ge @!p0 [sflag:s31], $0x800  }
0x3b: {  	[sflag:s31] =	ssyncset.done @!p0 $0x0  }
0x3c: {  	[sflag:s31] =	ssyncadd.s32 @!p0 $0xFFFFF800  }
0x3d: {  	_ =	swait.ge @!p0 [sflag:s31], $0x800  }
0x3e: {  	[sflag:s31] =	ssyncset.done @!p0 $0x0  }
0x3f: {  	[sflag:s31] =	ssyncadd.s32 @!p0 $0xFFFFF800;
	s31 =	sand.u32 $0x1, s29  }
0x40: {  	s0 =	sshll.u32 s0, $0x7;
	s30 =	sshll.u32 s30, $0xB;
	s2 =	sshll.u32 s31, $0xE  }
0x41: {  	s0 =	sor.u32 s0, s30;
	s31 =	sadd.s32 $0x1, s31;
	s2 =	sor.u32 $0x2000, s2  }
0x42: {  	[tilespmem:s2], [sflag:s31] =	stream.indirect.gather [hbm4b:s6+s22], $0x80, s0, s22, $0xb8;
	[tilespmem:$0x1E000] =	vst v63  }
.LBB2_7:
0x43: {  	s0 =	sand.u32 $0x1, s26;
	s30 =	sshll.u32 s28, $0xB  }
0x44: {  	s25 =	sshll.u32 s25, $0x7;
	p0 =	slt.u32 s29, $0x50;
	s2 =	sadd.s32 $0x1, s0  }
0x45: {  	s26 =	sand.u32 $0x800, s30;
	s0 =	sshll.u32 s0, $0xE;
	_ =	swait.ge [sflag:s2], $0x4000  }
0x46: {  	s25 =	sor.u32 s25, s26;
	s0 =	sor.u32 $0x2000, s0;
	[sflag:s2] =	ssyncset.done $0x0  }
.Ltmp3:
0x47: {  	s31 =	sor.u32 $0x1000, s25;
	[sflag:s2] =	ssyncadd.s32 $0xFFFFC000;
	(pc) =	sbr.rel @!p0 .LBB2_8-.Ltmp3, $4  }
0x48: {  	[spmem:s4] =	stream.indirect.scatter.add.f32 [tilespmem:s0], [sflag:$0x5], $0x80, s31, s22, $0xb8;
	[tilespmem:$0x1E000] =	vst v63  }
0x49: {  	_ =	swait.ge [sflag:s20], $0x4000  }
0x4a: {  	[sflag:s20] =	ssyncset.done $0x0  }
0x4b: {  	s26 =	smov.u32 s29;
	[sflag:s20] =	ssyncadd.s32 $0xFFFFC000  }
.LBB2_2:
0x4c: {  	s25 =	sand.u32 $0xF, s26  }
0x4d: {  	s28 =	sadd.s32 $0xFFFFFFF0, s26;
	p0 =	sne.s32 s25, $0x0  }
0x4e: {  	p1 =	sgt.u32 @!p0 s28, $0x2F  }
0x4f: {  	p0 =	por p0, p1  }
.Ltmp4:
0x50: {  	_ = 	snop;
	(pc) =	sbr.rel @!p0 .LBB2_3-.Ltmp4, $2  }
0x51: {  	_ =	sdelay $0x2  }
0x52: {  	s28 =	sshrl.u32 s26, $0x4  }
0x53: {  	p0 =	seq.s32 s26, $0x4F  }
.Ltmp5:
0x54: {  	_ = 	snop;
	(pc) =	sbr.rel @p0 .LBB2_7-.Ltmp5, $2  }
0x55: {  	_ =	sdelay $0x2  }
0x56: {  	s29 =	simm.s32 $0x50  }
.Ltmp6:
0x57: {  	(pc) =	sbr.rel .LBB2_6-.Ltmp6, $3  }
0x58: {  	_ =	sdelay $0x1  }
0x59: {  	s29 =	sadd.s32 $0x1, s26  }
0x5a: {  	s30 =	sshrl.u32 s29, $0x4  }
.LBB2_9:
0x5b: {  	_ =	sfence.sel $0x180000  }
0x5c: {  	[bflag:$0x0] =	sbarrier.arrive $0xFFFF  }
0x5d: {  	_ =	strace $0x9000004D  }
0x5e: {  	s0 =	stileid.u32;
	[bflag:$0x2] =	sbarrier.arrive $0xFFFF  }
0x5f: {  	p0 =	sne.s32 s0, $0x0;
	s0 =	rddreg [dreg:$0x4]  }
0x60: {  	s0 =	sadd.s32 @!p0 $0x100000, s0  }
0x61: {  	[sflag:s0] =	ssyncadd.tile.s32 @!p0 $0x1;
	_ =	shalt  }
.Lfunc_end2:
_tile_overlayer_lowered:
.L_overlay_start_2:
0x62: {  	(tag) =	ssettag $0x2  }
0x63: {  	s0 =	rddreg [dreg:$0x0];
	s2 =	stileid.u32  }
0x64: {  	s1 =	rddreg [dreg:$0x1];
	p0 =	sne.s32 s2, $0x0  }
0x65: {  	s3 =	rddreg [dreg:$0x2];
	[bflag:$0x3] =	sbarrier.arrive $0xFFFF;
	s2 =	simm.s32 @!p0 $0x1C05  }
0x66: {  	[timem:s3], [sflag:s2] =	dma.local @!p0 [hbm:s0], s1  }
0x67: {  	s0 =	simm.s32 @!p0 $0x5  }
0x68: {  	_ =	swait.ge @!p0 [sflag:s0], s1  }
0x69: {  	s1 =	ssub.s32 @!p0 $0x0, s1;
	[sflag:s0] =	ssyncset.done @!p0 $0x0  }
0x6a: {  	[sflag:s0] =	ssyncadd.s32 @!p0 s1  }
0x6b: {  	[bflag:$0x3] =	sbarrier.arrive $0xFFFF  }
0x6c: {  	_ =	shalt  }

// kernel: kernel.21.cloned.1.call-start
scs
__scs_entry_jumppad:
0x0: {  	(pc) =	sbr.rel $0x88, $3  }
0x1: {  	(tag) =	ssettag $0x0;
	lr =	simm.s32 $0x1  }
0x2: {  	[smem:$0x3F99] =	sst lr;
	_ =	strace $0xD0000000  }
0x3: {  	_ = 	snop  }
0x4: {  	_ = 	snop  }
0x5: {  	_ = 	snop  }
0x6: {  	_ = 	snop  }
0x7: {  	_ = 	snop  }
__scs_overlays_trampoline_lowered:
0x8: {  	[smem:$0x3FA8] =	sst s0  }
0x9: {  	[smem:$0x3FA9] =	sst s1  }
0xa: {  	[smem:$0x3FAA] =	sst s2  }
0xb: {  	[smem:$0x3FAB] =	sst s3  }
0xc: {  	[smem:$0x3FAC] =	sst s4  }
0xd: {  	[smem:$0x3FAD] =	sst s5  }
0xe: {  	[smem:$0x3FAE] =	sst s6  }
0xf: {  	[smem:$0x3FAF] =	sst s7  }
0x10: {  	[smem:$0x3FB0] =	sst s8  }
0x11: {  	[smem:$0x3FB1] =	sst s9;
	s0 =	simm.s32 @!p0 $0x0  }
0x12: {  	s1 =	sld [smem:$0x3F97];
	s0 =	simm.s32 @p0 $0x1  }
0x13: {  	[smem:$0x3FB2] =	sst s0;
	s0 =	simm.s32 @!p1 $0x0  }
0x14: {  	s2 =	sld [smem:$0x3F96];
	s0 =	simm.s32 @p1 $0x1  }
0x15: {  	[smem:$0x3FB3] =	sst s0;
	s0 =	simm.s32 @!p2 $0x0  }
0x16: {  	s3 =	sld [smem:$0x3FDB];
	s0 =	simm.s32 @p2 $0x1  }
0x17: {  	s4 =	simm.s32 $0x1BF5;
	[smem:$0x3FB5] =	sst s0  }
0x18: {  	s0 =	sld [smem:$0x3F98];
	_ =	swait.ge [sflag:s4], $0x0  }
0x19: {  	s7 =	sld [smem:$0x3F99]  }
0x1a: {  	s8 =	sadd.s32 $0xFFFFE003, lr  }
0x1b: {  	s9 =	sadd.s32 $0xFFFFFEF7, lr;
	s5 =	simm.s32 $0xFFFFFFFF;
	p2 =	slt.u32 s8, $0xFFFFF086  }
0x1c: {  	p1 =	slt.u32 s9, $0xF7A;
	s5 =	simm.s32 @!p2 $0x0  }
0x1d: {  	s5 =	simm.s32 @p1 $0x1;
	p0 =	seq.s32 s7, s2  }
0x1e: {  	s7 =	smul.u32 @!p0 $0xF7A, s2;
	p2 =	seq.s32 @!p0 s5, $0x0  }
0x1f: {  	s9 =	smul.u32 $0xF7A, s1;
	s8 =	simm.s32 @!p0 $0x1BF5;
	p2 =	por !p2, p0  }
0x20: {  	[sflag:s8] =	ssyncset.s32 @!p0 $0xFFFFF086;
	s6 =	sadd.s32 @!p0 s3, s7;
	s7 =	simm.s32 @!p0 $0x108  }
0x21: {  	s3 =	sadd.s32 s3, s9;
	s6 =	sadd.s32 @!p0 $0x88, s6;
	s7 =	simm.s32 @p2 $0x1082  }
0x22: {  	[simem:s7], [sflag:s8] =	dma.local @!p0 [hbm:s6], $0xF7A  }
0x23: {  	s9 =	sor.u32 $0xD0000000, s2;
	s6 =	simm.s32 $0x108;
	_ =	swait.ge @!p0 [sflag:s8], $0x0  }
0x24: {  	s3 =	sadd.s32 $0x88, s3;
	s6 =	simm.s32 @!p1 $0x1082;
	[sflag:s4] =	ssyncset.s32 $0xFFFFF086  }
0x25: {  	[simem:s6], [sflag:s4] =	dma.local [hbm:s3], $0xF7A  }
0x26: {  	[smem:$0x3F99] =	sst s1;
	(tag) =	ssettag s2;
	_ =	strace s9  }
0x27: {  	s1 =	sld [smem:$0x3FA9]  }
0x28: {  	s2 =	sld [smem:$0x3FAA]  }
0x29: {  	s4 =	sld [smem:$0x3FAC]  }
0x2a: {  	p0 =	seq.s32 s5, $0x0;
	s5 =	sld [smem:$0x3FAD]  }
0x2b: {  	s6 =	sld [smem:$0x3FAE]  }
0x2c: {  	s7 =	sld [smem:$0x3FAF]  }
0x2d: {  	s3 =	simm.s32 $0x108;
	s8 =	sld [smem:$0x3FB0]  }
0x2e: {  	s3 =	simm.s32 @!p0 $0x1082;
	s9 =	sld [smem:$0x3FB1]  }
0x2f: {  	lr =	sadd.s32 s0, s3;
	s0 =	sld [smem:$0x3FA8]  }
0x30: {  	s3 =	sld [smem:$0x3FAB]  }
0x31: {  	[smem:$0x3FB4] =	sst s10  }
0x32: {  	s10 =	sld [smem:$0x3FB2];
	_ =	sdelay $0x3  }
0x33: {  	p0 =	seq.s32 s10, $0x1;
	s10 =	sld [smem:$0x3FB4];
	_ =	sdelay $0x3  }
0x34: {  	[smem:$0x3FB4] =	sst s10  }
0x35: {  	s10 =	sld [smem:$0x3FB3];
	_ =	sdelay $0x3  }
0x36: {  	p1 =	seq.s32 s10, $0x1;
	s10 =	sld [smem:$0x3FB4];
	_ =	sdelay $0x3  }
0x37: {  	[smem:$0x3FB4] =	sst s10  }
0x38: {  	s10 =	sld [smem:$0x3FB5]  }
0x39: {  	_ = 	snop;
	(pc) =	sbr.ind lr, $3  }
0x3a: {  	_ = 	snop  }
0x3b: {  	_ = 	snop  }
0x3c: {  	p2 =	seq.s32 s10, $0x1;
	s10 =	sld [smem:$0x3FB4]  }
0x3d: {  	_ =	shalt  }
0x3e: {  	_ =	shalt  }
0x3f: {  	_ =	shalt  }
0x40: {  	_ =	shalt  }
0x41: {  	_ =	shalt  }
0x42: {  	_ =	shalt  }
0x43: {  	_ =	shalt  }
0x44: {  	_ =	shalt  }
0x45: {  	_ =	shalt  }
0x46: {  	_ =	shalt  }
0x47: {  	_ =	shalt  }
0x48: {  	_ =	shalt  }
0x49: {  	_ =	shalt  }
0x4a: {  	_ =	shalt  }
0x4b: {  	_ =	shalt  }
0x4c: {  	_ =	shalt  }
0x4d: {  	_ =	shalt  }
0x4e: {  	_ =	shalt  }
0x4f: {  	_ =	shalt  }
0x50: {  	_ =	shalt  }
0x51: {  	_ =	shalt  }
0x52: {  	_ =	shalt  }
0x53: {  	_ =	shalt  }
0x54: {  	_ =	shalt  }
0x55: {  	_ =	shalt  }
0x56: {  	_ =	shalt  }
0x57: {  	_ =	shalt  }
0x58: {  	_ =	shalt  }
0x59: {  	_ =	shalt  }
0x5a: {  	_ =	shalt  }
0x5b: {  	_ =	shalt  }
0x5c: {  	_ =	shalt  }
0x5d: {  	_ =	shalt  }
0x5e: {  	_ =	shalt  }
0x5f: {  	_ =	shalt  }
0x60: {  	_ =	shalt  }
0x61: {  	_ =	shalt  }
0x62: {  	_ =	shalt  }
0x63: {  	_ =	shalt  }
0x64: {  	_ =	shalt  }
0x65: {  	_ =	shalt  }
0x66: {  	_ =	shalt  }
0x67: {  	_ =	shalt  }
0x68: {  	_ =	shalt  }
0x69: {  	_ =	shalt  }
0x6a: {  	_ =	shalt  }
0x6b: {  	_ =	shalt  }
0x6c: {  	_ =	shalt  }
0x6d: {  	_ =	shalt  }
0x6e: {  	_ =	shalt  }
0x6f: {  	_ =	shalt  }
0x70: {  	_ =	shalt  }
0x71: {  	_ =	shalt  }
0x72: {  	_ =	shalt  }
0x73: {  	_ =	shalt  }
0x74: {  	_ =	shalt  }
0x75: {  	_ =	shalt  }
0x76: {  	_ =	shalt  }
0x77: {  	_ =	shalt  }
0x78: {  	_ =	shalt  }
0x79: {  	_ =	shalt  }
0x7a: {  	_ =	shalt  }
0x7b: {  	_ =	shalt  }
0x7c: {  	_ =	shalt  }
0x7d: {  	_ =	shalt  }
0x7e: {  	_ =	shalt  }
0x7f: {  	_ =	shalt  }
0x80: {  	_ =	shalt  }
0x81: {  	_ =	shalt  }
0x82: {  	_ =	shalt  }
0x83: {  	_ =	shalt  }
0x84: {  	_ =	shalt  }
0x85: {  	_ =	shalt  }
0x86: {  	_ =	shalt  }
0x87: {  	_ =	shalt  }
.Lfunc_end0:
.L_simem_size_0:
called_computation.3_lowered:
.L_overlay_start_0:
0x88: {  	s2 =	sld [smem:$0x3FD9]  }
0x89: {  	s3 =	sld [smem:$0x3FFE];
	_ =	sdelay $0x1  }
0x8a: {  	s1 =	srdreg.scid  }
0x8b: {  	s0 =	sand.u32 $0x1, s1  }
0x8c: {  	s14 =	sshll.u32 s0, $0xA;
	s2 =	sadd.s32 s3, s2  }
0x8d: {  	s2 =	sadd.s32 s2, s14  }
0x8e: {  	[smem:$0x3FC0] =	sst s2  }
0x8f: {  	_ = 	snop  }
0x90: {  	s2 =	sld [smem:$0x3FD0];
	_ =	sdelay $0x2  }
0x91: {  	s15 =	simm.s32 $0xA;
	s4 =	simm.s32 $0x10  }
0x92: {  	[smem:s4], [sflag:s15] =	dma.local [hbm:s2], $0x1  }
0x93: {  	_ =	swait.eq [sflag:s15], $0x1  }
0x94: {  	[sflag:s15] =	ssyncset.done $0x0  }
0x95: {  	s16 =	sld [smem:$0x10];
	[sflag:s15] =	ssyncadd.s32 $0xFFFFFFFF  }
0x96: {  	s17 =	sld [smem:$0x11];
	(tm) =	ssettm $0x1  }
0x97: {  	s18 =	sld [smem:$0x3FFB];
	_ =	sdelay $0x3  }
0x98: {  	_ =	strace s18  }
0x99: {  	s4 =	sld [smem:$0x3FFC];
	_ =	sdelay $0x3  }
0x9a: {  	_ =	strace s4  }
0x9b: {  	s4 =	sld [smem:$0x3FFD];
	_ =	sdelay $0x3  }
0x9c: {  	_ =	strace s4  }
0x9d: {  	_ =	strace $0x8FFFFFFF  }
0x9e: {  	s19 =	sld [smem:$0x3FDB];
	_ =	sdelay $0x1  }
0x9f: {  	s5 =	simm.s32 $_scs_section_size  }
0xa0: {  	s6 =	simm.s32 $_size__tile_overlayer_lowered;
	s7 =	simm.s32 $_tile_overlayer_lowered  }
0xa1: {  	s22 =	simm.s32 $0x1BFF;
	s21 =	sshll.u32 s7, $0x1;
	s4 =	sadd.s32 s5, s19  }
0xa2: {  	s8 =	simm.s32 $0x0;
	s20 =	sshll.u32 s6, $0x1;
	s6 =	sadd.s32 s21, s4  }
0xa3: {  	[timem:s8], [sflag:s22] =	dma.local [hbm:s6], s20  }
0xa4: {  	_ =	swait.ge [sflag:s22], s20  }
0xa5: {  	s5 =	ssub.s32 $0x0, s20;
	[sflag:s22] =	ssyncset.done $0x0  }
0xa6: {  	[sflag:s22] =	ssyncadd.s32 s5;
	_ =	sdelay $0x1  }
0xa7: {  	s23 =	simm.s32 $0x1B8B  }
0xa8: {  	_ =	swait.ge [sflag:s23], $0x1  }
0xa9: {  	[sflag:s23] =	ssyncset.done $0x0  }
0xaa: {  	s25 =	simm.s32 $0x1B8E;
	s24 =	sld [smem:$0x3FFE];
	[sflag:s23] =	ssyncadd.s32 $0xFFFFFFFF  }
0xab: {  	s26 =	simm.s32 $execute0_lowered;
	[smem:$0x3FD2] =	sst s25  }
0xac: {  	s6 =	sshll.u32 s26, $0x1;
	_ =	strace $0x8000004F;
	[dreg:$0x1] =	wrdreg $0xFFFFFFFF  }
0xad: {  	s28 =	simm.s32 $_size_execute0_lowered;
	s4 =	sadd.s32 s4, s6;
	[dreg:$0x0] =	wrdreg $0x0  }
0xae: {  	s6 =	sshll.u32 s28, $0x1;
	[dreg:$0x2] =	wrdreg s4  }
0xaf: {  	[dreg:$0x3] =	wrdreg s6  }
0xb0: {  	[dreg:$0x4] =	wrdreg $0xC0  }
0xb1: {  	_ =	task [dreg:s8], $0x5FFFF  }
0xb2: {  	[dreg:$0x1] =	wrdreg $0xFFFFFFFF  }
0xb3: {  	[dreg:$0x0] =	wrdreg $0x60  }
0xb4: {  	[dreg:$0x2] =	wrdreg s24  }
0xb5: {  	[dreg:$0x3] =	wrdreg s16  }
0xb6: {  	[dreg:$0x4] =	wrdreg s17  }
0xb7: {  	[dreg:$0x5] =	wrdreg $0xA0000  }
0xb8: {  	[dreg:$0x6] =	wrdreg $0x9  }
0xb9: {  	_ =	task.clear_ibuf [dreg:s8], $0x7FFFF;
	_ =	strace $0x9000004F  }
0xba: {  	s29 =	simm.s32 $0x9;
	_ =	strace $0x80000051  }
0xbb: {  	_ =	swait.ge [sflag:s29], $0x1  }
0xbc: {  	[sflag:s29] =	ssyncadd.s32 $0xFFFFFFFF  }
0xbd: {  	_ =	strace $0x90000051  }
0xbe: {  	_ =	sfence  }
0xbf: {  	s30 =	sld [smem:$0x0];
	_ =	sdelay $0x2  }
0xc0: {  	s31 =	sshll.u32 s1, $0xD;
	s1 =	sshrl.u32 s1, $0x2  }
0xc1: {  	s3 =	sand.u32 $0x4000, s31;
	s1 =	sadd.s32 s1, s30  }
0xc2: {  	s0 =	sor.u32 s3, s0;
	s1 =	sshll.u32 s1, $0x11  }
0xc3: {  	s0 =	sor.u32 s1, s0  }
0xc4: {  	s0 =	sadd.s32 $0x8F2B, s0  }
0xc5: {  	[sflag:s0] =	ssyncadd.remote.s32 $0x1  }
0xc6: {  	_ =	sfence.sel $0xFFFF  }
0xc7: {  	[dreg:$0x0] =	wrdreg $0xFFFFFFFF;
	(pc) =	sbr.abs _section_cstart, $3  }
0xc8: {  	[dreg:$0x1] =	wrdreg $0xFFFFFFFF  }
0xc9: {  	_ =	task.clear_ibuf [dreg:s8], $0x2FFFF;
	_ =	strace $0x9FFFFFFF  }
0xca: {  	(tm) =	ssettm $0x7FFFFFFF  }
0xcb: {  	_ =	shalt  }
tec
execute0_lowered:
.L_overlay_start_1:
0x0: {  	(tag) =	ssettag $0x1  }
0x1: {  	s9 =	rddreg [dreg:$0x0]  }
0x2: {  	s1 =	rddreg [dreg:$0x1]  }
0x3: {  	s3 =	rddreg [dreg:$0x2]  }
0x4: {  	s4 =	rddreg [dreg:$0x3]  }
0x5: {  	s6 =	srdreg.scid;
	s0 =	stileid.u32;
	s5 =	simm.s32 $0x0  }
0x6: {  	s16 =	simm.s32 $0x1000;
	s17 =	simm.s32 $0x800;
	s18 =	simm.s32 $0x1800  }
0x7: {  	s20 =	simm.s32 $0x5;
	s21 =	simm.s32 $0x3;
	s22 =	simm.s32 $0x80  }
0x8: {  	s23 =	simm.s32 $0x2000;
	s24 =	simm.s32 $0x0;
	s8 =	smul.u32 $0x2800, s0  }
0x9: {  	s10 =	sand.u32 $0x1, s6;
	[smem:$0x7FF] =	sst s5;
	s13 =	smul.u32 $0x50000, s0  }
0xa: {  	s6 =	sadd.s32 $0xC800, s9;
	s11 =	smul.u32 $0x28000, s10;
	s7 =	sshll.u32 s10, $0x4  }
0xb: {  	s31 =	sshll.u32 s0, $0x6;
	_ =	strace $0x80000050;
	s12 =	sor.u32 s0, s7  }
0xc: {  	s26 =	ssub.s32 $0x2, s10;
	s11 =	sadd.s32 s8, s11;
	s8 =	smul.u32 $0x2800, s12  }
0xd: {  	s7 =	sadd.s32 $0x2800, s9;
	s29 =	sshrl.u32 s26, $0x1;
	s28 =	smul.u32 $0x500, s12  }
.Ltmp0:
0xe: {  	s13 =	sshrl.u32 s13, $0x2;
	s15 =	ssub.s32 s26, s29;
	(pc) =	sbr.rel .LBB2_1-.Ltmp0, $4  }
0xf: {  	s19 =	sadd.s32 s13, s4;
	s13 =	sor.u32 $0x1C05, s31;
	s14 =	sadd.s32 s11, s9  }
0x10: {  	s15 =	smax.u32 s15, $0x1;
	s19 =	sshrl.u32 s19, $0x3;
	s30 =	sshrl.u32 s8, $0x3  }
0x11: {  	s9 =	sadd.s32 s7, s28;
	s10 =	sadd.s32 s1, s28;
	s12 =	sadd.s32 $0x100, s30  }
0x12: {  	s14 =	sadd.s32 $0x34800, s14;
	s11 =	sadd.s32 s7, s12;
	s12 =	sadd.s32 s1, s12  }
.LBB2_8:
0x13: {  	s24 =	sadd.s32 $0x1, s24  }
0x14: {  	p0 =	sne.s32 s24, s15  }
.Ltmp1:
0x15: {  	[bflag:$0x0] =	sbarrier.arrive $0xFFFF;
	(pc) =	sbr.rel @!p0 .LBB2_9-.Ltmp1, $4  }
0x16: {  	[hbm:s14], [sflag:s13] =	dma.local [spmem:s19], $0x2800  }
0x17: {  	_ =	swait.ge [sflag:s20], $0x2800  }
0x18: {  	[sflag:s20] =	ssyncset.done $0x0  }
0x19: {  	[sflag:s20] =	ssyncadd.s32 $0xFFFFD800  }
.LBB2_1:
0x1a: {  	[tilespmem:s5], [sflag:$0x3] =	stream.linear.gather [hbm4b:s9+s5], $0x800, $0x38;
	[tilespmem:$0x1E000] =	vst v63  }
0x1b: {  	_ = 	snop  }
0x1c: {  	[tilespmem:s16], [sflag:$0x3] =	stream.linear.gather [hbm4b:s10+s5], $0x800, $0x38;
	[tilespmem:$0x1E000] =	vst v63  }
0x1d: {  	_ = 	snop  }
0x1e: {  	[tilespmem:s17], [sflag:$0x4] =	stream.linear.gather [hbm4b:s11+s5], $0x800, $0x38;
	[tilespmem:$0x1E000] =	vst v63  }
0x1f: {  	_ = 	snop  }
0x20: {  	[tilespmem:s18], [sflag:$0x4] =	stream.linear.gather [hbm4b:s12+s5], $0x800, $0x38;
	[tilespmem:$0x1E000] =	vst v63  }
0x21: {  	[spmem:s19], [sflag:s13] =	dma.local [hbm:s3], $0x2800  }
0x22: {  	_ =	swait.ge [sflag:s20], $0x2800  }
0x23: {  	[sflag:s20] =	ssyncset.done $0x0  }
0x24: {  	[sflag:s20] =	ssyncadd.s32 $0xFFFFD800  }
0x25: {  	_ =	swait.ge [sflag:s21], $0x800  }
0x26: {  	[sflag:s21] =	ssyncset.done $0x0  }
0x27: {  	[sflag:s21] =	ssyncadd.s32 $0xFFFFF800  }
0x28: {  	_ =	swait.ge [sflag:s21], $0x800  }
.Ltmp2:
0x29: {  	[sflag:s21] =	ssyncset.done $0x0;
	(pc) =	sbr.rel .LBB2_2-.Ltmp2, $4  }
0x2a: {  	[sflag:s21] =	ssyncadd.s32 $0xFFFFF800  }
0x2b: {  	[tilespmem:s23], [sflag:$0x1] =	stream.indirect.gather [hbm4b:s6+s22], $0x80, s5, s22, $0xb8;
	[tilespmem:$0x1E000] =	vst v63  }
0x2c: {  	[bflag:$0x0] =	sbarrier.arrive $0xFFFF  }
0x2d: {  	s26 =	simm.s32 $0x0  }
.LBB2_3:
0x2e: {  	s29 =	sadd.s32 $0x1, s28  }
0x2f: {  	s30 =	sshll.u32 s29, $0xB  }
0x30: {  	s30 =	sadd.s32 s8, s30  }
0x31: {  	s29 =	sand.u32 $0x1, s29;
	s30 =	sshrl.u32 s30, $0x3  }
0x32: {  	s31 =	sadd.s32 $0x3, s29;
	s29 =	sshll.u32 s29, $0xB;
	s0 =	sadd.s32 s7, s30  }
0x33: {  	[tilespmem:s29], [sflag:s31] =	stream.linear.gather [hbm4b:s0+s5], $0x800, $0x38;
	[tilespmem:$0x1E000] =	vst v63  }
0x34: {  	s2 =	sor.u32 $0x1000, s29;
	s29 =	sadd.s32 s1, s30  }
0x35: {  	[tilespmem:s2], [sflag:s31] =	stream.linear.gather [hbm4b:s29+s5], $0x800, $0x38;
	[tilespmem:$0x1E000] =	vst v63  }
0x36: {  	s30 =	smov.u32 s28;
	s29 =	sor.u32 $0x1, s26  }
.LBB2_6:
0x37: {  	s0 =	sand.u32 $0xF, s29  }
0x38: {  	s30 =	sand.u32 $0x1, s30;
	p0 =	sne.s32 s0, $0x0  }
0x39: {  	s31 =	sadd.s32 @!p0 $0x3, s30  }
0x3a: {  	_ =	swait.ge @!p0 [sflag:s31], $0x800  }
0x3b: {  	[sflag:s31] =	ssyncset.done @!p0 $0x0  }
0x3c: {  	[sflag:s31] =	ssyncadd.s32 @!p0 $0xFFFFF800  }
0x3d: {  	_ =	swait.ge @!p0 [sflag:s31], $0x800  }
0x3e: {  	[sflag:s31] =	ssyncset.done @!p0 $0x0  }
0x3f: {  	[sflag:s31] =	ssyncadd.s32 @!p0 $0xFFFFF800;
	s31 =	sand.u32 $0x1, s29  }
0x40: {  	s0 =	sshll.u32 s0, $0x7;
	s30 =	sshll.u32 s30, $0xB;
	s2 =	sshll.u32 s31, $0xE  }
0x41: {  	s0 =	sor.u32 s0, s30;
	s31 =	sadd.s32 $0x1, s31;
	s2 =	sor.u32 $0x2000, s2  }
0x42: {  	[tilespmem:s2], [sflag:s31] =	stream.indirect.gather [hbm4b:s6+s22], $0x80, s0, s22, $0xb8;
	[tilespmem:$0x1E000] =	vst v63  }
.LBB2_7:
0x43: {  	s0 =	sand.u32 $0x1, s26;
	s30 =	sshll.u32 s28, $0xB  }
0x44: {  	s25 =	sshll.u32 s25, $0x7;
	p0 =	slt.u32 s29, $0x50;
	s2 =	sadd.s32 $0x1, s0  }
0x45: {  	s26 =	sand.u32 $0x800, s30;
	s0 =	sshll.u32 s0, $0xE;
	_ =	swait.ge [sflag:s2], $0x4000  }
0x46: {  	s25 =	sor.u32 s25, s26;
	s0 =	sor.u32 $0x2000, s0;
	[sflag:s2] =	ssyncset.done $0x0  }
.Ltmp3:
0x47: {  	s31 =	sor.u32 $0x1000, s25;
	[sflag:s2] =	ssyncadd.s32 $0xFFFFC000;
	(pc) =	sbr.rel @!p0 .LBB2_8-.Ltmp3, $4  }
0x48: {  	[spmem:s4] =	stream.indirect.scatter.add.f32 [tilespmem:s0], [sflag:$0x5], $0x80, s31, s22, $0xb8;
	[tilespmem:$0x1E000] =	vst v63  }
0x49: {  	_ =	swait.ge [sflag:s20], $0x4000  }
0x4a: {  	[sflag:s20] =	ssyncset.done $0x0  }
0x4b: {  	s26 =	smov.u32 s29;
	[sflag:s20] =	ssyncadd.s32 $0xFFFFC000  }
.LBB2_2:
0x4c: {  	s25 =	sand.u32 $0xF, s26  }
0x4d: {  	s28 =	sadd.s32 $0xFFFFFFF0, s26;
	p0 =	sne.s32 s25, $0x0  }
0x4e: {  	p1 =	sgt.u32 @!p0 s28, $0x2F  }
0x4f: {  	p0 =	por p0, p1  }
.Ltmp4:
0x50: {  	_ = 	snop;
	(pc) =	sbr.rel @!p0 .LBB2_3-.Ltmp4, $2  }
0x51: {  	_ =	sdelay $0x2  }
0x52: {  	s28 =	sshrl.u32 s26, $0x4  }
0x53: {  	p0 =	seq.s32 s26, $0x4F  }
.Ltmp5:
0x54: {  	_ = 	snop;
	(pc) =	sbr.rel @p0 .LBB2_7-.Ltmp5, $2  }
0x55: {  	_ =	sdelay $0x2  }
0x56: {  	s29 =	simm.s32 $0x50  }
.Ltmp6:
0x57: {  	(pc) =	sbr.rel .LBB2_6-.Ltmp6, $3  }
0x58: {  	_ =	sdelay $0x1  }
0x59: {  	s29 =	sadd.s32 $0x1, s26  }
0x5a: {  	s30 =	sshrl.u32 s29, $0x4  }
.LBB2_9:
0x5b: {  	_ =	sfence.sel $0x180000  }
0x5c: {  	[bflag:$0x0] =	sbarrier.arrive $0xFFFF  }
0x5d: {  	_ =	strace $0x90000050  }
0x5e: {  	s0 =	stileid.u32;
	[bflag:$0x2] =	sbarrier.arrive $0xFFFF  }
0x5f: {  	p0 =	sne.s32 s0, $0x0;
	s0 =	rddreg [dreg:$0x4]  }
0x60: {  	s0 =	sadd.s32 @!p0 $0x100000, s0  }
0x61: {  	[sflag:s0] =	ssyncadd.tile.s32 @!p0 $0x1;
	_ =	shalt  }
.Lfunc_end2:
_tile_overlayer_lowered:
.L_overlay_start_2:
0x62: {  	(tag) =	ssettag $0x2  }
0x63: {  	s0 =	rddreg [dreg:$0x0];
	s2 =	stileid.u32  }
0x64: {  	s1 =	rddreg [dreg:$0x1];
	p0 =	sne.s32 s2, $0x0  }
0x65: {  	s3 =	rddreg [dreg:$0x2];
	[bflag:$0x3] =	sbarrier.arrive $0xFFFF;
	s2 =	simm.s32 @!p0 $0x1C05  }
0x66: {  	[timem:s3], [sflag:s2] =	dma.local @!p0 [hbm:s0], s1  }
0x67: {  	s0 =	simm.s32 @!p0 $0x5  }
0x68: {  	_ =	swait.ge @!p0 [sflag:s0], s1  }
0x69: {  	s1 =	ssub.s32 @!p0 $0x0, s1;
	[sflag:s0] =	ssyncset.done @!p0 $0x0  }
0x6a: {  	[sflag:s0] =	ssyncadd.s32 @!p0 s1  }
0x6b: {  	[bflag:$0x3] =	sbarrier.arrive $0xFFFF  }
0x6c: {  	_ =	shalt  }

// kernel: kernel.24.cloned.1.call-start
scs
__scs_entry_jumppad:
0x0: {  	(pc) =	sbr.rel $0x88, $3  }
0x1: {  	(tag) =	ssettag $0x0;
	lr =	simm.s32 $0x1  }
0x2: {  	[smem:$0x3F99] =	sst lr;
	_ =	strace $0xD0000000  }
0x3: {  	_ = 	snop  }
0x4: {  	_ = 	snop  }
0x5: {  	_ = 	snop  }
0x6: {  	_ = 	snop  }
0x7: {  	_ = 	snop  }
__scs_overlays_trampoline_lowered:
0x8: {  	[smem:$0x3FA8] =	sst s0  }
0x9: {  	[smem:$0x3FA9] =	sst s1  }
0xa: {  	[smem:$0x3FAA] =	sst s2  }
0xb: {  	[smem:$0x3FAB] =	sst s3  }
0xc: {  	[smem:$0x3FAC] =	sst s4  }
0xd: {  	[smem:$0x3FAD] =	sst s5  }
0xe: {  	[smem:$0x3FAE] =	sst s6  }
0xf: {  	[smem:$0x3FAF] =	sst s7  }
0x10: {  	[smem:$0x3FB0] =	sst s8  }
0x11: {  	[smem:$0x3FB1] =	sst s9;
	s0 =	simm.s32 @!p0 $0x0  }
0x12: {  	s1 =	sld [smem:$0x3F97];
	s0 =	simm.s32 @p0 $0x1  }
0x13: {  	[smem:$0x3FB2] =	sst s0;
	s0 =	simm.s32 @!p1 $0x0  }
0x14: {  	s2 =	sld [smem:$0x3F96];
	s0 =	simm.s32 @p1 $0x1  }
0x15: {  	[smem:$0x3FB3] =	sst s0;
	s0 =	simm.s32 @!p2 $0x0  }
0x16: {  	s3 =	sld [smem:$0x3FDB];
	s0 =	simm.s32 @p2 $0x1  }
0x17: {  	s4 =	simm.s32 $0x1BF5;
	[smem:$0x3FB5] =	sst s0  }
0x18: {  	s0 =	sld [smem:$0x3F98];
	_ =	swait.ge [sflag:s4], $0x0  }
0x19: {  	s7 =	sld [smem:$0x3F99]  }
0x1a: {  	s8 =	sadd.s32 $0xFFFFE003, lr  }
0x1b: {  	s9 =	sadd.s32 $0xFFFFFEF7, lr;
	s5 =	simm.s32 $0xFFFFFFFF;
	p2 =	slt.u32 s8, $0xFFFFF086  }
0x1c: {  	p1 =	slt.u32 s9, $0xF7A;
	s5 =	simm.s32 @!p2 $0x0  }
0x1d: {  	s5 =	simm.s32 @p1 $0x1;
	p0 =	seq.s32 s7, s2  }
0x1e: {  	s7 =	smul.u32 @!p0 $0xF7A, s2;
	p2 =	seq.s32 @!p0 s5, $0x0  }
0x1f: {  	s9 =	smul.u32 $0xF7A, s1;
	s8 =	simm.s32 @!p0 $0x1BF5;
	p2 =	por !p2, p0  }
0x20: {  	[sflag:s8] =	ssyncset.s32 @!p0 $0xFFFFF086;
	s6 =	sadd.s32 @!p0 s3, s7;
	s7 =	simm.s32 @!p0 $0x108  }
0x21: {  	s3 =	sadd.s32 s3, s9;
	s6 =	sadd.s32 @!p0 $0x88, s6;
	s7 =	simm.s32 @p2 $0x1082  }
0x22: {  	[simem:s7], [sflag:s8] =	dma.local @!p0 [hbm:s6], $0xF7A  }
0x23: {  	s9 =	sor.u32 $0xD0000000, s2;
	s6 =	simm.s32 $0x108;
	_ =	swait.ge @!p0 [sflag:s8], $0x0  }
0x24: {  	s3 =	sadd.s32 $0x88, s3;
	s6 =	simm.s32 @!p1 $0x1082;
	[sflag:s4] =	ssyncset.s32 $0xFFFFF086  }
0x25: {  	[simem:s6], [sflag:s4] =	dma.local [hbm:s3], $0xF7A  }
0x26: {  	[smem:$0x3F99] =	sst s1;
	(tag) =	ssettag s2;
	_ =	strace s9  }
0x27: {  	s1 =	sld [smem:$0x3FA9]  }
0x28: {  	s2 =	sld [smem:$0x3FAA]  }
0x29: {  	s4 =	sld [smem:$0x3FAC]  }
0x2a: {  	p0 =	seq.s32 s5, $0x0;
	s5 =	sld [smem:$0x3FAD]  }
0x2b: {  	s6 =	sld [smem:$0x3FAE]  }
0x2c: {  	s7 =	sld [smem:$0x3FAF]  }
0x2d: {  	s3 =	simm.s32 $0x108;
	s8 =	sld [smem:$0x3FB0]  }
0x2e: {  	s3 =	simm.s32 @!p0 $0x1082;
	s9 =	sld [smem:$0x3FB1]  }
0x2f: {  	lr =	sadd.s32 s0, s3;
	s0 =	sld [smem:$0x3FA8]  }
0x30: {  	s3 =	sld [smem:$0x3FAB]  }
0x31: {  	[smem:$0x3FB4] =	sst s10  }
0x32: {  	s10 =	sld [smem:$0x3FB2];
	_ =	sdelay $0x3  }
0x33: {  	p0 =	seq.s32 s10, $0x1;
	s10 =	sld [smem:$0x3FB4];
	_ =	sdelay $0x3  }
0x34: {  	[smem:$0x3FB4] =	sst s10  }
0x35: {  	s10 =	sld [smem:$0x3FB3];
	_ =	sdelay $0x3  }
0x36: {  	p1 =	seq.s32 s10, $0x1;
	s10 =	sld [smem:$0x3FB4];
	_ =	sdelay $0x3  }
0x37: {  	[smem:$0x3FB4] =	sst s10  }
0x38: {  	s10 =	sld [smem:$0x3FB5]  }
0x39: {  	_ = 	snop;
	(pc) =	sbr.ind lr, $3  }
0x3a: {  	_ = 	snop  }
0x3b: {  	_ = 	snop  }
0x3c: {  	p2 =	seq.s32 s10, $0x1;
	s10 =	sld [smem:$0x3FB4]  }
0x3d: {  	_ =	shalt  }
0x3e: {  	_ =	shalt  }
0x3f: {  	_ =	shalt  }
0x40: {  	_ =	shalt  }
0x41: {  	_ =	shalt  }
0x42: {  	_ =	shalt  }
0x43: {  	_ =	shalt  }
0x44: {  	_ =	shalt  }
0x45: {  	_ =	shalt  }
0x46: {  	_ =	shalt  }
0x47: {  	_ =	shalt  }
0x48: {  	_ =	shalt  }
0x49: {  	_ =	shalt  }
0x4a: {  	_ =	shalt  }
0x4b: {  	_ =	shalt  }
0x4c: {  	_ =	shalt  }
0x4d: {  	_ =	shalt  }
0x4e: {  	_ =	shalt  }
0x4f: {  	_ =	shalt  }
0x50: {  	_ =	shalt  }
0x51: {  	_ =	shalt  }
0x52: {  	_ =	shalt  }
0x53: {  	_ =	shalt  }
0x54: {  	_ =	shalt  }
0x55: {  	_ =	shalt  }
0x56: {  	_ =	shalt  }
0x57: {  	_ =	shalt  }
0x58: {  	_ =	shalt  }
0x59: {  	_ =	shalt  }
0x5a: {  	_ =	shalt  }
0x5b: {  	_ =	shalt  }
0x5c: {  	_ =	shalt  }
0x5d: {  	_ =	shalt  }
0x5e: {  	_ =	shalt  }
0x5f: {  	_ =	shalt  }
0x60: {  	_ =	shalt  }
0x61: {  	_ =	shalt  }
0x62: {  	_ =	shalt  }
0x63: {  	_ =	shalt  }
0x64: {  	_ =	shalt  }
0x65: {  	_ =	shalt  }
0x66: {  	_ =	shalt  }
0x67: {  	_ =	shalt  }
0x68: {  	_ =	shalt  }
0x69: {  	_ =	shalt  }
0x6a: {  	_ =	shalt  }
0x6b: {  	_ =	shalt  }
0x6c: {  	_ =	shalt  }
0x6d: {  	_ =	shalt  }
0x6e: {  	_ =	shalt  }
0x6f: {  	_ =	shalt  }
0x70: {  	_ =	shalt  }
0x71: {  	_ =	shalt  }
0x72: {  	_ =	shalt  }
0x73: {  	_ =	shalt  }
0x74: {  	_ =	shalt  }
0x75: {  	_ =	shalt  }
0x76: {  	_ =	shalt  }
0x77: {  	_ =	shalt  }
0x78: {  	_ =	shalt  }
0x79: {  	_ =	shalt  }
0x7a: {  	_ =	shalt  }
0x7b: {  	_ =	shalt  }
0x7c: {  	_ =	shalt  }
0x7d: {  	_ =	shalt  }
0x7e: {  	_ =	shalt  }
0x7f: {  	_ =	shalt  }
0x80: {  	_ =	shalt  }
0x81: {  	_ =	shalt  }
0x82: {  	_ =	shalt  }
0x83: {  	_ =	shalt  }
0x84: {  	_ =	shalt  }
0x85: {  	_ =	shalt  }
0x86: {  	_ =	shalt  }
0x87: {  	_ =	shalt  }
.Lfunc_end0:
.L_simem_size_0:
called_computation.4_lowered:
.L_overlay_start_0:
0x88: {  	s2 =	sld [smem:$0x3FD9]  }
0x89: {  	s3 =	sld [smem:$0x3FFE];
	_ =	sdelay $0x1  }
0x8a: {  	s1 =	srdreg.scid  }
0x8b: {  	s0 =	sand.u32 $0x1, s1  }
0x8c: {  	s14 =	sshll.u32 s0, $0xA;
	s2 =	sadd.s32 s3, s2  }
0x8d: {  	s2 =	sadd.s32 s2, s14  }
0x8e: {  	[smem:$0x3FC0] =	sst s2  }
0x8f: {  	_ = 	snop  }
0x90: {  	s2 =	sld [smem:$0x3FD0];
	_ =	sdelay $0x2  }
0x91: {  	s15 =	simm.s32 $0xA;
	s4 =	simm.s32 $0x10  }
0x92: {  	[smem:s4], [sflag:s15] =	dma.local [hbm:s2], $0x1  }
0x93: {  	_ =	swait.eq [sflag:s15], $0x1  }
0x94: {  	[sflag:s15] =	ssyncset.done $0x0  }
0x95: {  	[sflag:s15] =	ssyncadd.s32 $0xFFFFFFFF  }
0x96: {  	s16 =	sld [smem:$0x10];
	(tm) =	ssettm $0x1  }
0x97: {  	s17 =	sld [smem:$0x3FFB];
	_ =	sdelay $0x3  }
0x98: {  	_ =	strace s17  }
0x99: {  	s3 =	sld [smem:$0x3FFC];
	_ =	sdelay $0x3  }
0x9a: {  	_ =	strace s3  }
0x9b: {  	s3 =	sld [smem:$0x3FFD];
	_ =	sdelay $0x3  }
0x9c: {  	_ =	strace s3  }
0x9d: {  	_ =	strace $0x8FFFFFFF  }
0x9e: {  	s18 =	sld [smem:$0x3FDB];
	_ =	sdelay $0x1  }
0x9f: {  	s19 =	simm.s32 $_scs_section_size  }
0xa0: {  	s5 =	simm.s32 $_size__tile_overlayer_lowered;
	s6 =	simm.s32 $_tile_overlayer_lowered  }
0xa1: {  	s22 =	simm.s32 $0x1BFF;
	s21 =	sshll.u32 s6, $0x1;
	s3 =	sadd.s32 s19, s18  }
0xa2: {  	s7 =	simm.s32 $0x0;
	s20 =	sshll.u32 s5, $0x1;
	s5 =	sadd.s32 s21, s3  }
0xa3: {  	[timem:s7], [sflag:s22] =	dma.local [hbm:s5], s20  }
0xa4: {  	_ =	swait.ge [sflag:s22], s20  }
0xa5: {  	s4 =	ssub.s32 $0x0, s20;
	[sflag:s22] =	ssyncset.done $0x0  }
0xa6: {  	[sflag:s22] =	ssyncadd.s32 s4;
	_ =	sdelay $0x1  }
0xa7: {  	s23 =	simm.s32 $0x1B8B  }
0xa8: {  	_ =	swait.ge [sflag:s23], $0x1  }
0xa9: {  	[sflag:s23] =	ssyncset.done $0x0  }
0xaa: {  	s25 =	simm.s32 $0x1B8E;
	s24 =	sld [smem:$0x3FFE];
	[sflag:s23] =	ssyncadd.s32 $0xFFFFFFFF  }
0xab: {  	s26 =	simm.s32 $execute0_lowered;
	[smem:$0x3FD2] =	sst s25  }
0xac: {  	s5 =	sshll.u32 s26, $0x1;
	_ =	strace $0x80000052;
	[dreg:$0x1] =	wrdreg $0xFFFFFFFF  }
0xad: {  	s28 =	simm.s32 $_size_execute0_lowered;
	s3 =	sadd.s32 s3, s5;
	[dreg:$0x0] =	wrdreg $0x0  }
0xae: {  	s5 =	sshll.u32 s28, $0x1;
	[dreg:$0x2] =	wrdreg s3  }
0xaf: {  	[dreg:$0x3] =	wrdreg s5  }
0xb0: {  	[dreg:$0x4] =	wrdreg $0xC0  }
0xb1: {  	_ =	task [dreg:s7], $0x5FFFF  }
0xb2: {  	[dreg:$0x1] =	wrdreg $0xFFFFFFFF  }
0xb3: {  	[dreg:$0x0] =	wrdreg $0x60  }
0xb4: {  	[dreg:$0x2] =	wrdreg s24  }
0xb5: {  	[dreg:$0x3] =	wrdreg s16  }
0xb6: {  	[dreg:$0x4] =	wrdreg $0x50000  }
0xb7: {  	[dreg:$0x5] =	wrdreg $0x9  }
0xb8: {  	_ =	task.clear_ibuf [dreg:s7], $0x6FFFF;
	_ =	strace $0x90000052  }
0xb9: {  	s29 =	simm.s32 $0x9;
	_ =	strace $0x80000054  }
0xba: {  	_ =	swait.ge [sflag:s29], $0x1  }
0xbb: {  	[sflag:s29] =	ssyncadd.s32 $0xFFFFFFFF  }
0xbc: {  	_ =	strace $0x90000054  }
0xbd: {  	_ =	sfence  }
0xbe: {  	s30 =	sld [smem:$0x0];
	_ =	sdelay $0x2  }
0xbf: {  	s31 =	sshll.u32 s1, $0xD;
	s1 =	sshrl.u32 s1, $0x2  }
0xc0: {  	s3 =	sand.u32 $0x4000, s31;
	s1 =	sadd.s32 s1, s30  }
0xc1: {  	s0 =	sor.u32 s3, s0;
	s1 =	sshll.u32 s1, $0x11  }
0xc2: {  	s0 =	sor.u32 s1, s0  }
0xc3: {  	s0 =	sadd.s32 $0x8F2B, s0  }
0xc4: {  	[sflag:s0] =	ssyncadd.remote.s32 $0x1  }
0xc5: {  	_ =	sfence.sel $0xFFFF  }
0xc6: {  	[dreg:$0x0] =	wrdreg $0xFFFFFFFF;
	(pc) =	sbr.abs _section_cstart, $3  }
0xc7: {  	[dreg:$0x1] =	wrdreg $0xFFFFFFFF  }
0xc8: {  	_ =	task.clear_ibuf [dreg:s7], $0x2FFFF;
	_ =	strace $0x9FFFFFFF  }
0xc9: {  	(tm) =	ssettm $0x7FFFFFFF  }
tec
execute0_lowered:
.L_overlay_start_1:
0x0: {  	(tag) =	ssettag $0x1  }
0x1: {  	s9 =	rddreg [dreg:$0x0]  }
0x2: {  	s1 =	rddreg [dreg:$0x1]  }
0x3: {  	s3 =	rddreg [dreg:$0x2]  }
0x4: {  	s4 =	simm.s32 $0x0;
	s5 =	srdreg.scid;
	s0 =	stileid.u32  }
0x5: {  	s17 =	simm.s32 $0x800;
	s18 =	simm.s32 $0x1800;
	s20 =	simm.s32 $0x5  }
0x6: {  	s21 =	simm.s32 $0x3;
	s22 =	simm.s32 $0x80;
	s23 =	simm.s32 $0x2000  }
0x7: {  	s24 =	simm.s32 $0x0;
	[smem:$0x7FF] =	sst s4;
	s8 =	smul.u32 $0xF00, s0  }
0x8: {  	s10 =	sand.u32 $0x1, s5;
	s5 =	sadd.s32 $0xC800, s9;
	s13 =	smul.u32 $0x1E000, s0  }
0x9: {  	s6 =	sadd.s32 $0x2800, s9;
	s11 =	smul.u32 $0xF000, s10;
	s7 =	sshll.u32 s10, $0x4  }
0xa: {  	s31 =	sshll.u32 s0, $0x6;
	_ =	strace $0x80000053;
	s12 =	sor.u32 s0, s7  }
0xb: {  	s26 =	ssub.s32 $0x2, s10;
	s11 =	sadd.s32 s8, s11;
	s8 =	smul.u32 $0x2800, s12  }
0xc: {  	s7 =	sadd.s32 $0x1B800, s9;
	s29 =	sshrl.u32 s26, $0x1;
	s28 =	smul.u32 $0x500, s12  }
.Ltmp0:
0xd: {  	s13 =	sshrl.u32 s13, $0x2;
	s15 =	ssub.s32 s26, s29;
	(pc) =	sbr.rel .LBB2_1-.Ltmp0, $4  }
0xe: {  	s19 =	sadd.s32 s13, s3;
	s13 =	sor.u32 $0x1C05, s31;
	s14 =	sadd.s32 s11, s9  }
0xf: {  	s15 =	smax.u32 s15, $0x1;
	s19 =	sshrl.u32 s19, $0x3;
	s30 =	sshrl.u32 s8, $0x3  }
0x10: {  	s9 =	sadd.s32 s6, s28;
	s10 =	sadd.s32 s1, s28;
	s12 =	sadd.s32 $0x100, s30  }
0x11: {  	s14 =	sadd.s32 $0x1C800, s14;
	s11 =	sadd.s32 s6, s12;
	s12 =	sadd.s32 s1, s12  }
.LBB2_8:
0x12: {  	s24 =	sadd.s32 $0x1, s24  }
0x13: {  	p0 =	sne.s32 s24, s15  }
.Ltmp1:
0x14: {  	[bflag:$0x0] =	sbarrier.arrive $0xFFFF;
	(pc) =	sbr.rel @!p0 .LBB2_9-.Ltmp1, $4  }
0x15: {  	[hbm:s14], [sflag:s13] =	dma.local [spmem:s19], $0xF00  }
0x16: {  	_ =	swait.ge [sflag:s20], $0xF00  }
0x17: {  	[sflag:s20] =	ssyncset.done $0x0  }
0x18: {  	[sflag:s20] =	ssyncadd.s32 $0xFFFFF100  }
.LBB2_1:
0x19: {  	[tilespmem:s4], [sflag:$0x3] =	stream.linear.gather [hbm4b:s9+s4], $0x800, $0x38;
	[tilespmem:$0xC800] =	vst v63  }
0x1a: {  	s0 =	simm.s32 $0x1000  }
0x1b: {  	[tilespmem:s0], [sflag:$0x3] =	stream.linear.gather [hbm4b:s10+s4], $0x800, $0x38;
	[tilespmem:$0xC800] =	vst v63  }
0x1c: {  	_ = 	snop  }
0x1d: {  	[tilespmem:s17], [sflag:$0x4] =	stream.linear.gather [hbm4b:s11+s4], $0x800, $0x38;
	[tilespmem:$0xC800] =	vst v63  }
0x1e: {  	_ = 	snop  }
0x1f: {  	[tilespmem:s18], [sflag:$0x4] =	stream.linear.gather [hbm4b:s12+s4], $0x800, $0x38;
	[tilespmem:$0xC800] =	vst v63  }
0x20: {  	[spmem:s19], [sflag:s13] =	dma.local [hbm:s7], $0xF00  }
0x21: {  	_ =	swait.ge [sflag:s20], $0xF00  }
0x22: {  	[sflag:s20] =	ssyncset.done $0x0  }
0x23: {  	[sflag:s20] =	ssyncadd.s32 $0xFFFFF100  }
0x24: {  	_ =	swait.ge [sflag:s21], $0x800  }
0x25: {  	[sflag:s21] =	ssyncset.done $0x0  }
0x26: {  	[sflag:s21] =	ssyncadd.s32 $0xFFFFF800  }
0x27: {  	_ =	swait.ge [sflag:s21], $0x800  }
.Ltmp2:
0x28: {  	[sflag:s21] =	ssyncset.done $0x0;
	(pc) =	sbr.rel .LBB2_2-.Ltmp2, $4  }
0x29: {  	[sflag:s21] =	ssyncadd.s32 $0xFFFFF800  }
0x2a: {  	[tilespmem:s23], [sflag:$0x1] =	stream.indirect.gather [hbm4b:s5+s22], $0x30, s4, s22, $0xb8;
	[tilespmem:$0xC800] =	vst v63  }
0x2b: {  	[bflag:$0x0] =	sbarrier.arrive $0xFFFF  }
0x2c: {  	s26 =	simm.s32 $0x0  }
.LBB2_3:
0x2d: {  	s29 =	sadd.s32 $0x1, s28  }
0x2e: {  	s30 =	sshll.u32 s29, $0xB  }
0x2f: {  	s30 =	sadd.s32 s8, s30  }
0x30: {  	s29 =	sand.u32 $0x1, s29;
	s30 =	sshrl.u32 s30, $0x3  }
0x31: {  	s31 =	sadd.s32 $0x3, s29;
	s29 =	sshll.u32 s29, $0xB;
	s0 =	sadd.s32 s6, s30  }
0x32: {  	[tilespmem:s29], [sflag:s31] =	stream.linear.gather [hbm4b:s0+s4], $0x800, $0x38;
	[tilespmem:$0xC800] =	vst v63  }
0x33: {  	s16 =	sor.u32 $0x1000, s29;
	s29 =	sadd.s32 s1, s30  }
0x34: {  	[tilespmem:s16], [sflag:s31] =	stream.linear.gather [hbm4b:s29+s4], $0x800, $0x38;
	[tilespmem:$0xC800] =	vst v63  }
0x35: {  	s30 =	smov.u32 s28;
	s29 =	sor.u32 $0x1, s26  }
.LBB2_6:
0x36: {  	s0 =	sand.u32 $0xF, s29  }
0x37: {  	s30 =	sand.u32 $0x1, s30;
	p0 =	sne.s32 s0, $0x0  }
0x38: {  	s31 =	sadd.s32 @!p0 $0x3, s30  }
0x39: {  	_ =	swait.ge @!p0 [sflag:s31], $0x800  }
0x3a: {  	s2 =	sand.u32 $0x1, s29;
	[sflag:s31] =	ssyncset.done @!p0 $0x0  }
0x3b: {  	s16 =	smul.u32 $0x6000, s2;
	[sflag:s31] =	ssyncadd.s32 @!p0 $0xFFFFF800  }
0x3c: {  	s0 =	sshll.u32 s0, $0x7;
	s2 =	sadd.s32 $0x1, s2;
	_ =	swait.ge @!p0 [sflag:s31], $0x800  }
0x3d: {  	s30 =	sshll.u32 s30, $0xB;
	s16 =	sshrl.u32 s16, $0x2;
	[sflag:s31] =	ssyncset.done @!p0 $0x0  }
0x3e: {  	s0 =	sor.u32 s0, s30;
	s16 =	sor.u32 $0x2000, s16;
	[sflag:s31] =	ssyncadd.s32 @!p0 $0xFFFFF800  }
0x3f: {  	[tilespmem:s16], [sflag:s2] =	stream.indirect.gather [hbm4b:s5+s22], $0x30, s0, s22, $0xb8;
	[tilespmem:$0xC800] =	vst v63  }
.LBB2_7:
0x40: {  	s0 =	sand.u32 $0x1, s26;
	s16 =	sshll.u32 s28, $0xB;
	s25 =	sshll.u32 s25, $0x7  }
0x41: {  	s2 =	sadd.s32 $0x1, s0;
	s0 =	smul.u32 $0x6000, s0;
	s16 =	sand.u32 $0x800, s16  }
0x42: {  	p0 =	slt.u32 s29, $0x50;
	_ =	swait.ge [sflag:s2], $0x1800;
	s16 =	sor.u32 s25, s16  }
0x43: {  	s0 =	sshrl.u32 s0, $0x2;
	[sflag:s2] =	ssyncset.done $0x0;
	s31 =	sor.u32 $0x1000, s16  }
.Ltmp3:
0x44: {  	s0 =	sor.u32 $0x2000, s0;
	[sflag:s2] =	ssyncadd.s32 $0xFFFFE800;
	(pc) =	sbr.rel @!p0 .LBB2_8-.Ltmp3, $4  }
0x45: {  	[spmem:s3] =	stream.indirect.scatter.add.f32 [tilespmem:s0], [sflag:$0x5], $0x30, s31, s22, $0xb8;
	[tilespmem:$0xC800] =	vst v63  }
0x46: {  	_ =	swait.ge [sflag:s20], $0x1800  }
0x47: {  	[sflag:s20] =	ssyncset.done $0x0  }
0x48: {  	s26 =	smov.u32 s29;
	[sflag:s20] =	ssyncadd.s32 $0xFFFFE800  }
.LBB2_2:
0x49: {  	s25 =	sand.u32 $0xF, s26  }
0x4a: {  	s28 =	sadd.s32 $0xFFFFFFF0, s26;
	p0 =	sne.s32 s25, $0x0  }
0x4b: {  	p1 =	sgt.u32 @!p0 s28, $0x2F  }
0x4c: {  	p0 =	por p0, p1  }
.Ltmp4:
0x4d: {  	_ = 	snop;
	(pc) =	sbr.rel @!p0 .LBB2_3-.Ltmp4, $2  }
0x4e: {  	_ =	sdelay $0x2  }
0x4f: {  	s28 =	sshrl.u32 s26, $0x4  }
0x50: {  	p0 =	seq.s32 s26, $0x4F  }
.Ltmp5:
0x51: {  	_ = 	snop;
	(pc) =	sbr.rel @p0 .LBB2_7-.Ltmp5, $2  }
0x52: {  	_ =	sdelay $0x2  }
0x53: {  	s29 =	simm.s32 $0x50  }
.Ltmp6:
0x54: {  	(pc) =	sbr.rel .LBB2_6-.Ltmp6, $3  }
0x55: {  	_ =	sdelay $0x1  }
0x56: {  	s29 =	sadd.s32 $0x1, s26  }
0x57: {  	s30 =	sshrl.u32 s29, $0x4  }
.LBB2_9:
0x58: {  	_ =	sfence.sel $0x180000  }
0x59: {  	[bflag:$0x0] =	sbarrier.arrive $0xFFFF  }
0x5a: {  	_ =	strace $0x90000053  }
0x5b: {  	s0 =	stileid.u32;
	[bflag:$0x2] =	sbarrier.arrive $0xFFFF  }
0x5c: {  	p0 =	sne.s32 s0, $0x0;
	s0 =	rddreg [dreg:$0x3]  }
0x5d: {  	s0 =	sadd.s32 @!p0 $0x100000, s0  }
0x5e: {  	[sflag:s0] =	ssyncadd.tile.s32 @!p0 $0x1;
	_ =	shalt  }
.Lfunc_end2:
_tile_overlayer_lowered:
.L_overlay_start_2:
0x5f: {  	(tag) =	ssettag $0x2  }
0x60: {  	s0 =	rddreg [dreg:$0x0];
	s2 =	stileid.u32  }
0x61: {  	s1 =	rddreg [dreg:$0x1];
	p0 =	sne.s32 s2, $0x0  }
0x62: {  	s3 =	rddreg [dreg:$0x2];
	[bflag:$0x3] =	sbarrier.arrive $0xFFFF;
	s2 =	simm.s32 @!p0 $0x1C05  }
0x63: {  	[timem:s3], [sflag:s2] =	dma.local @!p0 [hbm:s0], s1  }
0x64: {  	s0 =	simm.s32 @!p0 $0x5  }
0x65: {  	_ =	swait.ge @!p0 [sflag:s0], s1  }
0x66: {  	s1 =	ssub.s32 @!p0 $0x0, s1;
	[sflag:s0] =	ssyncset.done @!p0 $0x0  }
0x67: {  	[sflag:s0] =	ssyncadd.s32 @!p0 s1  }
0x68: {  	[bflag:$0x3] =	sbarrier.arrive $0xFFFF  }
0x69: {  	_ =	shalt  }

</sc_bundles>
